<compile_context>
chip_gen: v7x
topology: tpu7x:2x2x1
jax: 0.10.2.dev20260603
libtpu: 0.0.44.dev20260713+nightly
codegen_flags: <defaults>
</compile_context>

<pallas_src>
import functools

import jax
import jax.numpy as jnp
from jax import lax
from jax.experimental import pallas as pl
from jax.experimental.pallas import tpu as pltpu
from jax.experimental.pallas import tpu_sc as plsc

B = 16384
F_DENSE = 13
F = 26
V = 100000
D = 16
NC = 2
NS = 16
HB = B // NC
G = HB // D


def _bi_sc_kernel(idx_hbm, tt_hbm, s1_hbm, s2_hbm,
                  row_v, idx_v, s1_v, s2_v, sem):
    h = lax.axis_index("c")
    c = lax.axis_index("s")
    hbase = h * HB

    for f in range(F):
        cp_row = pltpu.async_copy(tt_hbm.at[f, c, :], row_v, sem)
        pltpu.sync_copy(idx_hbm.at[f, pl.ds(hbase, HB)], idx_v)
        cp_row.wait()

        if f == 0:
            def body0(g, _):
                sl = pl.ds(g * D, D)
                x = plsc.load_gather(row_v, [idx_v[sl]])
                s1_v[sl] = x
                s2_v[sl] = x * x
                return 0
            lax.fori_loop(0, G, body0, 0)
        else:
            def body(g, _):
                sl = pl.ds(g * D, D)
                x = plsc.load_gather(row_v, [idx_v[sl]])
                s1_v[sl] = s1_v[sl] + x
                s2_v[sl] = s2_v[sl] + x * x
                return 0
            lax.fori_loop(0, G, body, 0)

    pltpu.sync_copy(s1_v, s1_hbm.at[c, pl.ds(hbase, HB)])
    pltpu.sync_copy(s2_v, s2_hbm.at[c, pl.ds(hbase, HB)])


@functools.cache
def _bi_call():
    return pl.kernel(
        _bi_sc_kernel,
        mesh=plsc.VectorSubcoreMesh(
            core_axis_name="c", subcore_axis_name="s", num_cores=NC),
        compiler_params=pltpu.CompilerParams(
            use_tc_tiling_on_sc=True, needs_layout_passes=False),
        out_type=[
            jax.ShapeDtypeStruct((D, B), jnp.float32),
            jax.ShapeDtypeStruct((D, B), jnp.float32),
        ],
        scratch_types=[
            pltpu.VMEM((V,), jnp.float32),
            pltpu.VMEM((HB,), jnp.int32),
            pltpu.VMEM((HB,), jnp.float32),
            pltpu.VMEM((HB,), jnp.float32),
            pltpu.SemaphoreType.DMA,
        ],
    )


def _stats_body(d_ref, s1_ref, s2_ref, od_ref, ob_ref):
    x = d_ref[...]
    od_ref[...] = jnp.concatenate(
        [jnp.sum(x, axis=0, keepdims=True),
         jnp.sum(x * x, axis=0, keepdims=True)], axis=0)
    bi = 0.5 * (s1_ref[...] * s1_ref[...] - s2_ref[...])
    ob_ref[...] = jnp.concatenate(
        [jnp.sum(bi, axis=1, keepdims=True),
         jnp.sum(bi * bi, axis=1, keepdims=True)], axis=1)


def _mlp_body(dense_ref, s1_ref, s2_ref, dstat_ref, bstat_ref,
              gd_ref, gb_ref, bd_ref, bb_ref,
              w1d_ref, w1b_ref, b1_ref, w2_ref, b2_ref, w3_ref, b3_ref,
              wo_ref, bo_ref, o_ref):
    hp = jax.lax.Precision.HIGHEST
    inv_b = 1.0 / B
    dstat = dstat_ref[...]
    bstat = bstat_ref[...]
    md = dstat[0:1] * inv_b
    vd = dstat[1:2] * inv_b - md * md
    mb = bstat[:, 0:1] * inv_b
    vb = bstat[:, 1:2] * inv_b - mb * mb
    rd = lax.rsqrt(vd + 1e-3) * gd_ref[...]
    rb = lax.rsqrt(vb + 1e-3) * gb_ref[...].reshape(D, 1)
    xd = (dense_ref[...] - md) * rd + bd_ref[...]
    bi_c = 0.5 * (s1_ref[...] * s1_ref[...] - s2_ref[...])
    xb_c = (bi_c - mb) * rb + bb_ref[...].reshape(D, 1)
    h = jnp.dot(xd, w1d_ref[...], precision=hp) \
        + lax.dot_general(xb_c, w1b_ref[...], (((0,), (0,)), ((), ())),
                          precision=hp) + b1_ref[...]
    h = jnp.maximum(h, 0.0)
    h = jnp.maximum(jnp.dot(h, w2_ref[...], precision=hp) + b2_ref[...], 0.0)
    h = jnp.maximum(jnp.dot(h, w3_ref[...], precision=hp) + b3_ref[...], 0.0)
    o_ref[...] = jax.nn.sigmoid(jnp.dot(h, wo_ref[...], precision=hp)
                                + bo_ref[...])


def kernel(dense_inputs, sparse_inputs, tables, gamma, beta,
           W1, b1, W2, b2, W3, b3, Wout, bout):
    s1, s2 = _bi_call()(sparse_inputs.T, tables.transpose(0, 2, 1))

    dstats, bstats = pl.pallas_call(
        _stats_body,
        out_shape=[jax.ShapeDtypeStruct((2, F_DENSE), jnp.float32),
                   jax.ShapeDtypeStruct((D, 2), jnp.float32)],
    )(dense_inputs, s1, s2)

    BLK = 2048
    grid = B // BLK
    full = lambda shape: pl.BlockSpec(shape, lambda i: tuple(0 for _ in shape))

    out = pl.pallas_call(
        _mlp_body,
        grid=(grid,),
        in_specs=[
            pl.BlockSpec((BLK, F_DENSE), lambda i: (i, 0)),
            pl.BlockSpec((D, BLK), lambda i: (0, i)),
            pl.BlockSpec((D, BLK), lambda i: (0, i)),
            full((2, F_DENSE)),
            full((D, 2)),
            full((1, F_DENSE)),
            full((1, D)),
            full((1, F_DENSE)),
            full((1, D)),
            full((F_DENSE, 256)),
            full((D, 256)),
            full((1, 256)),
            full((256, 128)),
            full((1, 128)),
            full((128, 64)),
            full((1, 64)),
            full((64, 1)),
            full((1, 1)),
        ],
        out_specs=pl.BlockSpec((BLK, 1), lambda i: (i, 0)),
        out_shape=jax.ShapeDtypeStruct((B, 1), jnp.float32),
    )(
        dense_inputs, s1, s2, dstats, bstats,
        gamma[:F_DENSE].reshape(1, F_DENSE), gamma[F_DENSE:].reshape(1, D),
        beta[:F_DENSE].reshape(1, F_DENSE), beta[F_DENSE:].reshape(1, D),
        W1[:F_DENSE], W1[F_DENSE:], b1.reshape(1, 256),
        W2, b2.reshape(1, 128),
        W3, b3.reshape(1, 64),
        Wout, bout.reshape(1, 1),
    )
    return out

# --- scband reference (transcript-rebuilt; emitter-appended) ---
"""Pipeline reference for scband-nfm-32908039422143 (READ-ONLY COPY).

The authoritative reference and input builder live on the scoring server;
editing this copy changes nothing except your own understanding.
"""

import jax, jax.numpy as jnp
import numpy as np

B = 16384
F_DENSE = 13
F_SPARSE = 26
V = 100000
D = 16
D_IN = F_DENSE + D  # 29
HID = [256, 128, 64]


def setup_inputs(seed: int = 0) -> dict:
    key = jax.random.key(seed)
    ks = jax.random.split(key, 12)
    dense_inputs = jax.random.normal(ks[0], (B, F_DENSE), dtype=jnp.float32)
    sparse_inputs = jax.random.randint(ks[1], (B, F_SPARSE), 0, V, dtype=jnp.int32)
    # embedding tables, random_uniform init like keras ('random_uniform' ~ U(-0.05, 0.05))
    tables = (jax.random.uniform(ks[2], (F_SPARSE, V, D), dtype=jnp.float32) - 0.5) * 0.1
    gamma = jnp.ones((D_IN,), dtype=jnp.float32)
    beta = jnp.zeros((D_IN,), dtype=jnp.float32)
    W1 = jax.random.normal(ks[3], (D_IN, HID[0]), dtype=jnp.float32) * 0.05
    b1 = jnp.zeros((HID[0],), dtype=jnp.float32)
    W2 = jax.random.normal(ks[4], (HID[0], HID[1]), dtype=jnp.float32) * 0.05
    b2 = jnp.zeros((HID[1],), dtype=jnp.float32)
    W3 = jax.random.normal(ks[5], (HID[1], HID[2]), dtype=jnp.float32) * 0.05
    b3 = jnp.zeros((HID[2],), dtype=jnp.float32)
    Wout = jax.random.normal(ks[6], (HID[2], 1), dtype=jnp.float32) * 0.05
    bout = jnp.zeros((1,), dtype=jnp.float32)
    return {
        "dense_inputs": dense_inputs,
        "sparse_inputs": sparse_inputs,
        "tables": tables,
        "gamma": gamma,
        "beta": beta,
        "W1": W1, "b1": b1,
        "W2": W2, "b2": b2,
        "W3": W3, "b3": b3,
        "Wout": Wout, "bout": bout,
    }


def reference(dense_inputs, sparse_inputs, tables, gamma, beta, W1, b1, W2, b2, W3, b3, Wout, bout):
    # per-field embedding lookup: tables[f][sparse_inputs[:, f]] -> [B, F_SPARSE, D]
    field_idx = jnp.arange(F_SPARSE)[None, :]
    embed = tables[field_idx, sparse_inputs]
    # Bi-Interaction pooling: 0.5 * ((sum e)^2 - sum e^2) over field axis
    sum_e = jnp.sum(embed, axis=1)
    sum_sq = jnp.sum(embed * embed, axis=1)
    bi = 0.5 * (sum_e * sum_e - sum_sq)  # [B, D]
    x = jnp.concatenate([dense_inputs, bi], axis=-1)  # [B, 29]
    # BatchNormalization with training=True (batch statistics), keras eps=1e-3
    mean = jnp.mean(x, axis=0)
    var = jnp.var(x, axis=0)
    x = (x - mean) / jnp.sqrt(var + 1e-3) * gamma + beta
    # DNN: relu layers, dropout=0.0
    x = jax.nn.relu(x @ W1 + b1)
    x = jax.nn.relu(x @ W2 + b2)
    x = jax.nn.relu(x @ W3 + b3)
    out = jax.nn.sigmoid(x @ Wout + bout)  # [B, 1]
    return out

if __name__ == "__main__":
    import jax
    _d = setup_inputs()
    print(jax.jit(kernel)(*tuple(_d.values())))

</pallas_src>

<mosaic_0001>
#map = affine_map<(d0, d1) -> (0, 0)>
#map1 = affine_map<(d0, d1) -> (0, 0, 0)>
module attributes {stable_mosaic.version = 14 : i64} {
  func.func @_bi_sc_kernel(%arg0: i32, %arg1: i32, %arg2: memref<26x16384xi32, #tpu.memory_space<hbm>>, %arg3: memref<26x16x100000xf32, #tpu.memory_space<hbm>>, %arg4: memref<16x16384xf32, #tpu.memory_space<hbm>>, %arg5: memref<16x16384xf32, #tpu.memory_space<hbm>>, %arg6: memref<100000xf32, #tpu.memory_space<vmem>>, %arg7: memref<8192xi32, #tpu.memory_space<vmem>>, %arg8: memref<8192xf32, #tpu.memory_space<vmem>>, %arg9: memref<8192xf32, #tpu.memory_space<vmem>>, %arg10: memref<!tpu.dma_semaphore, #tpu.memory_space<semaphore_mem>>) attributes {dimension_semantics = [#tpu.dimension_semantics<core_parallel>, #tpu.dimension_semantics<subcore_parallel>], iteration_bounds = array<i64: 2, 16>, scalar_prefetch = 0 : i64, scratch_operands = 5 : i64, tpu.core_type = #tpu.core_type<sc_vector_subcore>, window_params = [{transform_indices = #map}, {transform_indices = #map1}, {transform_indices = #map}, {transform_indices = #map}]} {
    %mul3A = arith.constant 8192 : i32
    %mul3A_0 = arith.muli %arg0, %mul3A : i32
    %dma_start3A = arith.constant 0 : i32
    %dma_start3A_1 = arith.constant 0 : i32
    %dma_start3A_2 = tpu.memref_slice %arg3[%dma_start3A, %arg1, %dma_start3A_1] : memref<26x16x100000xf32, #tpu.memory_space<hbm>> -> memref<1x1x100000xf32, #tpu.memory_space<hbm>>
    %dma_start3A_3 = tpu.memref_squeeze %dma_start3A_2 : memref<1x1x100000xf32, #tpu.memory_space<hbm>> -> memref<100000xf32, #tpu.memory_space<hbm>>
    %dma_start3A_4 = arith.constant 0 : i32
    %dma_start3A_5 = tpu.memref_slice %arg3[%dma_start3A, %arg1, %dma_start3A_4] : memref<26x16x100000xf32, #tpu.memory_space<hbm>> -> memref<1x1x100000xf32, #tpu.memory_space<hbm>>
    %dma_start3A_6 = tpu.memref_squeeze %dma_start3A_5 : memref<1x1x100000xf32, #tpu.memory_space<hbm>> -> memref<100000xf32, #tpu.memory_space<hbm>>
    tpu.enqueue_dma source(%dma_start3A_6 : memref<100000xf32, #tpu.memory_space<hbm>>) target(%arg6 : memref<100000xf32, #tpu.memory_space<vmem>>) target_semaphore(%arg10 : memref<!tpu.dma_semaphore, #tpu.memory_space<semaphore_mem>>)
    %run_scoped3A = arith.constant 0 : i32
    "tpu.region"() ({
      %run_scoped3A_569 = tpu.sem_alloc : memref<!tpu.dma_semaphore, #tpu.memory_space<semaphore_mem>>
      %dma_start3A_570 = tpu.memref_slice %arg2[%run_scoped3A, %mul3A_0] : memref<26x16384xi32, #tpu.memory_space<hbm>> -> memref<1x8192xi32, #tpu.memory_space<hbm>>
      %dma_start3A_571 = tpu.memref_squeeze %dma_start3A_570 : memref<1x8192xi32, #tpu.memory_space<hbm>> -> memref<8192xi32, #tpu.memory_space<hbm>>
      %dma_start3A_572 = tpu.memref_slice %arg2[%run_scoped3A, %mul3A_0] : memref<26x16384xi32, #tpu.memory_space<hbm>> -> memref<1x8192xi32, #tpu.memory_space<hbm>>
      %dma_start3A_573 = tpu.memref_squeeze %dma_start3A_572 : memref<1x8192xi32, #tpu.memory_space<hbm>> -> memref<8192xi32, #tpu.memory_space<hbm>>
      tpu.enqueue_dma source(%dma_start3A_573 : memref<8192xi32, #tpu.memory_space<hbm>>) target(%arg7 : memref<8192xi32, #tpu.memory_space<vmem>>) target_semaphore(%run_scoped3A_569 : memref<!tpu.dma_semaphore, #tpu.memory_space<semaphore_mem>>)
      %dma_wait3A_574 = tpu.memref_slice %arg2[%run_scoped3A, %mul3A_0] : memref<26x16384xi32, #tpu.memory_space<hbm>> -> memref<1x8192xi32, #tpu.memory_space<hbm>>
      %dma_wait3A_575 = tpu.memref_squeeze %dma_wait3A_574 : memref<1x8192xi32, #tpu.memory_space<hbm>> -> memref<8192xi32, #tpu.memory_space<hbm>>
      %dma_wait3A_576 = tpu.memref_slice %arg2[%run_scoped3A, %mul3A_0] : memref<26x16384xi32, #tpu.memory_space<hbm>> -> memref<1x8192xi32, #tpu.memory_space<hbm>>
      %dma_wait3A_577 = tpu.memref_squeeze %dma_wait3A_576 : memref<1x8192xi32, #tpu.memory_space<hbm>> -> memref<8192xi32, #tpu.memory_space<hbm>>
      tpu.wait_dma2 semaphore(%run_scoped3A_569 : memref<!tpu.dma_semaphore, #tpu.memory_space<semaphore_mem>>) src(%dma_wait3A_577 : memref<8192xi32, #tpu.memory_space<hbm>>) dst(%arg7 : memref<8192xi32, #tpu.memory_space<vmem>>)
      tpu.yield
    }) : () -> ()
    %dma_wait3A = arith.constant 0 : i32
    %dma_wait3A_7 = arith.constant 0 : i32
    %dma_wait3A_8 = tpu.memref_slice %arg3[%dma_wait3A, %arg1, %dma_wait3A_7] : memref<26x16x100000xf32, #tpu.memory_space<hbm>> -> memref<1x1x100000xf32, #tpu.memory_space<hbm>>
    %dma_wait3A_9 = tpu.memref_squeeze %dma_wait3A_8 : memref<1x1x100000xf32, #tpu.memory_space<hbm>> -> memref<100000xf32, #tpu.memory_space<hbm>>
    %dma_wait3A_10 = arith.constant 0 : i32
    %dma_wait3A_11 = tpu.memref_slice %arg3[%dma_wait3A, %arg1, %dma_wait3A_10] : memref<26x16x100000xf32, #tpu.memory_space<hbm>> -> memref<1x1x100000xf32, #tpu.memory_space<hbm>>
    %dma_wait3A_12 = tpu.memref_squeeze %dma_wait3A_11 : memref<1x1x100000xf32, #tpu.memory_space<hbm>> -> memref<100000xf32, #tpu.memory_space<hbm>>
    tpu.wait_dma2 semaphore(%arg10 : memref<!tpu.dma_semaphore, #tpu.memory_space<semaphore_mem>>) src(%dma_wait3A_12 : memref<100000xf32, #tpu.memory_space<hbm>>) dst(%arg6 : memref<100000xf32, #tpu.memory_space<vmem>>)
    %scan3A = arith.constant 0 : i32
    %scan3A_13 = arith.constant 0 : i32
    %scan3A_14 = arith.constant 512 : i32
    %scan3A_15 = arith.addi %scan3A_13, %scan3A_14 : i32
    %scan3A_16 = arith.constant 1 : i32
    %scan3A_17 = scf.for %scan3A_569 = %scan3A_13 to %scan3A_15 step %scan3A_16 iter_args(%scan3A_570 = %scan3A) -> (i32)  : i32 {
      %mul3A_571 = arith.constant 16 : i32
      %mul3A_572 = arith.muli %scan3A_569, %mul3A_571 : i32
      %get3A = arith.index_cast %mul3A_572 : i32 to index
      %get3A_573 = tpu.vector_load %arg7[%get3A] {strides = array<i32>} : memref<8192xi32, #tpu.memory_space<vmem>>, vector<16xi32>,
      %gather3A = tpu.vector_load_idx %arg6[%get3A_573] : memref<100000xf32, #tpu.memory_space<vmem>>[vector<16xi32>], vector<16xf32>,
      %swap3A = arith.index_cast %mul3A_572 : i32 to index
      %swap3A_574 = tpu.vector_load %arg8[%swap3A] {strides = array<i32>} : memref<8192xf32, #tpu.memory_space<vmem>>, vector<16xf32>,
      tpu.vector_store %arg8[%swap3A], %gather3A {strides = array<i32>} : memref<8192xf32, #tpu.memory_space<vmem>>, vector<16xf32>,
      %mul3A_575 = arith.mulf %gather3A, %gather3A : vector<16xf32>
      %swap3A_576 = arith.index_cast %mul3A_572 : i32 to index
      %swap3A_577 = tpu.vector_load %arg9[%swap3A_576] {strides = array<i32>} : memref<8192xf32, #tpu.memory_space<vmem>>, vector<16xf32>,
      tpu.vector_store %arg9[%swap3A_576], %mul3A_575 {strides = array<i32>} : memref<8192xf32, #tpu.memory_space<vmem>>, vector<16xf32>,
      %scan3A_578 = arith.constant 0 : i32
      scf.yield %scan3A_578 : i32
    }
    %scan3A_18 = arith.constant 512 : i32
    %dma_start3A_19 = arith.constant 1 : i32
    %dma_start3A_20 = arith.constant 0 : i32
    %dma_start3A_21 = tpu.memref_slice %arg3[%dma_start3A_19, %arg1, %dma_start3A_20] : memref<26x16x100000xf32, #tpu.memory_space<hbm>> -> memref<1x1x100000xf32, #tpu.memory_space<hbm>>
    %dma_start3A_22 = tpu.memref_squeeze %dma_start3A_21 : memref<1x1x100000xf32, #tpu.memory_space<hbm>> -> memref<100000xf32, #tpu.memory_space<hbm>>
    %dma_start3A_23 = arith.constant 0 : i32
    %dma_start3A_24 = tpu.memref_slice %arg3[%dma_start3A_19, %arg1, %dma_start3A_23] : memref<26x16x100000xf32, #tpu.memory_space<hbm>> -> memref<1x1x100000xf32, #tpu.memory_space<hbm>>
    %dma_start3A_25 = tpu.memref_squeeze %dma_start3A_24 : memref<1x1x100000xf32, #tpu.memory_space<hbm>> -> memref<100000xf32, #tpu.memory_space<hbm>>
    tpu.enqueue_dma source(%dma_start3A_25 : memref<100000xf32, #tpu.memory_space<hbm>>) target(%arg6 : memref<100000xf32, #tpu.memory_space<vmem>>) target_semaphore(%arg10 : memref<!tpu.dma_semaphore, #tpu.memory_space<semaphore_mem>>)
    %run_scoped3A_26 = arith.constant 1 : i32
    "tpu.region"() ({
      %run_scoped3A_569 = tpu.sem_alloc : memref<!tpu.dma_semaphore, #tpu.memory_space<semaphore_mem>>
      %dma_start3A_570 = tpu.memref_slice %arg2[%run_scoped3A_26, %mul3A_0] : memref<26x16384xi32, #tpu.memory_space<hbm>> -> memref<1x8192xi32, #tpu.memory_space<hbm>>
      %dma_start3A_571 = tpu.memref_squeeze %dma_start3A_570 : memref<1x8192xi32, #tpu.memory_space<hbm>> -> memref<8192xi32, #tpu.memory_space<hbm>>
      %dma_start3A_572 = tpu.memref_slice %arg2[%run_scoped3A_26, %mul3A_0] : memref<26x16384xi32, #tpu.memory_space<hbm>> -> memref<1x8192xi32, #tpu.memory_space<hbm>>
      %dma_start3A_573 = tpu.memref_squeeze %dma_start3A_572 : memref<1x8192xi32, #tpu.memory_space<hbm>> -> memref<8192xi32, #tpu.memory_space<hbm>>
      tpu.enqueue_dma source(%dma_start3A_573 : memref<8192xi32, #tpu.memory_space<hbm>>) target(%arg7 : memref<8192xi32, #tpu.memory_space<vmem>>) target_semaphore(%run_scoped3A_569 : memref<!tpu.dma_semaphore, #tpu.memory_space<semaphore_mem>>)
      %dma_wait3A_574 = tpu.memref_slice %arg2[%run_scoped3A_26, %mul3A_0] : memref<26x16384xi32, #tpu.memory_space<hbm>> -> memref<1x8192xi32, #tpu.memory_space<hbm>>
      %dma_wait3A_575 = tpu.memref_squeeze %dma_wait3A_574 : memref<1x8192xi32, #tpu.memory_space<hbm>> -> memref<8192xi32, #tpu.memory_space<hbm>>
      %dma_wait3A_576 = tpu.memref_slice %arg2[%run_scoped3A_26, %mul3A_0] : memref<26x16384xi32, #tpu.memory_space<hbm>> -> memref<1x8192xi32, #tpu.memory_space<hbm>>
      %dma_wait3A_577 = tpu.memref_squeeze %dma_wait3A_576 : memref<1x8192xi32, #tpu.memory_space<hbm>> -> memref<8192xi32, #tpu.memory_space<hbm>>
      tpu.wait_dma2 semaphore(%run_scoped3A_569 : memref<!tpu.dma_semaphore, #tpu.memory_space<semaphore_mem>>) src(%dma_wait3A_577 : memref<8192xi32, #tpu.memory_space<hbm>>) dst(%arg7 : memref<8192xi32, #tpu.memory_space<vmem>>)
      tpu.yield
    }) : () -> ()
    %dma_wait3A_27 = arith.constant 1 : i32
    %dma_wait3A_28 = arith.constant 0 : i32
    %dma_wait3A_29 = tpu.memref_slice %arg3[%dma_wait3A_27, %arg1, %dma_wait3A_28] : memref<26x16x100000xf32, #tpu.memory_space<hbm>> -> memref<1x1x100000xf32, #tpu.memory_space<hbm>>
    %dma_wait3A_30 = tpu.memref_squeeze %dma_wait3A_29 : memref<1x1x100000xf32, #tpu.memory_space<hbm>> -> memref<100000xf32, #tpu.memory_space<hbm>>
    %dma_wait3A_31 = arith.constant 0 : i32
    %dma_wait3A_32 = tpu.memref_slice %arg3[%dma_wait3A_27, %arg1, %dma_wait3A_31] : memref<26x16x100000xf32, #tpu.memory_space<hbm>> -> memref<1x1x100000xf32, #tpu.memory_space<hbm>>
    %dma_wait3A_33 = tpu.memref_squeeze %dma_wait3A_32 : memref<1x1x100000xf32, #tpu.memory_space<hbm>> -> memref<100000xf32, #tpu.memory_space<hbm>>
    tpu.wait_dma2 semaphore(%arg10 : memref<!tpu.dma_semaphore, #tpu.memory_space<semaphore_mem>>) src(%dma_wait3A_33 : memref<100000xf32, #tpu.memory_space<hbm>>) dst(%arg6 : memref<100000xf32, #tpu.memory_space<vmem>>)
    %scan3A_34 = arith.constant 0 : i32
    %scan3A_35 = arith.constant 0 : i32
    %scan3A_36 = arith.constant 512 : i32
    %scan3A_37 = arith.addi %scan3A_35, %scan3A_36 : i32
    %scan3A_38 = arith.constant 1 : i32
    %scan3A_39 = scf.for %scan3A_569 = %scan3A_35 to %scan3A_37 step %scan3A_38 iter_args(%scan3A_570 = %scan3A_34) -> (i32)  : i32 {
      %mul3A_571 = arith.constant 16 : i32
      %mul3A_572 = arith.muli %scan3A_569, %mul3A_571 : i32
      %get3A = arith.index_cast %mul3A_572 : i32 to index
      %get3A_573 = tpu.vector_load %arg7[%get3A] {strides = array<i32>} : memref<8192xi32, #tpu.memory_space<vmem>>, vector<16xi32>,
      %gather3A = tpu.vector_load_idx %arg6[%get3A_573] : memref<100000xf32, #tpu.memory_space<vmem>>[vector<16xi32>], vector<16xf32>,
      %get3A_574 = arith.index_cast %mul3A_572 : i32 to index
      %get3A_575 = tpu.vector_load %arg8[%get3A_574] {strides = array<i32>} : memref<8192xf32, #tpu.memory_space<vmem>>, vector<16xf32>,
      %add3A = arith.addf %get3A_575, %gather3A : vector<16xf32>
      %swap3A = arith.index_cast %mul3A_572 : i32 to index
      %swap3A_576 = tpu.vector_load %arg8[%swap3A] {strides = array<i32>} : memref<8192xf32, #tpu.memory_space<vmem>>, vector<16xf32>,
      tpu.vector_store %arg8[%swap3A], %add3A {strides = array<i32>} : memref<8192xf32, #tpu.memory_space<vmem>>, vector<16xf32>,
      %get3A_577 = arith.index_cast %mul3A_572 : i32 to index
      %get3A_578 = tpu.vector_load %arg9[%get3A_577] {strides = array<i32>} : memref<8192xf32, #tpu.memory_space<vmem>>, vector<16xf32>,
      %mul3A_579 = arith.mulf %gather3A, %gather3A : vector<16xf32>
      %add3A_580 = arith.addf %get3A_578, %mul3A_579 : vector<16xf32>
      %swap3A_581 = arith.index_cast %mul3A_572 : i32 to index
      %swap3A_582 = tpu.vector_load %arg9[%swap3A_581] {strides = array<i32>} : memref<8192xf32, #tpu.memory_space<vmem>>, vector<16xf32>,
      tpu.vector_store %arg9[%swap3A_581], %add3A_580 {strides = array<i32>} : memref<8192xf32, #tpu.memory_space<vmem>>, vector<16xf32>,
      %scan3A_583 = arith.constant 0 : i32
      scf.yield %scan3A_583 : i32
    }
    %scan3A_40 = arith.constant 512 : i32
    %dma_start3A_41 = arith.constant 2 : i32
    %dma_start3A_42 = arith.constant 0 : i32
    %dma_start3A_43 = tpu.memref_slice %arg3[%dma_start3A_41, %arg1, %dma_start3A_42] : memref<26x16x100000xf32, #tpu.memory_space<hbm>> -> memref<1x1x100000xf32, #tpu.memory_space<hbm>>
    %dma_start3A_44 = tpu.memref_squeeze %dma_start3A_43 : memref<1x1x100000xf32, #tpu.memory_space<hbm>> -> memref<100000xf32, #tpu.memory_space<hbm>>
    %dma_start3A_45 = arith.constant 0 : i32
    %dma_start3A_46 = tpu.memref_slice %arg3[%dma_start3A_41, %arg1, %dma_start3A_45] : memref<26x16x100000xf32, #tpu.memory_space<hbm>> -> memref<1x1x100000xf32, #tpu.memory_space<hbm>>
    %dma_start3A_47 = tpu.memref_squeeze %dma_start3A_46 : memref<1x1x100000xf32, #tpu.memory_space<hbm>> -> memref<100000xf32, #tpu.memory_space<hbm>>
    tpu.enqueue_dma source(%dma_start3A_47 : memref<100000xf32, #tpu.memory_space<hbm>>) target(%arg6 : memref<100000xf32, #tpu.memory_space<vmem>>) target_semaphore(%arg10 : memref<!tpu.dma_semaphore, #tpu.memory_space<semaphore_mem>>)
    %run_scoped3A_48 = arith.constant 2 : i32
    "tpu.region"() ({
      %run_scoped3A_569 = tpu.sem_alloc : memref<!tpu.dma_semaphore, #tpu.memory_space<semaphore_mem>>
      %dma_start3A_570 = tpu.memref_slice %arg2[%run_scoped3A_48, %mul3A_0] : memref<26x16384xi32, #tpu.memory_space<hbm>> -> memref<1x8192xi32, #tpu.memory_space<hbm>>
      %dma_start3A_571 = tpu.memref_squeeze %dma_start3A_570 : memref<1x8192xi32, #tpu.memory_space<hbm>> -> memref<8192xi32, #tpu.memory_space<hbm>>
      %dma_start3A_572 = tpu.memref_slice %arg2[%run_scoped3A_48, %mul3A_0] : memref<26x16384xi32, #tpu.memory_space<hbm>> -> memref<1x8192xi32, #tpu.memory_space<hbm>>
      %dma_start3A_573 = tpu.memref_squeeze %dma_start3A_572 : memref<1x8192xi32, #tpu.memory_space<hbm>> -> memref<8192xi32, #tpu.memory_space<hbm>>
      tpu.enqueue_dma source(%dma_start3A_573 : memref<8192xi32, #tpu.memory_space<hbm>>) target(%arg7 : memref<8192xi32, #tpu.memory_space<vmem>>) target_semaphore(%run_scoped3A_569 : memref<!tpu.dma_semaphore, #tpu.memory_space<semaphore_mem>>)
      %dma_wait3A_574 = tpu.memref_slice %arg2[%run_scoped3A_48, %mul3A_0] : memref<26x16384xi32, #tpu.memory_space<hbm>> -> memref<1x8192xi32, #tpu.memory_space<hbm>>
      %dma_wait3A_575 = tpu.memref_squeeze %dma_wait3A_574 : memref<1x8192xi32, #tpu.memory_space<hbm>> -> memref<8192xi32, #tpu.memory_space<hbm>>
      %dma_wait3A_576 = tpu.memref_slice %arg2[%run_scoped3A_48, %mul3A_0] : memref<26x16384xi32, #tpu.memory_space<hbm>> -> memref<1x8192xi32, #tpu.memory_space<hbm>>
      %dma_wait3A_577 = tpu.memref_squeeze %dma_wait3A_576 : memref<1x8192xi32, #tpu.memory_space<hbm>> -> memref<8192xi32, #tpu.memory_space<hbm>>
      tpu.wait_dma2 semaphore(%run_scoped3A_569 : memref<!tpu.dma_semaphore, #tpu.memory_space<semaphore_mem>>) src(%dma_wait3A_577 : memref<8192xi32, #tpu.memory_space<hbm>>) dst(%arg7 : memref<8192xi32, #tpu.memory_space<vmem>>)
      tpu.yield
    }) : () -> ()
    %dma_wait3A_49 = arith.constant 2 : i32
    %dma_wait3A_50 = arith.constant 0 : i32
    %dma_wait3A_51 = tpu.memref_slice %arg3[%dma_wait3A_49, %arg1, %dma_wait3A_50] : memref<26x16x100000xf32, #tpu.memory_space<hbm>> -> memref<1x1x100000xf32, #tpu.memory_space<hbm>>
    %dma_wait3A_52 = tpu.memref_squeeze %dma_wait3A_51 : memref<1x1x100000xf32, #tpu.memory_space<hbm>> -> memref<100000xf32, #tpu.memory_space<hbm>>
    %dma_wait3A_53 = arith.constant 0 : i32
    %dma_wait3A_54 = tpu.memref_slice %arg3[%dma_wait3A_49, %arg1, %dma_wait3A_53] : memref<26x16x100000xf32, #tpu.memory_space<hbm>> -> memref<1x1x100000xf32, #tpu.memory_space<hbm>>
    %dma_wait3A_55 = tpu.memref_squeeze %dma_wait3A_54 : memref<1x1x100000xf32, #tpu.memory_space<hbm>> -> memref<100000xf32, #tpu.memory_space<hbm>>
    tpu.wait_dma2 semaphore(%arg10 : memref<!tpu.dma_semaphore, #tpu.memory_space<semaphore_mem>>) src(%dma_wait3A_55 : memref<100000xf32, #tpu.memory_space<hbm>>) dst(%arg6 : memref<100000xf32, #tpu.memory_space<vmem>>)
    %scan3A_56 = arith.constant 0 : i32
    %scan3A_57 = arith.constant 0 : i32
    %scan3A_58 = arith.constant 512 : i32
    %scan3A_59 = arith.addi %scan3A_57, %scan3A_58 : i32
    %scan3A_60 = arith.constant 1 : i32
    %scan3A_61 = scf.for %scan3A_569 = %scan3A_57 to %scan3A_59 step %scan3A_60 iter_args(%scan3A_570 = %scan3A_56) -> (i32)  : i32 {
      %mul3A_571 = arith.constant 16 : i32
      %mul3A_572 = arith.muli %scan3A_569, %mul3A_571 : i32
      %get3A = arith.index_cast %mul3A_572 : i32 to index
      %get3A_573 = tpu.vector_load %arg7[%get3A] {strides = array<i32>} : memref<8192xi32, #tpu.memory_space<vmem>>, vector<16xi32>,
      %gather3A = tpu.vector_load_idx %arg6[%get3A_573] : memref<100000xf32, #tpu.memory_space<vmem>>[vector<16xi32>], vector<16xf32>,
      %get3A_574 = arith.index_cast %mul3A_572 : i32 to index
      %get3A_575 = tpu.vector_load %arg8[%get3A_574] {strides = array<i32>} : memref<8192xf32, #tpu.memory_space<vmem>>, vector<16xf32>,
      %add3A = arith.addf %get3A_575, %gather3A : vector<16xf32>
      %swap3A = arith.index_cast %mul3A_572 : i32 to index
      %swap3A_576 = tpu.vector_load %arg8[%swap3A] {strides = array<i32>} : memref<8192xf32, #tpu.memory_space<vmem>>, vector<16xf32>,
      tpu.vector_store %arg8[%swap3A], %add3A {strides = array<i32>} : memref<8192xf32, #tpu.memory_space<vmem>>, vector<16xf32>,
      %get3A_577 = arith.index_cast %mul3A_572 : i32 to index
      %get3A_578 = tpu.vector_load %arg9[%get3A_577] {strides = array<i32>} : memref<8192xf32, #tpu.memory_space<vmem>>, vector<16xf32>,
      %mul3A_579 = arith.mulf %gather3A, %gather3A : vector<16xf32>
      %add3A_580 = arith.addf %get3A_578, %mul3A_579 : vector<16xf32>
      %swap3A_581 = arith.index_cast %mul3A_572 : i32 to index
      %swap3A_582 = tpu.vector_load %arg9[%swap3A_581] {strides = array<i32>} : memref<8192xf32, #tpu.memory_space<vmem>>, vector<16xf32>,
      tpu.vector_store %arg9[%swap3A_581], %add3A_580 {strides = array<i32>} : memref<8192xf32, #tpu.memory_space<vmem>>, vector<16xf32>,
      %scan3A_583 = arith.constant 0 : i32
      scf.yield %scan3A_583 : i32
    }
    %scan3A_62 = arith.constant 512 : i32
    %dma_start3A_63 = arith.constant 3 : i32
    %dma_start3A_64 = arith.constant 0 : i32
    %dma_start3A_65 = tpu.memref_slice %arg3[%dma_start3A_63, %arg1, %dma_start3A_64] : memref<26x16x100000xf32, #tpu.memory_space<hbm>> -> memref<1x1x100000xf32, #tpu.memory_space<hbm>>
    %dma_start3A_66 = tpu.memref_squeeze %dma_start3A_65 : memref<1x1x100000xf32, #tpu.memory_space<hbm>> -> memref<100000xf32, #tpu.memory_space<hbm>>
    %dma_start3A_67 = arith.constant 0 : i32
    %dma_start3A_68 = tpu.memref_slice %arg3[%dma_start3A_63, %arg1, %dma_start3A_67] : memref<26x16x100000xf32, #tpu.memory_space<hbm>> -> memref<1x1x100000xf32, #tpu.memory_space<hbm>>
    %dma_start3A_69 = tpu.memref_squeeze %dma_start3A_68 : memref<1x1x100000xf32, #tpu.memory_space<hbm>> -> memref<100000xf32, #tpu.memory_space<hbm>>
    tpu.enqueue_dma source(%dma_start3A_69 : memref<100000xf32, #tpu.memory_space<hbm>>) target(%arg6 : memref<100000xf32, #tpu.memory_space<vmem>>) target_semaphore(%arg10 : memref<!tpu.dma_semaphore, #tpu.memory_space<semaphore_mem>>)
    %run_scoped3A_70 = arith.constant 3 : i32
    "tpu.region"() ({
      %run_scoped3A_569 = tpu.sem_alloc : memref<!tpu.dma_semaphore, #tpu.memory_space<semaphore_mem>>
      %dma_start3A_570 = tpu.memref_slice %arg2[%run_scoped3A_70, %mul3A_0] : memref<26x16384xi32, #tpu.memory_space<hbm>> -> memref<1x8192xi32, #tpu.memory_space<hbm>>
      %dma_start3A_571 = tpu.memref_squeeze %dma_start3A_570 : memref<1x8192xi32, #tpu.memory_space<hbm>> -> memref<8192xi32, #tpu.memory_space<hbm>>
      %dma_start3A_572 = tpu.memref_slice %arg2[%run_scoped3A_70, %mul3A_0] : memref<26x16384xi32, #tpu.memory_space<hbm>> -> memref<1x8192xi32, #tpu.memory_space<hbm>>
      %dma_start3A_573 = tpu.memref_squeeze %dma_start3A_572 : memref<1x8192xi32, #tpu.memory_space<hbm>> -> memref<8192xi32, #tpu.memory_space<hbm>>
      tpu.enqueue_dma source(%dma_start3A_573 : memref<8192xi32, #tpu.memory_space<hbm>>) target(%arg7 : memref<8192xi32, #tpu.memory_space<vmem>>) target_semaphore(%run_scoped3A_569 : memref<!tpu.dma_semaphore, #tpu.memory_space<semaphore_mem>>)
      %dma_wait3A_574 = tpu.memref_slice %arg2[%run_scoped3A_70, %mul3A_0] : memref<26x16384xi32, #tpu.memory_space<hbm>> -> memref<1x8192xi32, #tpu.memory_space<hbm>>
      %dma_wait3A_575 = tpu.memref_squeeze %dma_wait3A_574 : memref<1x8192xi32, #tpu.memory_space<hbm>> -> memref<8192xi32, #tpu.memory_space<hbm>>
      %dma_wait3A_576 = tpu.memref_slice %arg2[%run_scoped3A_70, %mul3A_0] : memref<26x16384xi32, #tpu.memory_space<hbm>> -> memref<1x8192xi32, #tpu.memory_space<hbm>>
      %dma_wait3A_577 = tpu.memref_squeeze %dma_wait3A_576 : memref<1x8192xi32, #tpu.memory_space<hbm>> -> memref<8192xi32, #tpu.memory_space<hbm>>
      tpu.wait_dma2 semaphore(%run_scoped3A_569 : memref<!tpu.dma_semaphore, #tpu.memory_space<semaphore_mem>>) src(%dma_wait3A_577 : memref<8192xi32, #tpu.memory_space<hbm>>) dst(%arg7 : memref<8192xi32, #tpu.memory_space<vmem>>)
      tpu.yield
    }) : () -> ()
    %dma_wait3A_71 = arith.constant 3 : i32
    %dma_wait3A_72 = arith.constant 0 : i32
    %dma_wait3A_73 = tpu.memref_slice %arg3[%dma_wait3A_71, %arg1, %dma_wait3A_72] : memref<26x16x100000xf32, #tpu.memory_space<hbm>> -> memref<1x1x100000xf32, #tpu.memory_space<hbm>>
    %dma_wait3A_74 = tpu.memref_squeeze %dma_wait3A_73 : memref<1x1x100000xf32, #tpu.memory_space<hbm>> -> memref<100000xf32, #tpu.memory_space<hbm>>
    %dma_wait3A_75 = arith.constant 0 : i32
    %dma_wait3A_76 = tpu.memref_slice %arg3[%dma_wait3A_71, %arg1, %dma_wait3A_75] : memref<26x16x100000xf32, #tpu.memory_space<hbm>> -> memref<1x1x100000xf32, #tpu.memory_space<hbm>>
    %dma_wait3A_77 = tpu.memref_squeeze %dma_wait3A_76 : memref<1x1x100000xf32, #tpu.memory_space<hbm>> -> memref<100000xf32, #tpu.memory_space<hbm>>
    tpu.wait_dma2 semaphore(%arg10 : memref<!tpu.dma_semaphore, #tpu.memory_space<semaphore_mem>>) src(%dma_wait3A_77 : memref<100000xf32, #tpu.memory_space<hbm>>) dst(%arg6 : memref<100000xf32, #tpu.memory_space<vmem>>)
    %scan3A_78 = arith.constant 0 : i32
    %scan3A_79 = arith.constant 0 : i32
    %scan3A_80 = arith.constant 512 : i32
    %scan3A_81 = arith.addi %scan3A_79, %scan3A_80 : i32
    %scan3A_82 = arith.constant 1 : i32
    %scan3A_83 = scf.for %scan3A_569 = %scan3A_79 to %scan3A_81 step %scan3A_82 iter_args(%scan3A_570 = %scan3A_78) -> (i32)  : i32 {
      %mul3A_571 = arith.constant 16 : i32
      %mul3A_572 = arith.muli %scan3A_569, %mul3A_571 : i32
      %get3A = arith.index_cast %mul3A_572 : i32 to index
      %get3A_573 = tpu.vector_load %arg7[%get3A] {strides = array<i32>} : memref<8192xi32, #tpu.memory_space<vmem>>, vector<16xi32>,
      %gather3A = tpu.vector_load_idx %arg6[%get3A_573] : memref<100000xf32, #tpu.memory_space<vmem>>[vector<16xi32>], vector<16xf32>,
      %get3A_574 = arith.index_cast %mul3A_572 : i32 to index
      %get3A_575 = tpu.vector_load %arg8[%get3A_574] {strides = array<i32>} : memref<8192xf32, #tpu.memory_space<vmem>>, vector<16xf32>,
      %add3A = arith.addf %get3A_575, %gather3A : vector<16xf32>
      %swap3A = arith.index_cast %mul3A_572 : i32 to index
      %swap3A_576 = tpu.vector_load %arg8[%swap3A] {strides = array<i32>} : memref<8192xf32, #tpu.memory_space<vmem>>, vector<16xf32>,
      tpu.vector_store %arg8[%swap3A], %add3A {strides = array<i32>} : memref<8192xf32, #tpu.memory_space<vmem>>, vector<16xf32>,
      %get3A_577 = arith.index_cast %mul3A_572 : i32 to index
      %get3A_578 = tpu.vector_load %arg9[%get3A_577] {strides = array<i32>} : memref<8192xf32, #tpu.memory_space<vmem>>, vector<16xf32>,
      %mul3A_579 = arith.mulf %gather3A, %gather3A : vector<16xf32>
      %add3A_580 = arith.addf %get3A_578, %mul3A_579 : vector<16xf32>
      %swap3A_581 = arith.index_cast %mul3A_572 : i32 to index
      %swap3A_582 = tpu.vector_load %arg9[%swap3A_581] {strides = array<i32>} : memref<8192xf32, #tpu.memory_space<vmem>>, vector<16xf32>,
      tpu.vector_store %arg9[%swap3A_581], %add3A_580 {strides = array<i32>} : memref<8192xf32, #tpu.memory_space<vmem>>, vector<16xf32>,
      %scan3A_583 = arith.constant 0 : i32
      scf.yield %scan3A_583 : i32
    }
    %scan3A_84 = arith.constant 512 : i32
    %dma_start3A_85 = arith.constant 4 : i32
    %dma_start3A_86 = arith.constant 0 : i32
    %dma_start3A_87 = tpu.memref_slice %arg3[%dma_start3A_85, %arg1, %dma_start3A_86] : memref<26x16x100000xf32, #tpu.memory_space<hbm>> -> memref<1x1x100000xf32, #tpu.memory_space<hbm>>
    %dma_start3A_88 = tpu.memref_squeeze %dma_start3A_87 : memref<1x1x100000xf32, #tpu.memory_space<hbm>> -> memref<100000xf32, #tpu.memory_space<hbm>>
    %dma_start3A_89 = arith.constant 0 : i32
    %dma_start3A_90 = tpu.memref_slice %arg3[%dma_start3A_85, %arg1, %dma_start3A_89] : memref<26x16x100000xf32, #tpu.memory_space<hbm>> -> memref<1x1x100000xf32, #tpu.memory_space<hbm>>
    %dma_start3A_91 = tpu.memref_squeeze %dma_start3A_90 : memref<1x1x100000xf32, #tpu.memory_space<hbm>> -> memref<100000xf32, #tpu.memory_space<hbm>>
    tpu.enqueue_dma source(%dma_start3A_91 : memref<100000xf32, #tpu.memory_space<hbm>>) target(%arg6 : memref<100000xf32, #tpu.memory_space<vmem>>) target_semaphore(%arg10 : memref<!tpu.dma_semaphore, #tpu.memory_space<semaphore_mem>>)
    %run_scoped3A_92 = arith.constant 4 : i32
    "tpu.region"() ({
      %run_scoped3A_569 = tpu.sem_alloc : memref<!tpu.dma_semaphore, #tpu.memory_space<semaphore_mem>>
      %dma_start3A_570 = tpu.memref_slice %arg2[%run_scoped3A_92, %mul3A_0] : memref<26x16384xi32, #tpu.memory_space<hbm>> -> memref<1x8192xi32, #tpu.memory_space<hbm>>
      %dma_start3A_571 = tpu.memref_squeeze %dma_start3A_570 : memref<1x8192xi32, #tpu.memory_space<hbm>> -> memref<8192xi32, #tpu.memory_space<hbm>>
      %dma_start3A_572 = tpu.memref_slice %arg2[%run_scoped3A_92, %mul3A_0] : memref<26x16384xi32, #tpu.memory_space<hbm>> -> memref<1x8192xi32, #tpu.memory_space<hbm>>
      %dma_start3A_573 = tpu.memref_squeeze %dma_start3A_572 : memref<1x8192xi32, #tpu.memory_space<hbm>> -> memref<8192xi32, #tpu.memory_space<hbm>>
      tpu.enqueue_dma source(%dma_start3A_573 : memref<8192xi32, #tpu.memory_space<hbm>>) target(%arg7 : memref<8192xi32, #tpu.memory_space<vmem>>) target_semaphore(%run_scoped3A_569 : memref<!tpu.dma_semaphore, #tpu.memory_space<semaphore_mem>>)
      %dma_wait3A_574 = tpu.memref_slice %arg2[%run_scoped3A_92, %mul3A_0] : memref<26x16384xi32, #tpu.memory_space<hbm>> -> memref<1x8192xi32, #tpu.memory_space<hbm>>
      %dma_wait3A_575 = tpu.memref_squeeze %dma_wait3A_574 : memref<1x8192xi32, #tpu.memory_space<hbm>> -> memref<8192xi32, #tpu.memory_space<hbm>>
      %dma_wait3A_576 = tpu.memref_slice %arg2[%run_scoped3A_92, %mul3A_0] : memref<26x16384xi32, #tpu.memory_space<hbm>> -> memref<1x8192xi32, #tpu.memory_space<hbm>>
      %dma_wait3A_577 = tpu.memref_squeeze %dma_wait3A_576 : memref<1x8192xi32, #tpu.memory_space<hbm>> -> memref<8192xi32, #tpu.memory_space<hbm>>
      tpu.wait_dma2 semaphore(%run_scoped3A_569 : memref<!tpu.dma_semaphore, #tpu.memory_space<semaphore_mem>>) src(%dma_wait3A_577 : memref<8192xi32, #tpu.memory_space<hbm>>) dst(%arg7 : memref<8192xi32, #tpu.memory_space<vmem>>)
      tpu.yield
    }) : () -> ()
    %dma_wait3A_93 = arith.constant 4 : i32
    %dma_wait3A_94 = arith.constant 0 : i32
    %dma_wait3A_95 = tpu.memref_slice %arg3[%dma_wait3A_93, %arg1, %dma_wait3A_94] : memref<26x16x100000xf32, #tpu.memory_space<hbm>> -> memref<1x1x100000xf32, #tpu.memory_space<hbm>>
    %dma_wait3A_96 = tpu.memref_squeeze %dma_wait3A_95 : memref<1x1x100000xf32, #tpu.memory_space<hbm>> -> memref<100000xf32, #tpu.memory_space<hbm>>
    %dma_wait3A_97 = arith.constant 0 : i32
    %dma_wait3A_98 = tpu.memref_slice %arg3[%dma_wait3A_93, %arg1, %dma_wait3A_97] : memref<26x16x100000xf32, #tpu.memory_space<hbm>> -> memref<1x1x100000xf32, #tpu.memory_space<hbm>>
    %dma_wait3A_99 = tpu.memref_squeeze %dma_wait3A_98 : memref<1x1x100000xf32, #tpu.memory_space<hbm>> -> memref<100000xf32, #tpu.memory_space<hbm>>
    tpu.wait_dma2 semaphore(%arg10 : memref<!tpu.dma_semaphore, #tpu.memory_space<semaphore_mem>>) src(%dma_wait3A_99 : memref<100000xf32, #tpu.memory_space<hbm>>) dst(%arg6 : memref<100000xf32, #tpu.memory_space<vmem>>)
    %scan3A_100 = arith.constant 0 : i32
    %scan3A_101 = arith.constant 0 : i32
    %scan3A_102 = arith.constant 512 : i32
    %scan3A_103 = arith.addi %scan3A_101, %scan3A_102 : i32
    %scan3A_104 = arith.constant 1 : i32
    %scan3A_105 = scf.for %scan3A_569 = %scan3A_101 to %scan3A_103 step %scan3A_104 iter_args(%scan3A_570 = %scan3A_100) -> (i32)  : i32 {
      %mul3A_571 = arith.constant 16 : i32
      %mul3A_572 = arith.muli %scan3A_569, %mul3A_571 : i32
      %get3A = arith.index_cast %mul3A_572 : i32 to index
      %get3A_573 = tpu.vector_load %arg7[%get3A] {strides = array<i32>} : memref<8192xi32, #tpu.memory_space<vmem>>, vector<16xi32>,
      %gather3A = tpu.vector_load_idx %arg6[%get3A_573] : memref<100000xf32, #tpu.memory_space<vmem>>[vector<16xi32>], vector<16xf32>,
      %get3A_574 = arith.index_cast %mul3A_572 : i32 to index
      %get3A_575 = tpu.vector_load %arg8[%get3A_574] {strides = array<i32>} : memref<8192xf32, #tpu.memory_space<vmem>>, vector<16xf32>,
      %add3A = arith.addf %get3A_575, %gather3A : vector<16xf32>
      %swap3A = arith.index_cast %mul3A_572 : i32 to index
      %swap3A_576 = tpu.vector_load %arg8[%swap3A] {strides = array<i32>} : memref<8192xf32, #tpu.memory_space<vmem>>, vector<16xf32>,
      tpu.vector_store %arg8[%swap3A], %add3A {strides = array<i32>} : memref<8192xf32, #tpu.memory_space<vmem>>, vector<16xf32>,
      %get3A_577 = arith.index_cast %mul3A_572 : i32 to index
      %get3A_578 = tpu.vector_load %arg9[%get3A_577] {strides = array<i32>} : memref<8192xf32, #tpu.memory_space<vmem>>, vector<16xf32>,
      %mul3A_579 = arith.mulf %gather3A, %gather3A : vector<16xf32>
      %add3A_580 = arith.addf %get3A_578, %mul3A_579 : vector<16xf32>
      %swap3A_581 = arith.index_cast %mul3A_572 : i32 to index
      %swap3A_582 = tpu.vector_load %arg9[%swap3A_581] {strides = array<i32>} : memref<8192xf32, #tpu.memory_space<vmem>>, vector<16xf32>,
      tpu.vector_store %arg9[%swap3A_581], %add3A_580 {strides = array<i32>} : memref<8192xf32, #tpu.memory_space<vmem>>, vector<16xf32>,
      %scan3A_583 = arith.constant 0 : i32
      scf.yield %scan3A_583 : i32
    }
    %scan3A_106 = arith.constant 512 : i32
    %dma_start3A_107 = arith.constant 5 : i32
    %dma_start3A_108 = arith.constant 0 : i32
    %dma_start3A_109 = tpu.memref_slice %arg3[%dma_start3A_107, %arg1, %dma_start3A_108] : memref<26x16x100000xf32, #tpu.memory_space<hbm>> -> memref<1x1x100000xf32, #tpu.memory_space<hbm>>
    %dma_start3A_110 = tpu.memref_squeeze %dma_start3A_109 : memref<1x1x100000xf32, #tpu.memory_space<hbm>> -> memref<100000xf32, #tpu.memory_space<hbm>>
    %dma_start3A_111 = arith.constant 0 : i32
    %dma_start3A_112 = tpu.memref_slice %arg3[%dma_start3A_107, %arg1, %dma_start3A_111] : memref<26x16x100000xf32, #tpu.memory_space<hbm>> -> memref<1x1x100000xf32, #tpu.memory_space<hbm>>
    %dma_start3A_113 = tpu.memref_squeeze %dma_start3A_112 : memref<1x1x100000xf32, #tpu.memory_space<hbm>> -> memref<100000xf32, #tpu.memory_space<hbm>>
    tpu.enqueue_dma source(%dma_start3A_113 : memref<100000xf32, #tpu.memory_space<hbm>>) target(%arg6 : memref<100000xf32, #tpu.memory_space<vmem>>) target_semaphore(%arg10 : memref<!tpu.dma_semaphore, #tpu.memory_space<semaphore_mem>>)
    %run_scoped3A_114 = arith.constant 5 : i32
    "tpu.region"() ({
      %run_scoped3A_569 = tpu.sem_alloc : memref<!tpu.dma_semaphore, #tpu.memory_space<semaphore_mem>>
      %dma_start3A_570 = tpu.memref_slice %arg2[%run_scoped3A_114, %mul3A_0] : memref<26x16384xi32, #tpu.memory_space<hbm>> -> memref<1x8192xi32, #tpu.memory_space<hbm>>
      %dma_start3A_571 = tpu.memref_squeeze %dma_start3A_570 : memref<1x8192xi32, #tpu.memory_space<hbm>> -> memref<8192xi32, #tpu.memory_space<hbm>>
      %dma_start3A_572 = tpu.memref_slice %arg2[%run_scoped3A_114, %mul3A_0] : memref<26x16384xi32, #tpu.memory_space<hbm>> -> memref<1x8192xi32, #tpu.memory_space<hbm>>
      %dma_start3A_573 = tpu.memref_squeeze %dma_start3A_572 : memref<1x8192xi32, #tpu.memory_space<hbm>> -> memref<8192xi32, #tpu.memory_space<hbm>>
      tpu.enqueue_dma source(%dma_start3A_573 : memref<8192xi32, #tpu.memory_space<hbm>>) target(%arg7 : memref<8192xi32, #tpu.memory_space<vmem>>) target_semaphore(%run_scoped3A_569 : memref<!tpu.dma_semaphore, #tpu.memory_space<semaphore_mem>>)
      %dma_wait3A_574 = tpu.memref_slice %arg2[%run_scoped3A_114, %mul3A_0] : memref<26x16384xi32, #tpu.memory_space<hbm>> -> memref<1x8192xi32, #tpu.memory_space<hbm>>
      %dma_wait3A_575 = tpu.memref_squeeze %dma_wait3A_574 : memref<1x8192xi32, #tpu.memory_space<hbm>> -> memref<8192xi32, #tpu.memory_space<hbm>>
      %dma_wait3A_576 = tpu.memref_slice %arg2[%run_scoped3A_114, %mul3A_0] : memref<26x16384xi32, #tpu.memory_space<hbm>> -> memref<1x8192xi32, #tpu.memory_space<hbm>>
      %dma_wait3A_577 = tpu.memref_squeeze %dma_wait3A_576 : memref<1x8192xi32, #tpu.memory_space<hbm>> -> memref<8192xi32, #tpu.memory_space<hbm>>
      tpu.wait_dma2 semaphore(%run_scoped3A_569 : memref<!tpu.dma_semaphore, #tpu.memory_space<semaphore_mem>>) src(%dma_wait3A_577 : memref<8192xi32, #tpu.memory_space<hbm>>) dst(%arg7 : memref<8192xi32, #tpu.memory_space<vmem>>)
      tpu.yield
    }) : () -> ()
    %dma_wait3A_115 = arith.constant 5 : i32
    %dma_wait3A_116 = arith.constant 0 : i32
    %dma_wait3A_117 = tpu.memref_slice %arg3[%dma_wait3A_115, %arg1, %dma_wait3A_116] : memref<26x16x100000xf32, #tpu.memory_space<hbm>> -> memref<1x1x100000xf32, #tpu.memory_space<hbm>>
    %dma_wait3A_118 = tpu.memref_squeeze %dma_wait3A_117 : memref<1x1x100000xf32, #tpu.memory_space<hbm>> -> memref<100000xf32, #tpu.memory_space<hbm>>
    %dma_wait3A_119 = arith.constant 0 : i32
    %dma_wait3A_120 = tpu.memref_slice %arg3[%dma_wait3A_115, %arg1, %dma_wait3A_119] : memref<26x16x100000xf32, #tpu.memory_space<hbm>> -> memref<1x1x100000xf32, #tpu.memory_space<hbm>>
    %dma_wait3A_121 = tpu.memref_squeeze %dma_wait3A_120 : memref<1x1x100000xf32, #tpu.memory_space<hbm>> -> memref<100000xf32, #tpu.memory_space<hbm>>
    tpu.wait_dma2 semaphore(%arg10 : memref<!tpu.dma_semaphore, #tpu.memory_space<semaphore_mem>>) src(%dma_wait3A_121 : memref<100000xf32, #tpu.memory_space<hbm>>) dst(%arg6 : memref<100000xf32, #tpu.memory_space<vmem>>)
    %scan3A_122 = arith.constant 0 : i32
    %scan3A_123 = arith.constant 0 : i32
    %scan3A_124 = arith.constant 512 : i32
    %scan3A_125 = arith.addi %scan3A_123, %scan3A_124 : i32
    %scan3A_126 = arith.constant 1 : i32
    %scan3A_127 = scf.for %scan3A_569 = %scan3A_123 to %scan3A_125 step %scan3A_126 iter_args(%scan3A_570 = %scan3A_122) -> (i32)  : i32 {
      %mul3A_571 = arith.constant 16 : i32
      %mul3A_572 = arith.muli %scan3A_569, %mul3A_571 : i32
      %get3A = arith.index_cast %mul3A_572 : i32 to index
      %get3A_573 = tpu.vector_load %arg7[%get3A] {strides = array<i32>} : memref<8192xi32, #tpu.memory_space<vmem>>, vector<16xi32>,
      %gather3A = tpu.vector_load_idx %arg6[%get3A_573] : memref<100000xf32, #tpu.memory_space<vmem>>[vector<16xi32>], vector<16xf32>,
      %get3A_574 = arith.index_cast %mul3A_572 : i32 to index
      %get3A_575 = tpu.vector_load %arg8[%get3A_574] {strides = array<i32>} : memref<8192xf32, #tpu.memory_space<vmem>>, vector<16xf32>,
      %add3A = arith.addf %get3A_575, %gather3A : vector<16xf32>
      %swap3A = arith.index_cast %mul3A_572 : i32 to index
      %swap3A_576 = tpu.vector_load %arg8[%swap3A] {strides = array<i32>} : memref<8192xf32, #tpu.memory_space<vmem>>, vector<16xf32>,
      tpu.vector_store %arg8[%swap3A], %add3A {strides = array<i32>} : memref<8192xf32, #tpu.memory_space<vmem>>, vector<16xf32>,
      %get3A_577 = arith.index_cast %mul3A_572 : i32 to index
      %get3A_578 = tpu.vector_load %arg9[%get3A_577] {strides = array<i32>} : memref<8192xf32, #tpu.memory_space<vmem>>, vector<16xf32>,
      %mul3A_579 = arith.mulf %gather3A, %gather3A : vector<16xf32>
      %add3A_580 = arith.addf %get3A_578, %mul3A_579 : vector<16xf32>
      %swap3A_581 = arith.index_cast %mul3A_572 : i32 to index
      %swap3A_582 = tpu.vector_load %arg9[%swap3A_581] {strides = array<i32>} : memref<8192xf32, #tpu.memory_space<vmem>>, vector<16xf32>,
      tpu.vector_store %arg9[%swap3A_581], %add3A_580 {strides = array<i32>} : memref<8192xf32, #tpu.memory_space<vmem>>, vector<16xf32>,
      %scan3A_583 = arith.constant 0 : i32
      scf.yield %scan3A_583 : i32
    }
    %scan3A_128 = arith.constant 512 : i32
    %dma_start3A_129 = arith.constant 6 : i32
    %dma_start3A_130 = arith.constant 0 : i32
    %dma_start3A_131 = tpu.memref_slice %arg3[%dma_start3A_129, %arg1, %dma_start3A_130] : memref<26x16x100000xf32, #tpu.memory_space<hbm>> -> memref<1x1x100000xf32, #tpu.memory_space<hbm>>
    %dma_start3A_132 = tpu.memref_squeeze %dma_start3A_131 : memref<1x1x100000xf32, #tpu.memory_space<hbm>> -> memref<100000xf32, #tpu.memory_space<hbm>>
    %dma_start3A_133 = arith.constant 0 : i32
    %dma_start3A_134 = tpu.memref_slice %arg3[%dma_start3A_129, %arg1, %dma_start3A_133] : memref<26x16x100000xf32, #tpu.memory_space<hbm>> -> memref<1x1x100000xf32, #tpu.memory_space<hbm>>
    %dma_start3A_135 = tpu.memref_squeeze %dma_start3A_134 : memref<1x1x100000xf32, #tpu.memory_space<hbm>> -> memref<100000xf32, #tpu.memory_space<hbm>>
    tpu.enqueue_dma source(%dma_start3A_135 : memref<100000xf32, #tpu.memory_space<hbm>>) target(%arg6 : memref<100000xf32, #tpu.memory_space<vmem>>) target_semaphore(%arg10 : memref<!tpu.dma_semaphore, #tpu.memory_space<semaphore_mem>>)
    %run_scoped3A_136 = arith.constant 6 : i32
    "tpu.region"() ({
      %run_scoped3A_569 = tpu.sem_alloc : memref<!tpu.dma_semaphore, #tpu.memory_space<semaphore_mem>>
      %dma_start3A_570 = tpu.memref_slice %arg2[%run_scoped3A_136, %mul3A_0] : memref<26x16384xi32, #tpu.memory_space<hbm>> -> memref<1x8192xi32, #tpu.memory_space<hbm>>
      %dma_start3A_571 = tpu.memref_squeeze %dma_start3A_570 : memref<1x8192xi32, #tpu.memory_space<hbm>> -> memref<8192xi32, #tpu.memory_space<hbm>>
      %dma_start3A_572 = tpu.memref_slice %arg2[%run_scoped3A_136, %mul3A_0] : memref<26x16384xi32, #tpu.memory_space<hbm>> -> memref<1x8192xi32, #tpu.memory_space<hbm>>
      %dma_start3A_573 = tpu.memref_squeeze %dma_start3A_572 : memref<1x8192xi32, #tpu.memory_space<hbm>> -> memref<8192xi32, #tpu.memory_space<hbm>>
      tpu.enqueue_dma source(%dma_start3A_573 : memref<8192xi32, #tpu.memory_space<hbm>>) target(%arg7 : memref<8192xi32, #tpu.memory_space<vmem>>) target_semaphore(%run_scoped3A_569 : memref<!tpu.dma_semaphore, #tpu.memory_space<semaphore_mem>>)
      %dma_wait3A_574 = tpu.memref_slice %arg2[%run_scoped3A_136, %mul3A_0] : memref<26x16384xi32, #tpu.memory_space<hbm>> -> memref<1x8192xi32, #tpu.memory_space<hbm>>
      %dma_wait3A_575 = tpu.memref_squeeze %dma_wait3A_574 : memref<1x8192xi32, #tpu.memory_space<hbm>> -> memref<8192xi32, #tpu.memory_space<hbm>>
      %dma_wait3A_576 = tpu.memref_slice %arg2[%run_scoped3A_136, %mul3A_0] : memref<26x16384xi32, #tpu.memory_space<hbm>> -> memref<1x8192xi32, #tpu.memory_space<hbm>>
      %dma_wait3A_577 = tpu.memref_squeeze %dma_wait3A_576 : memref<1x8192xi32, #tpu.memory_space<hbm>> -> memref<8192xi32, #tpu.memory_space<hbm>>
      tpu.wait_dma2 semaphore(%run_scoped3A_569 : memref<!tpu.dma_semaphore, #tpu.memory_space<semaphore_mem>>) src(%dma_wait3A_577 : memref<8192xi32, #tpu.memory_space<hbm>>) dst(%arg7 : memref<8192xi32, #tpu.memory_space<vmem>>)
      tpu.yield
    }) : () -> ()
    %dma_wait3A_137 = arith.constant 6 : i32
    %dma_wait3A_138 = arith.constant 0 : i32
    %dma_wait3A_139 = tpu.memref_slice %arg3[%dma_wait3A_137, %arg1, %dma_wait3A_138] : memref<26x16x100000xf32, #tpu.memory_space<hbm>> -> memref<1x1x100000xf32, #tpu.memory_space<hbm>>
    %dma_wait3A_140 = tpu.memref_squeeze %dma_wait3A_139 : memref<1x1x100000xf32, #tpu.memory_space<hbm>> -> memref<100000xf32, #tpu.memory_space<hbm>>
    %dma_wait3A_141 = arith.constant 0 : i32
    %dma_wait3A_142 = tpu.memref_slice %arg3[%dma_wait3A_137, %arg1, %dma_wait3A_141] : memref<26x16x100000xf32, #tpu.memory_space<hbm>> -> memref<1x1x100000xf32, #tpu.memory_space<hbm>>
    %dma_wait3A_143 = tpu.memref_squeeze %dma_wait3A_142 : memref<1x1x100000xf32, #tpu.memory_space<hbm>> -> memref<100000xf32, #tpu.memory_space<hbm>>
    tpu.wait_dma2 semaphore(%arg10 : memref<!tpu.dma_semaphore, #tpu.memory_space<semaphore_mem>>) src(%dma_wait3A_143 : memref<100000xf32, #tpu.memory_space<hbm>>) dst(%arg6 : memref<100000xf32, #tpu.memory_space<vmem>>)
    %scan3A_144 = arith.constant 0 : i32
    %scan3A_145 = arith.constant 0 : i32
    %scan3A_146 = arith.constant 512 : i32
    %scan3A_147 = arith.addi %scan3A_145, %scan3A_146 : i32
    %scan3A_148 = arith.constant 1 : i32
    %scan3A_149 = scf.for %scan3A_569 = %scan3A_145 to %scan3A_147 step %scan3A_148 iter_args(%scan3A_570 = %scan3A_144) -> (i32)  : i32 {
      %mul3A_571 = arith.constant 16 : i32
      %mul3A_572 = arith.muli %scan3A_569, %mul3A_571 : i32
      %get3A = arith.index_cast %mul3A_572 : i32 to index
      %get3A_573 = tpu.vector_load %arg7[%get3A] {strides = array<i32>} : memref<8192xi32, #tpu.memory_space<vmem>>, vector<16xi32>,
      %gather3A = tpu.vector_load_idx %arg6[%get3A_573] : memref<100000xf32, #tpu.memory_space<vmem>>[vector<16xi32>], vector<16xf32>,
      %get3A_574 = arith.index_cast %mul3A_572 : i32 to index
      %get3A_575 = tpu.vector_load %arg8[%get3A_574] {strides = array<i32>} : memref<8192xf32, #tpu.memory_space<vmem>>, vector<16xf32>,
      %add3A = arith.addf %get3A_575, %gather3A : vector<16xf32>
      %swap3A = arith.index_cast %mul3A_572 : i32 to index
      %swap3A_576 = tpu.vector_load %arg8[%swap3A] {strides = array<i32>} : memref<8192xf32, #tpu.memory_space<vmem>>, vector<16xf32>,
      tpu.vector_store %arg8[%swap3A], %add3A {strides = array<i32>} : memref<8192xf32, #tpu.memory_space<vmem>>, vector<16xf32>,
      %get3A_577 = arith.index_cast %mul3A_572 : i32 to index
      %get3A_578 = tpu.vector_load %arg9[%get3A_577] {strides = array<i32>} : memref<8192xf32, #tpu.memory_space<vmem>>, vector<16xf32>,
      %mul3A_579 = arith.mulf %gather3A, %gather3A : vector<16xf32>
      %add3A_580 = arith.addf %get3A_578, %mul3A_579 : vector<16xf32>
      %swap3A_581 = arith.index_cast %mul3A_572 : i32 to index
      %swap3A_582 = tpu.vector_load %arg9[%swap3A_581] {strides = array<i32>} : memref<8192xf32, #tpu.memory_space<vmem>>, vector<16xf32>,
      tpu.vector_store %arg9[%swap3A_581], %add3A_580 {strides = array<i32>} : memref<8192xf32, #tpu.memory_space<vmem>>, vector<16xf32>,
      %scan3A_583 = arith.constant 0 : i32
      scf.yield %scan3A_583 : i32
    }
    %scan3A_150 = arith.constant 512 : i32
    %dma_start3A_151 = arith.constant 7 : i32
    %dma_start3A_152 = arith.constant 0 : i32
    %dma_start3A_153 = tpu.memref_slice %arg3[%dma_start3A_151, %arg1, %dma_start3A_152] : memref<26x16x100000xf32, #tpu.memory_space<hbm>> -> memref<1x1x100000xf32, #tpu.memory_space<hbm>>
    %dma_start3A_154 = tpu.memref_squeeze %dma_start3A_153 : memref<1x1x100000xf32, #tpu.memory_space<hbm>> -> memref<100000xf32, #tpu.memory_space<hbm>>
    %dma_start3A_155 = arith.constant 0 : i32
    %dma_start3A_156 = tpu.memref_slice %arg3[%dma_start3A_151, %arg1, %dma_start3A_155] : memref<26x16x100000xf32, #tpu.memory_space<hbm>> -> memref<1x1x100000xf32, #tpu.memory_space<hbm>>
    %dma_start3A_157 = tpu.memref_squeeze %dma_start3A_156 : memref<1x1x100000xf32, #tpu.memory_space<hbm>> -> memref<100000xf32, #tpu.memory_space<hbm>>
    tpu.enqueue_dma source(%dma_start3A_157 : memref<100000xf32, #tpu.memory_space<hbm>>) target(%arg6 : memref<100000xf32, #tpu.memory_space<vmem>>) target_semaphore(%arg10 : memref<!tpu.dma_semaphore, #tpu.memory_space<semaphore_mem>>)
    %run_scoped3A_158 = arith.constant 7 : i32
    "tpu.region"() ({
      %run_scoped3A_569 = tpu.sem_alloc : memref<!tpu.dma_semaphore, #tpu.memory_space<semaphore_mem>>
      %dma_start3A_570 = tpu.memref_slice %arg2[%run_scoped3A_158, %mul3A_0] : memref<26x16384xi32, #tpu.memory_space<hbm>> -> memref<1x8192xi32, #tpu.memory_space<hbm>>
      %dma_start3A_571 = tpu.memref_squeeze %dma_start3A_570 : memref<1x8192xi32, #tpu.memory_space<hbm>> -> memref<8192xi32, #tpu.memory_space<hbm>>
      %dma_start3A_572 = tpu.memref_slice %arg2[%run_scoped3A_158, %mul3A_0] : memref<26x16384xi32, #tpu.memory_space<hbm>> -> memref<1x8192xi32, #tpu.memory_space<hbm>>
      %dma_start3A_573 = tpu.memref_squeeze %dma_start3A_572 : memref<1x8192xi32, #tpu.memory_space<hbm>> -> memref<8192xi32, #tpu.memory_space<hbm>>
      tpu.enqueue_dma source(%dma_start3A_573 : memref<8192xi32, #tpu.memory_space<hbm>>) target(%arg7 : memref<8192xi32, #tpu.memory_space<vmem>>) target_semaphore(%run_scoped3A_569 : memref<!tpu.dma_semaphore, #tpu.memory_space<semaphore_mem>>)
      %dma_wait3A_574 = tpu.memref_slice %arg2[%run_scoped3A_158, %mul3A_0] : memref<26x16384xi32, #tpu.memory_space<hbm>> -> memref<1x8192xi32, #tpu.memory_space<hbm>>
      %dma_wait3A_575 = tpu.memref_squeeze %dma_wait3A_574 : memref<1x8192xi32, #tpu.memory_space<hbm>> -> memref<8192xi32, #tpu.memory_space<hbm>>
      %dma_wait3A_576 = tpu.memref_slice %arg2[%run_scoped3A_158, %mul3A_0] : memref<26x16384xi32, #tpu.memory_space<hbm>> -> memref<1x8192xi32, #tpu.memory_space<hbm>>
      %dma_wait3A_577 = tpu.memref_squeeze %dma_wait3A_576 : memref<1x8192xi32, #tpu.memory_space<hbm>> -> memref<8192xi32, #tpu.memory_space<hbm>>
      tpu.wait_dma2 semaphore(%run_scoped3A_569 : memref<!tpu.dma_semaphore, #tpu.memory_space<semaphore_mem>>) src(%dma_wait3A_577 : memref<8192xi32, #tpu.memory_space<hbm>>) dst(%arg7 : memref<8192xi32, #tpu.memory_space<vmem>>)
      tpu.yield
    }) : () -> ()
    %dma_wait3A_159 = arith.constant 7 : i32
    %dma_wait3A_160 = arith.constant 0 : i32
    %dma_wait3A_161 = tpu.memref_slice %arg3[%dma_wait3A_159, %arg1, %dma_wait3A_160] : memref<26x16x100000xf32, #tpu.memory_space<hbm>> -> memref<1x1x100000xf32, #tpu.memory_space<hbm>>
    %dma_wait3A_162 = tpu.memref_squeeze %dma_wait3A_161 : memref<1x1x100000xf32, #tpu.memory_space<hbm>> -> memref<100000xf32, #tpu.memory_space<hbm>>
    %dma_wait3A_163 = arith.constant 0 : i32
    %dma_wait3A_164 = tpu.memref_slice %arg3[%dma_wait3A_159, %arg1, %dma_wait3A_163] : memref<26x16x100000xf32, #tpu.memory_space<hbm>> -> memref<1x1x100000xf32, #tpu.memory_space<hbm>>
    %dma_wait3A_165 = tpu.memref_squeeze %dma_wait3A_164 : memref<1x1x100000xf32, #tpu.memory_space<hbm>> -> memref<100000xf32, #tpu.memory_space<hbm>>
    tpu.wait_dma2 semaphore(%arg10 : memref<!tpu.dma_semaphore, #tpu.memory_space<semaphore_mem>>) src(%dma_wait3A_165 : memref<100000xf32, #tpu.memory_space<hbm>>) dst(%arg6 : memref<100000xf32, #tpu.memory_space<vmem>>)
    %scan3A_166 = arith.constant 0 : i32
    %scan3A_167 = arith.constant 0 : i32
    %scan3A_168 = arith.constant 512 : i32
    %scan3A_169 = arith.addi %scan3A_167, %scan3A_168 : i32
    %scan3A_170 = arith.constant 1 : i32
    %scan3A_171 = scf.for %scan3A_569 = %scan3A_167 to %scan3A_169 step %scan3A_170 iter_args(%scan3A_570 = %scan3A_166) -> (i32)  : i32 {
      %mul3A_571 = arith.constant 16 : i32
      %mul3A_572 = arith.muli %scan3A_569, %mul3A_571 : i32
      %get3A = arith.index_cast %mul3A_572 : i32 to index
      %get3A_573 = tpu.vector_load %arg7[%get3A] {strides = array<i32>} : memref<8192xi32, #tpu.memory_space<vmem>>, vector<16xi32>,
      %gather3A = tpu.vector_load_idx %arg6[%get3A_573] : memref<100000xf32, #tpu.memory_space<vmem>>[vector<16xi32>], vector<16xf32>,
      %get3A_574 = arith.index_cast %mul3A_572 : i32 to index
      %get3A_575 = tpu.vector_load %arg8[%get3A_574] {strides = array<i32>} : memref<8192xf32, #tpu.memory_space<vmem>>, vector<16xf32>,
      %add3A = arith.addf %get3A_575, %gather3A : vector<16xf32>
      %swap3A = arith.index_cast %mul3A_572 : i32 to index
      %swap3A_576 = tpu.vector_load %arg8[%swap3A] {strides = array<i32>} : memref<8192xf32, #tpu.memory_space<vmem>>, vector<16xf32>,
      tpu.vector_store %arg8[%swap3A], %add3A {strides = array<i32>} : memref<8192xf32, #tpu.memory_space<vmem>>, vector<16xf32>,
      %get3A_577 = arith.index_cast %mul3A_572 : i32 to index
      %get3A_578 = tpu.vector_load %arg9[%get3A_577] {strides = array<i32>} : memref<8192xf32, #tpu.memory_space<vmem>>, vector<16xf32>,
      %mul3A_579 = arith.mulf %gather3A, %gather3A : vector<16xf32>
      %add3A_580 = arith.addf %get3A_578, %mul3A_579 : vector<16xf32>
      %swap3A_581 = arith.index_cast %mul3A_572 : i32 to index
      %swap3A_582 = tpu.vector_load %arg9[%swap3A_581] {strides = array<i32>} : memref<8192xf32, #tpu.memory_space<vmem>>, vector<16xf32>,
      tpu.vector_store %arg9[%swap3A_581], %add3A_580 {strides = array<i32>} : memref<8192xf32, #tpu.memory_space<vmem>>, vector<16xf32>,
      %scan3A_583 = arith.constant 0 : i32
      scf.yield %scan3A_583 : i32
    }
    %scan3A_172 = arith.constant 512 : i32
    %dma_start3A_173 = arith.constant 8 : i32
    %dma_start3A_174 = arith.constant 0 : i32
    %dma_start3A_175 = tpu.memref_slice %arg3[%dma_start3A_173, %arg1, %dma_start3A_174] : memref<26x16x100000xf32, #tpu.memory_space<hbm>> -> memref<1x1x100000xf32, #tpu.memory_space<hbm>>
    %dma_start3A_176 = tpu.memref_squeeze %dma_start3A_175 : memref<1x1x100000xf32, #tpu.memory_space<hbm>> -> memref<100000xf32, #tpu.memory_space<hbm>>
    %dma_start3A_177 = arith.constant 0 : i32
    %dma_start3A_178 = tpu.memref_slice %arg3[%dma_start3A_173, %arg1, %dma_start3A_177] : memref<26x16x100000xf32, #tpu.memory_space<hbm>> -> memref<1x1x100000xf32, #tpu.memory_space<hbm>>
    %dma_start3A_179 = tpu.memref_squeeze %dma_start3A_178 : memref<1x1x100000xf32, #tpu.memory_space<hbm>> -> memref<100000xf32, #tpu.memory_space<hbm>>
    tpu.enqueue_dma source(%dma_start3A_179 : memref<100000xf32, #tpu.memory_space<hbm>>) target(%arg6 : memref<100000xf32, #tpu.memory_space<vmem>>) target_semaphore(%arg10 : memref<!tpu.dma_semaphore, #tpu.memory_space<semaphore_mem>>)
    %run_scoped3A_180 = arith.constant 8 : i32
    "tpu.region"() ({
      %run_scoped3A_569 = tpu.sem_alloc : memref<!tpu.dma_semaphore, #tpu.memory_space<semaphore_mem>>
      %dma_start3A_570 = tpu.memref_slice %arg2[%run_scoped3A_180, %mul3A_0] : memref<26x16384xi32, #tpu.memory_space<hbm>> -> memref<1x8192xi32, #tpu.memory_space<hbm>>
      %dma_start3A_571 = tpu.memref_squeeze %dma_start3A_570 : memref<1x8192xi32, #tpu.memory_space<hbm>> -> memref<8192xi32, #tpu.memory_space<hbm>>
      %dma_start3A_572 = tpu.memref_slice %arg2[%run_scoped3A_180, %mul3A_0] : memref<26x16384xi32, #tpu.memory_space<hbm>> -> memref<1x8192xi32, #tpu.memory_space<hbm>>
      %dma_start3A_573 = tpu.memref_squeeze %dma_start3A_572 : memref<1x8192xi32, #tpu.memory_space<hbm>> -> memref<8192xi32, #tpu.memory_space<hbm>>
      tpu.enqueue_dma source(%dma_start3A_573 : memref<8192xi32, #tpu.memory_space<hbm>>) target(%arg7 : memref<8192xi32, #tpu.memory_space<vmem>>) target_semaphore(%run_scoped3A_569 : memref<!tpu.dma_semaphore, #tpu.memory_space<semaphore_mem>>)
      %dma_wait3A_574 = tpu.memref_slice %arg2[%run_scoped3A_180, %mul3A_0] : memref<26x16384xi32, #tpu.memory_space<hbm>> -> memref<1x8192xi32, #tpu.memory_space<hbm>>
      %dma_wait3A_575 = tpu.memref_squeeze %dma_wait3A_574 : memref<1x8192xi32, #tpu.memory_space<hbm>> -> memref<8192xi32, #tpu.memory_space<hbm>>
      %dma_wait3A_576 = tpu.memref_slice %arg2[%run_scoped3A_180, %mul3A_0] : memref<26x16384xi32, #tpu.memory_space<hbm>> -> memref<1x8192xi32, #tpu.memory_space<hbm>>
      %dma_wait3A_577 = tpu.memref_squeeze %dma_wait3A_576 : memref<1x8192xi32, #tpu.memory_space<hbm>> -> memref<8192xi32, #tpu.memory_space<hbm>>
      tpu.wait_dma2 semaphore(%run_scoped3A_569 : memref<!tpu.dma_semaphore, #tpu.memory_space<semaphore_mem>>) src(%dma_wait3A_577 : memref<8192xi32, #tpu.memory_space<hbm>>) dst(%arg7 : memref<8192xi32, #tpu.memory_space<vmem>>)
      tpu.yield
    }) : () -> ()
    %dma_wait3A_181 = arith.constant 8 : i32
    %dma_wait3A_182 = arith.constant 0 : i32
    %dma_wait3A_183 = tpu.memref_slice %arg3[%dma_wait3A_181, %arg1, %dma_wait3A_182] : memref<26x16x100000xf32, #tpu.memory_space<hbm>> -> memref<1x1x100000xf32, #tpu.memory_space<hbm>>
    %dma_wait3A_184 = tpu.memref_squeeze %dma_wait3A_183 : memref<1x1x100000xf32, #tpu.memory_space<hbm>> -> memref<100000xf32, #tpu.memory_space<hbm>>
    %dma_wait3A_185 = arith.constant 0 : i32
    %dma_wait3A_186 = tpu.memref_slice %arg3[%dma_wait3A_181, %arg1, %dma_wait3A_185] : memref<26x16x100000xf32, #tpu.memory_space<hbm>> -> memref<1x1x100000xf32, #tpu.memory_space<hbm>>
    %dma_wait3A_187 = tpu.memref_squeeze %dma_wait3A_186 : memref<1x1x100000xf32, #tpu.memory_space<hbm>> -> memref<100000xf32, #tpu.memory_space<hbm>>
    tpu.wait_dma2 semaphore(%arg10 : memref<!tpu.dma_semaphore, #tpu.memory_space<semaphore_mem>>) src(%dma_wait3A_187 : memref<100000xf32, #tpu.memory_space<hbm>>) dst(%arg6 : memref<100000xf32, #tpu.memory_space<vmem>>)
    %scan3A_188 = arith.constant 0 : i32
    %scan3A_189 = arith.constant 0 : i32
    %scan3A_190 = arith.constant 512 : i32
    %scan3A_191 = arith.addi %scan3A_189, %scan3A_190 : i32
    %scan3A_192 = arith.constant 1 : i32
    %scan3A_193 = scf.for %scan3A_569 = %scan3A_189 to %scan3A_191 step %scan3A_192 iter_args(%scan3A_570 = %scan3A_188) -> (i32)  : i32 {
      %mul3A_571 = arith.constant 16 : i32
      %mul3A_572 = arith.muli %scan3A_569, %mul3A_571 : i32
      %get3A = arith.index_cast %mul3A_572 : i32 to index
      %get3A_573 = tpu.vector_load %arg7[%get3A] {strides = array<i32>} : memref<8192xi32, #tpu.memory_space<vmem>>, vector<16xi32>,
      %gather3A = tpu.vector_load_idx %arg6[%get3A_573] : memref<100000xf32, #tpu.memory_space<vmem>>[vector<16xi32>], vector<16xf32>,
      %get3A_574 = arith.index_cast %mul3A_572 : i32 to index
      %get3A_575 = tpu.vector_load %arg8[%get3A_574] {strides = array<i32>} : memref<8192xf32, #tpu.memory_space<vmem>>, vector<16xf32>,
      %add3A = arith.addf %get3A_575, %gather3A : vector<16xf32>
      %swap3A = arith.index_cast %mul3A_572 : i32 to index
      %swap3A_576 = tpu.vector_load %arg8[%swap3A] {strides = array<i32>} : memref<8192xf32, #tpu.memory_space<vmem>>, vector<16xf32>,
      tpu.vector_store %arg8[%swap3A], %add3A {strides = array<i32>} : memref<8192xf32, #tpu.memory_space<vmem>>, vector<16xf32>,
      %get3A_577 = arith.index_cast %mul3A_572 : i32 to index
      %get3A_578 = tpu.vector_load %arg9[%get3A_577] {strides = array<i32>} : memref<8192xf32, #tpu.memory_space<vmem>>, vector<16xf32>,
      %mul3A_579 = arith.mulf %gather3A, %gather3A : vector<16xf32>
      %add3A_580 = arith.addf %get3A_578, %mul3A_579 : vector<16xf32>
      %swap3A_581 = arith.index_cast %mul3A_572 : i32 to index
      %swap3A_582 = tpu.vector_load %arg9[%swap3A_581] {strides = array<i32>} : memref<8192xf32, #tpu.memory_space<vmem>>, vector<16xf32>,
      tpu.vector_store %arg9[%swap3A_581], %add3A_580 {strides = array<i32>} : memref<8192xf32, #tpu.memory_space<vmem>>, vector<16xf32>,
      %scan3A_583 = arith.constant 0 : i32
      scf.yield %scan3A_583 : i32
    }
    %scan3A_194 = arith.constant 512 : i32
    %dma_start3A_195 = arith.constant 9 : i32
    %dma_start3A_196 = arith.constant 0 : i32
    %dma_start3A_197 = tpu.memref_slice %arg3[%dma_start3A_195, %arg1, %dma_start3A_196] : memref<26x16x100000xf32, #tpu.memory_space<hbm>> -> memref<1x1x100000xf32, #tpu.memory_space<hbm>>
    %dma_start3A_198 = tpu.memref_squeeze %dma_start3A_197 : memref<1x1x100000xf32, #tpu.memory_space<hbm>> -> memref<100000xf32, #tpu.memory_space<hbm>>
    %dma_start3A_199 = arith.constant 0 : i32
    %dma_start3A_200 = tpu.memref_slice %arg3[%dma_start3A_195, %arg1, %dma_start3A_199] : memref<26x16x100000xf32, #tpu.memory_space<hbm>> -> memref<1x1x100000xf32, #tpu.memory_space<hbm>>
    %dma_start3A_201 = tpu.memref_squeeze %dma_start3A_200 : memref<1x1x100000xf32, #tpu.memory_space<hbm>> -> memref<100000xf32, #tpu.memory_space<hbm>>
    tpu.enqueue_dma source(%dma_start3A_201 : memref<100000xf32, #tpu.memory_space<hbm>>) target(%arg6 : memref<100000xf32, #tpu.memory_space<vmem>>) target_semaphore(%arg10 : memref<!tpu.dma_semaphore, #tpu.memory_space<semaphore_mem>>)
    %run_scoped3A_202 = arith.constant 9 : i32
    "tpu.region"() ({
      %run_scoped3A_569 = tpu.sem_alloc : memref<!tpu.dma_semaphore, #tpu.memory_space<semaphore_mem>>
      %dma_start3A_570 = tpu.memref_slice %arg2[%run_scoped3A_202, %mul3A_0] : memref<26x16384xi32, #tpu.memory_space<hbm>> -> memref<1x8192xi32, #tpu.memory_space<hbm>>
      %dma_start3A_571 = tpu.memref_squeeze %dma_start3A_570 : memref<1x8192xi32, #tpu.memory_space<hbm>> -> memref<8192xi32, #tpu.memory_space<hbm>>
      %dma_start3A_572 = tpu.memref_slice %arg2[%run_scoped3A_202, %mul3A_0] : memref<26x16384xi32, #tpu.memory_space<hbm>> -> memref<1x8192xi32, #tpu.memory_space<hbm>>
      %dma_start3A_573 = tpu.memref_squeeze %dma_start3A_572 : memref<1x8192xi32, #tpu.memory_space<hbm>> -> memref<8192xi32, #tpu.memory_space<hbm>>
      tpu.enqueue_dma source(%dma_start3A_573 : memref<8192xi32, #tpu.memory_space<hbm>>) target(%arg7 : memref<8192xi32, #tpu.memory_space<vmem>>) target_semaphore(%run_scoped3A_569 : memref<!tpu.dma_semaphore, #tpu.memory_space<semaphore_mem>>)
      %dma_wait3A_574 = tpu.memref_slice %arg2[%run_scoped3A_202, %mul3A_0] : memref<26x16384xi32, #tpu.memory_space<hbm>> -> memref<1x8192xi32, #tpu.memory_space<hbm>>
      %dma_wait3A_575 = tpu.memref_squeeze %dma_wait3A_574 : memref<1x8192xi32, #tpu.memory_space<hbm>> -> memref<8192xi32, #tpu.memory_space<hbm>>
      %dma_wait3A_576 = tpu.memref_slice %arg2[%run_scoped3A_202, %mul3A_0] : memref<26x16384xi32, #tpu.memory_space<hbm>> -> memref<1x8192xi32, #tpu.memory_space<hbm>>
      %dma_wait3A_577 = tpu.memref_squeeze %dma_wait3A_576 : memref<1x8192xi32, #tpu.memory_space<hbm>> -> memref<8192xi32, #tpu.memory_space<hbm>>
      tpu.wait_dma2 semaphore(%run_scoped3A_569 : memref<!tpu.dma_semaphore, #tpu.memory_space<semaphore_mem>>) src(%dma_wait3A_577 : memref<8192xi32, #tpu.memory_space<hbm>>) dst(%arg7 : memref<8192xi32, #tpu.memory_space<vmem>>)
      tpu.yield
    }) : () -> ()
    %dma_wait3A_203 = arith.constant 9 : i32
    %dma_wait3A_204 = arith.constant 0 : i32
    %dma_wait3A_205 = tpu.memref_slice %arg3[%dma_wait3A_203, %arg1, %dma_wait3A_204] : memref<26x16x100000xf32, #tpu.memory_space<hbm>> -> memref<1x1x100000xf32, #tpu.memory_space<hbm>>
    %dma_wait3A_206 = tpu.memref_squeeze %dma_wait3A_205 : memref<1x1x100000xf32, #tpu.memory_space<hbm>> -> memref<100000xf32, #tpu.memory_space<hbm>>
    %dma_wait3A_207 = arith.constant 0 : i32
    %dma_wait3A_208 = tpu.memref_slice %arg3[%dma_wait3A_203, %arg1, %dma_wait3A_207] : memref<26x16x100000xf32, #tpu.memory_space<hbm>> -> memref<1x1x100000xf32, #tpu.memory_space<hbm>>
    %dma_wait3A_209 = tpu.memref_squeeze %dma_wait3A_208 : memref<1x1x100000xf32, #tpu.memory_space<hbm>> -> memref<100000xf32, #tpu.memory_space<hbm>>
    tpu.wait_dma2 semaphore(%arg10 : memref<!tpu.dma_semaphore, #tpu.memory_space<semaphore_mem>>) src(%dma_wait3A_209 : memref<100000xf32, #tpu.memory_space<hbm>>) dst(%arg6 : memref<100000xf32, #tpu.memory_space<vmem>>)
    %scan3A_210 = arith.constant 0 : i32
    %scan3A_211 = arith.constant 0 : i32
    %scan3A_212 = arith.constant 512 : i32
    %scan3A_213 = arith.addi %scan3A_211, %scan3A_212 : i32
    %scan3A_214 = arith.constant 1 : i32
    %scan3A_215 = scf.for %scan3A_569 = %scan3A_211 to %scan3A_213 step %scan3A_214 iter_args(%scan3A_570 = %scan3A_210) -> (i32)  : i32 {
      %mul3A_571 = arith.constant 16 : i32
      %mul3A_572 = arith.muli %scan3A_569, %mul3A_571 : i32
      %get3A = arith.index_cast %mul3A_572 : i32 to index
      %get3A_573 = tpu.vector_load %arg7[%get3A] {strides = array<i32>} : memref<8192xi32, #tpu.memory_space<vmem>>, vector<16xi32>,
      %gather3A = tpu.vector_load_idx %arg6[%get3A_573] : memref<100000xf32, #tpu.memory_space<vmem>>[vector<16xi32>], vector<16xf32>,
      %get3A_574 = arith.index_cast %mul3A_572 : i32 to index
      %get3A_575 = tpu.vector_load %arg8[%get3A_574] {strides = array<i32>} : memref<8192xf32, #tpu.memory_space<vmem>>, vector<16xf32>,
      %add3A = arith.addf %get3A_575, %gather3A : vector<16xf32>
      %swap3A = arith.index_cast %mul3A_572 : i32 to index
      %swap3A_576 = tpu.vector_load %arg8[%swap3A] {strides = array<i32>} : memref<8192xf32, #tpu.memory_space<vmem>>, vector<16xf32>,
      tpu.vector_store %arg8[%swap3A], %add3A {strides = array<i32>} : memref<8192xf32, #tpu.memory_space<vmem>>, vector<16xf32>,
      %get3A_577 = arith.index_cast %mul3A_572 : i32 to index
      %get3A_578 = tpu.vector_load %arg9[%get3A_577] {strides = array<i32>} : memref<8192xf32, #tpu.memory_space<vmem>>, vector<16xf32>,
      %mul3A_579 = arith.mulf %gather3A, %gather3A : vector<16xf32>
      %add3A_580 = arith.addf %get3A_578, %mul3A_579 : vector<16xf32>
      %swap3A_581 = arith.index_cast %mul3A_572 : i32 to index
      %swap3A_582 = tpu.vector_load %arg9[%swap3A_581] {strides = array<i32>} : memref<8192xf32, #tpu.memory_space<vmem>>, vector<16xf32>,
      tpu.vector_store %arg9[%swap3A_581], %add3A_580 {strides = array<i32>} : memref<8192xf32, #tpu.memory_space<vmem>>, vector<16xf32>,
      %scan3A_583 = arith.constant 0 : i32
      scf.yield %scan3A_583 : i32
    }
    %scan3A_216 = arith.constant 512 : i32
    %dma_start3A_217 = arith.constant 10 : i32
    %dma_start3A_218 = arith.constant 0 : i32
    %dma_start3A_219 = tpu.memref_slice %arg3[%dma_start3A_217, %arg1, %dma_start3A_218] : memref<26x16x100000xf32, #tpu.memory_space<hbm>> -> memref<1x1x100000xf32, #tpu.memory_space<hbm>>
    %dma_start3A_220 = tpu.memref_squeeze %dma_start3A_219 : memref<1x1x100000xf32, #tpu.memory_space<hbm>> -> memref<100000xf32, #tpu.memory_space<hbm>>
    %dma_start3A_221 = arith.constant 0 : i32
    %dma_start3A_222 = tpu.memref_slice %arg3[%dma_start3A_217, %arg1, %dma_start3A_221] : memref<26x16x100000xf32, #tpu.memory_space<hbm>> -> memref<1x1x100000xf32, #tpu.memory_space<hbm>>
    %dma_start3A_223 = tpu.memref_squeeze %dma_start3A_222 : memref<1x1x100000xf32, #tpu.memory_space<hbm>> -> memref<100000xf32, #tpu.memory_space<hbm>>
    tpu.enqueue_dma source(%dma_start3A_223 : memref<100000xf32, #tpu.memory_space<hbm>>) target(%arg6 : memref<100000xf32, #tpu.memory_space<vmem>>) target_semaphore(%arg10 : memref<!tpu.dma_semaphore, #tpu.memory_space<semaphore_mem>>)
    %run_scoped3A_224 = arith.constant 10 : i32
    "tpu.region"() ({
      %run_scoped3A_569 = tpu.sem_alloc : memref<!tpu.dma_semaphore, #tpu.memory_space<semaphore_mem>>
      %dma_start3A_570 = tpu.memref_slice %arg2[%run_scoped3A_224, %mul3A_0] : memref<26x16384xi32, #tpu.memory_space<hbm>> -> memref<1x8192xi32, #tpu.memory_space<hbm>>
      %dma_start3A_571 = tpu.memref_squeeze %dma_start3A_570 : memref<1x8192xi32, #tpu.memory_space<hbm>> -> memref<8192xi32, #tpu.memory_space<hbm>>
      %dma_start3A_572 = tpu.memref_slice %arg2[%run_scoped3A_224, %mul3A_0] : memref<26x16384xi32, #tpu.memory_space<hbm>> -> memref<1x8192xi32, #tpu.memory_space<hbm>>
      %dma_start3A_573 = tpu.memref_squeeze %dma_start3A_572 : memref<1x8192xi32, #tpu.memory_space<hbm>> -> memref<8192xi32, #tpu.memory_space<hbm>>
      tpu.enqueue_dma source(%dma_start3A_573 : memref<8192xi32, #tpu.memory_space<hbm>>) target(%arg7 : memref<8192xi32, #tpu.memory_space<vmem>>) target_semaphore(%run_scoped3A_569 : memref<!tpu.dma_semaphore, #tpu.memory_space<semaphore_mem>>)
      %dma_wait3A_574 = tpu.memref_slice %arg2[%run_scoped3A_224, %mul3A_0] : memref<26x16384xi32, #tpu.memory_space<hbm>> -> memref<1x8192xi32, #tpu.memory_space<hbm>>
      %dma_wait3A_575 = tpu.memref_squeeze %dma_wait3A_574 : memref<1x8192xi32, #tpu.memory_space<hbm>> -> memref<8192xi32, #tpu.memory_space<hbm>>
      %dma_wait3A_576 = tpu.memref_slice %arg2[%run_scoped3A_224, %mul3A_0] : memref<26x16384xi32, #tpu.memory_space<hbm>> -> memref<1x8192xi32, #tpu.memory_space<hbm>>
      %dma_wait3A_577 = tpu.memref_squeeze %dma_wait3A_576 : memref<1x8192xi32, #tpu.memory_space<hbm>> -> memref<8192xi32, #tpu.memory_space<hbm>>
      tpu.wait_dma2 semaphore(%run_scoped3A_569 : memref<!tpu.dma_semaphore, #tpu.memory_space<semaphore_mem>>) src(%dma_wait3A_577 : memref<8192xi32, #tpu.memory_space<hbm>>) dst(%arg7 : memref<8192xi32, #tpu.memory_space<vmem>>)
      tpu.yield
    }) : () -> ()
    %dma_wait3A_225 = arith.constant 10 : i32
    %dma_wait3A_226 = arith.constant 0 : i32
    %dma_wait3A_227 = tpu.memref_slice %arg3[%dma_wait3A_225, %arg1, %dma_wait3A_226] : memref<26x16x100000xf32, #tpu.memory_space<hbm>> -> memref<1x1x100000xf32, #tpu.memory_space<hbm>>
    %dma_wait3A_228 = tpu.memref_squeeze %dma_wait3A_227 : memref<1x1x100000xf32, #tpu.memory_space<hbm>> -> memref<100000xf32, #tpu.memory_space<hbm>>
    %dma_wait3A_229 = arith.constant 0 : i32
    %dma_wait3A_230 = tpu.memref_slice %arg3[%dma_wait3A_225, %arg1, %dma_wait3A_229] : memref<26x16x100000xf32, #tpu.memory_space<hbm>> -> memref<1x1x100000xf32, #tpu.memory_space<hbm>>
    %dma_wait3A_231 = tpu.memref_squeeze %dma_wait3A_230 : memref<1x1x100000xf32, #tpu.memory_space<hbm>> -> memref<100000xf32, #tpu.memory_space<hbm>>
    tpu.wait_dma2 semaphore(%arg10 : memref<!tpu.dma_semaphore, #tpu.memory_space<semaphore_mem>>) src(%dma_wait3A_231 : memref<100000xf32, #tpu.memory_space<hbm>>) dst(%arg6 : memref<100000xf32, #tpu.memory_space<vmem>>)
    %scan3A_232 = arith.constant 0 : i32
    %scan3A_233 = arith.constant 0 : i32
    %scan3A_234 = arith.constant 512 : i32
    %scan3A_235 = arith.addi %scan3A_233, %scan3A_234 : i32
    %scan3A_236 = arith.constant 1 : i32
    %scan3A_237 = scf.for %scan3A_569 = %scan3A_233 to %scan3A_235 step %scan3A_236 iter_args(%scan3A_570 = %scan3A_232) -> (i32)  : i32 {
      %mul3A_571 = arith.constant 16 : i32
      %mul3A_572 = arith.muli %scan3A_569, %mul3A_571 : i32
      %get3A = arith.index_cast %mul3A_572 : i32 to index
      %get3A_573 = tpu.vector_load %arg7[%get3A] {strides = array<i32>} : memref<8192xi32, #tpu.memory_space<vmem>>, vector<16xi32>,
      %gather3A = tpu.vector_load_idx %arg6[%get3A_573] : memref<100000xf32, #tpu.memory_space<vmem>>[vector<16xi32>], vector<16xf32>,
      %get3A_574 = arith.index_cast %mul3A_572 : i32 to index
      %get3A_575 = tpu.vector_load %arg8[%get3A_574] {strides = array<i32>} : memref<8192xf32, #tpu.memory_space<vmem>>, vector<16xf32>,
      %add3A = arith.addf %get3A_575, %gather3A : vector<16xf32>
      %swap3A = arith.index_cast %mul3A_572 : i32 to index
      %swap3A_576 = tpu.vector_load %arg8[%swap3A] {strides = array<i32>} : memref<8192xf32, #tpu.memory_space<vmem>>, vector<16xf32>,
      tpu.vector_store %arg8[%swap3A], %add3A {strides = array<i32>} : memref<8192xf32, #tpu.memory_space<vmem>>, vector<16xf32>,
      %get3A_577 = arith.index_cast %mul3A_572 : i32 to index
      %get3A_578 = tpu.vector_load %arg9[%get3A_577] {strides = array<i32>} : memref<8192xf32, #tpu.memory_space<vmem>>, vector<16xf32>,
      %mul3A_579 = arith.mulf %gather3A, %gather3A : vector<16xf32>
      %add3A_580 = arith.addf %get3A_578, %mul3A_579 : vector<16xf32>
      %swap3A_581 = arith.index_cast %mul3A_572 : i32 to index
      %swap3A_582 = tpu.vector_load %arg9[%swap3A_581] {strides = array<i32>} : memref<8192xf32, #tpu.memory_space<vmem>>, vector<16xf32>,
      tpu.vector_store %arg9[%swap3A_581], %add3A_580 {strides = array<i32>} : memref<8192xf32, #tpu.memory_space<vmem>>, vector<16xf32>,
      %scan3A_583 = arith.constant 0 : i32
      scf.yield %scan3A_583 : i32
    }
    %scan3A_238 = arith.constant 512 : i32
    %dma_start3A_239 = arith.constant 11 : i32
    %dma_start3A_240 = arith.constant 0 : i32
    %dma_start3A_241 = tpu.memref_slice %arg3[%dma_start3A_239, %arg1, %dma_start3A_240] : memref<26x16x100000xf32, #tpu.memory_space<hbm>> -> memref<1x1x100000xf32, #tpu.memory_space<hbm>>
    %dma_start3A_242 = tpu.memref_squeeze %dma_start3A_241 : memref<1x1x100000xf32, #tpu.memory_space<hbm>> -> memref<100000xf32, #tpu.memory_space<hbm>>
    %dma_start3A_243 = arith.constant 0 : i32
    %dma_start3A_244 = tpu.memref_slice %arg3[%dma_start3A_239, %arg1, %dma_start3A_243] : memref<26x16x100000xf32, #tpu.memory_space<hbm>> -> memref<1x1x100000xf32, #tpu.memory_space<hbm>>
    %dma_start3A_245 = tpu.memref_squeeze %dma_start3A_244 : memref<1x1x100000xf32, #tpu.memory_space<hbm>> -> memref<100000xf32, #tpu.memory_space<hbm>>
    tpu.enqueue_dma source(%dma_start3A_245 : memref<100000xf32, #tpu.memory_space<hbm>>) target(%arg6 : memref<100000xf32, #tpu.memory_space<vmem>>) target_semaphore(%arg10 : memref<!tpu.dma_semaphore, #tpu.memory_space<semaphore_mem>>)
    %run_scoped3A_246 = arith.constant 11 : i32
    "tpu.region"() ({
      %run_scoped3A_569 = tpu.sem_alloc : memref<!tpu.dma_semaphore, #tpu.memory_space<semaphore_mem>>
      %dma_start3A_570 = tpu.memref_slice %arg2[%run_scoped3A_246, %mul3A_0] : memref<26x16384xi32, #tpu.memory_space<hbm>> -> memref<1x8192xi32, #tpu.memory_space<hbm>>
      %dma_start3A_571 = tpu.memref_squeeze %dma_start3A_570 : memref<1x8192xi32, #tpu.memory_space<hbm>> -> memref<8192xi32, #tpu.memory_space<hbm>>
      %dma_start3A_572 = tpu.memref_slice %arg2[%run_scoped3A_246, %mul3A_0] : memref<26x16384xi32, #tpu.memory_space<hbm>> -> memref<1x8192xi32, #tpu.memory_space<hbm>>
      %dma_start3A_573 = tpu.memref_squeeze %dma_start3A_572 : memref<1x8192xi32, #tpu.memory_space<hbm>> -> memref<8192xi32, #tpu.memory_space<hbm>>
      tpu.enqueue_dma source(%dma_start3A_573 : memref<8192xi32, #tpu.memory_space<hbm>>) target(%arg7 : memref<8192xi32, #tpu.memory_space<vmem>>) target_semaphore(%run_scoped3A_569 : memref<!tpu.dma_semaphore, #tpu.memory_space<semaphore_mem>>)
      %dma_wait3A_574 = tpu.memref_slice %arg2[%run_scoped3A_246, %mul3A_0] : memref<26x16384xi32, #tpu.memory_space<hbm>> -> memref<1x8192xi32, #tpu.memory_space<hbm>>
      %dma_wait3A_575 = tpu.memref_squeeze %dma_wait3A_574 : memref<1x8192xi32, #tpu.memory_space<hbm>> -> memref<8192xi32, #tpu.memory_space<hbm>>
      %dma_wait3A_576 = tpu.memref_slice %arg2[%run_scoped3A_246, %mul3A_0] : memref<26x16384xi32, #tpu.memory_space<hbm>> -> memref<1x8192xi32, #tpu.memory_space<hbm>>
      %dma_wait3A_577 = tpu.memref_squeeze %dma_wait3A_576 : memref<1x8192xi32, #tpu.memory_space<hbm>> -> memref<8192xi32, #tpu.memory_space<hbm>>
      tpu.wait_dma2 semaphore(%run_scoped3A_569 : memref<!tpu.dma_semaphore, #tpu.memory_space<semaphore_mem>>) src(%dma_wait3A_577 : memref<8192xi32, #tpu.memory_space<hbm>>) dst(%arg7 : memref<8192xi32, #tpu.memory_space<vmem>>)
      tpu.yield
    }) : () -> ()
    %dma_wait3A_247 = arith.constant 11 : i32
    %dma_wait3A_248 = arith.constant 0 : i32
    %dma_wait3A_249 = tpu.memref_slice %arg3[%dma_wait3A_247, %arg1, %dma_wait3A_248] : memref<26x16x100000xf32, #tpu.memory_space<hbm>> -> memref<1x1x100000xf32, #tpu.memory_space<hbm>>
    %dma_wait3A_250 = tpu.memref_squeeze %dma_wait3A_249 : memref<1x1x100000xf32, #tpu.memory_space<hbm>> -> memref<100000xf32, #tpu.memory_space<hbm>>
    %dma_wait3A_251 = arith.constant 0 : i32
    %dma_wait3A_252 = tpu.memref_slice %arg3[%dma_wait3A_247, %arg1, %dma_wait3A_251] : memref<26x16x100000xf32, #tpu.memory_space<hbm>> -> memref<1x1x100000xf32, #tpu.memory_space<hbm>>
    %dma_wait3A_253 = tpu.memref_squeeze %dma_wait3A_252 : memref<1x1x100000xf32, #tpu.memory_space<hbm>> -> memref<100000xf32, #tpu.memory_space<hbm>>
    tpu.wait_dma2 semaphore(%arg10 : memref<!tpu.dma_semaphore, #tpu.memory_space<semaphore_mem>>) src(%dma_wait3A_253 : memref<100000xf32, #tpu.memory_space<hbm>>) dst(%arg6 : memref<100000xf32, #tpu.memory_space<vmem>>)
    %scan3A_254 = arith.constant 0 : i32
    %scan3A_255 = arith.constant 0 : i32
    %scan3A_256 = arith.constant 512 : i32
    %scan3A_257 = arith.addi %scan3A_255, %scan3A_256 : i32
    %scan3A_258 = arith.constant 1 : i32
    %scan3A_259 = scf.for %scan3A_569 = %scan3A_255 to %scan3A_257 step %scan3A_258 iter_args(%scan3A_570 = %scan3A_254) -> (i32)  : i32 {
      %mul3A_571 = arith.constant 16 : i32
      %mul3A_572 = arith.muli %scan3A_569, %mul3A_571 : i32
      %get3A = arith.index_cast %mul3A_572 : i32 to index
      %get3A_573 = tpu.vector_load %arg7[%get3A] {strides = array<i32>} : memref<8192xi32, #tpu.memory_space<vmem>>, vector<16xi32>,
      %gather3A = tpu.vector_load_idx %arg6[%get3A_573] : memref<100000xf32, #tpu.memory_space<vmem>>[vector<16xi32>], vector<16xf32>,
      %get3A_574 = arith.index_cast %mul3A_572 : i32 to index
      %get3A_575 = tpu.vector_load %arg8[%get3A_574] {strides = array<i32>} : memref<8192xf32, #tpu.memory_space<vmem>>, vector<16xf32>,
      %add3A = arith.addf %get3A_575, %gather3A : vector<16xf32>
      %swap3A = arith.index_cast %mul3A_572 : i32 to index
      %swap3A_576 = tpu.vector_load %arg8[%swap3A] {strides = array<i32>} : memref<8192xf32, #tpu.memory_space<vmem>>, vector<16xf32>,
      tpu.vector_store %arg8[%swap3A], %add3A {strides = array<i32>} : memref<8192xf32, #tpu.memory_space<vmem>>, vector<16xf32>,
      %get3A_577 = arith.index_cast %mul3A_572 : i32 to index
      %get3A_578 = tpu.vector_load %arg9[%get3A_577] {strides = array<i32>} : memref<8192xf32, #tpu.memory_space<vmem>>, vector<16xf32>,
      %mul3A_579 = arith.mulf %gather3A, %gather3A : vector<16xf32>
      %add3A_580 = arith.addf %get3A_578, %mul3A_579 : vector<16xf32>
      %swap3A_581 = arith.index_cast %mul3A_572 : i32 to index
      %swap3A_582 = tpu.vector_load %arg9[%swap3A_581] {strides = array<i32>} : memref<8192xf32, #tpu.memory_space<vmem>>, vector<16xf32>,
      tpu.vector_store %arg9[%swap3A_581], %add3A_580 {strides = array<i32>} : memref<8192xf32, #tpu.memory_space<vmem>>, vector<16xf32>,
      %scan3A_583 = arith.constant 0 : i32
      scf.yield %scan3A_583 : i32
    }
    %scan3A_260 = arith.constant 512 : i32
    %dma_start3A_261 = arith.constant 12 : i32
    %dma_start3A_262 = arith.constant 0 : i32
    %dma_start3A_263 = tpu.memref_slice %arg3[%dma_start3A_261, %arg1, %dma_start3A_262] : memref<26x16x100000xf32, #tpu.memory_space<hbm>> -> memref<1x1x100000xf32, #tpu.memory_space<hbm>>
    %dma_start3A_264 = tpu.memref_squeeze %dma_start3A_263 : memref<1x1x100000xf32, #tpu.memory_space<hbm>> -> memref<100000xf32, #tpu.memory_space<hbm>>
    %dma_start3A_265 = arith.constant 0 : i32
    %dma_start3A_266 = tpu.memref_slice %arg3[%dma_start3A_261, %arg1, %dma_start3A_265] : memref<26x16x100000xf32, #tpu.memory_space<hbm>> -> memref<1x1x100000xf32, #tpu.memory_space<hbm>>
    %dma_start3A_267 = tpu.memref_squeeze %dma_start3A_266 : memref<1x1x100000xf32, #tpu.memory_space<hbm>> -> memref<100000xf32, #tpu.memory_space<hbm>>
    tpu.enqueue_dma source(%dma_start3A_267 : memref<100000xf32, #tpu.memory_space<hbm>>) target(%arg6 : memref<100000xf32, #tpu.memory_space<vmem>>) target_semaphore(%arg10 : memref<!tpu.dma_semaphore, #tpu.memory_space<semaphore_mem>>)
    %run_scoped3A_268 = arith.constant 12 : i32
    "tpu.region"() ({
      %run_scoped3A_569 = tpu.sem_alloc : memref<!tpu.dma_semaphore, #tpu.memory_space<semaphore_mem>>
      %dma_start3A_570 = tpu.memref_slice %arg2[%run_scoped3A_268, %mul3A_0] : memref<26x16384xi32, #tpu.memory_space<hbm>> -> memref<1x8192xi32, #tpu.memory_space<hbm>>
      %dma_start3A_571 = tpu.memref_squeeze %dma_start3A_570 : memref<1x8192xi32, #tpu.memory_space<hbm>> -> memref<8192xi32, #tpu.memory_space<hbm>>
      %dma_start3A_572 = tpu.memref_slice %arg2[%run_scoped3A_268, %mul3A_0] : memref<26x16384xi32, #tpu.memory_space<hbm>> -> memref<1x8192xi32, #tpu.memory_space<hbm>>
      %dma_start3A_573 = tpu.memref_squeeze %dma_start3A_572 : memref<1x8192xi32, #tpu.memory_space<hbm>> -> memref<8192xi32, #tpu.memory_space<hbm>>
      tpu.enqueue_dma source(%dma_start3A_573 : memref<8192xi32, #tpu.memory_space<hbm>>) target(%arg7 : memref<8192xi32, #tpu.memory_space<vmem>>) target_semaphore(%run_scoped3A_569 : memref<!tpu.dma_semaphore, #tpu.memory_space<semaphore_mem>>)
      %dma_wait3A_574 = tpu.memref_slice %arg2[%run_scoped3A_268, %mul3A_0] : memref<26x16384xi32, #tpu.memory_space<hbm>> -> memref<1x8192xi32, #tpu.memory_space<hbm>>
      %dma_wait3A_575 = tpu.memref_squeeze %dma_wait3A_574 : memref<1x8192xi32, #tpu.memory_space<hbm>> -> memref<8192xi32, #tpu.memory_space<hbm>>
      %dma_wait3A_576 = tpu.memref_slice %arg2[%run_scoped3A_268, %mul3A_0] : memref<26x16384xi32, #tpu.memory_space<hbm>> -> memref<1x8192xi32, #tpu.memory_space<hbm>>
      %dma_wait3A_577 = tpu.memref_squeeze %dma_wait3A_576 : memref<1x8192xi32, #tpu.memory_space<hbm>> -> memref<8192xi32, #tpu.memory_space<hbm>>
      tpu.wait_dma2 semaphore(%run_scoped3A_569 : memref<!tpu.dma_semaphore, #tpu.memory_space<semaphore_mem>>) src(%dma_wait3A_577 : memref<8192xi32, #tpu.memory_space<hbm>>) dst(%arg7 : memref<8192xi32, #tpu.memory_space<vmem>>)
      tpu.yield
    }) : () -> ()
    %dma_wait3A_269 = arith.constant 12 : i32
    %dma_wait3A_270 = arith.constant 0 : i32
    %dma_wait3A_271 = tpu.memref_slice %arg3[%dma_wait3A_269, %arg1, %dma_wait3A_270] : memref<26x16x100000xf32, #tpu.memory_space<hbm>> -> memref<1x1x100000xf32, #tpu.memory_space<hbm>>
    %dma_wait3A_272 = tpu.memref_squeeze %dma_wait3A_271 : memref<1x1x100000xf32, #tpu.memory_space<hbm>> -> memref<100000xf32, #tpu.memory_space<hbm>>
    %dma_wait3A_273 = arith.constant 0 : i32
    %dma_wait3A_274 = tpu.memref_slice %arg3[%dma_wait3A_269, %arg1, %dma_wait3A_273] : memref<26x16x100000xf32, #tpu.memory_space<hbm>> -> memref<1x1x100000xf32, #tpu.memory_space<hbm>>
    %dma_wait3A_275 = tpu.memref_squeeze %dma_wait3A_274 : memref<1x1x100000xf32, #tpu.memory_space<hbm>> -> memref<100000xf32, #tpu.memory_space<hbm>>
    tpu.wait_dma2 semaphore(%arg10 : memref<!tpu.dma_semaphore, #tpu.memory_space<semaphore_mem>>) src(%dma_wait3A_275 : memref<100000xf32, #tpu.memory_space<hbm>>) dst(%arg6 : memref<100000xf32, #tpu.memory_space<vmem>>)
    %scan3A_276 = arith.constant 0 : i32
    %scan3A_277 = arith.constant 0 : i32
    %scan3A_278 = arith.constant 512 : i32
    %scan3A_279 = arith.addi %scan3A_277, %scan3A_278 : i32
    %scan3A_280 = arith.constant 1 : i32
    %scan3A_281 = scf.for %scan3A_569 = %scan3A_277 to %scan3A_279 step %scan3A_280 iter_args(%scan3A_570 = %scan3A_276) -> (i32)  : i32 {
      %mul3A_571 = arith.constant 16 : i32
      %mul3A_572 = arith.muli %scan3A_569, %mul3A_571 : i32
      %get3A = arith.index_cast %mul3A_572 : i32 to index
      %get3A_573 = tpu.vector_load %arg7[%get3A] {strides = array<i32>} : memref<8192xi32, #tpu.memory_space<vmem>>, vector<16xi32>,
      %gather3A = tpu.vector_load_idx %arg6[%get3A_573] : memref<100000xf32, #tpu.memory_space<vmem>>[vector<16xi32>], vector<16xf32>,
      %get3A_574 = arith.index_cast %mul3A_572 : i32 to index
      %get3A_575 = tpu.vector_load %arg8[%get3A_574] {strides = array<i32>} : memref<8192xf32, #tpu.memory_space<vmem>>, vector<16xf32>,
      %add3A = arith.addf %get3A_575, %gather3A : vector<16xf32>
      %swap3A = arith.index_cast %mul3A_572 : i32 to index
      %swap3A_576 = tpu.vector_load %arg8[%swap3A] {strides = array<i32>} : memref<8192xf32, #tpu.memory_space<vmem>>, vector<16xf32>,
      tpu.vector_store %arg8[%swap3A], %add3A {strides = array<i32>} : memref<8192xf32, #tpu.memory_space<vmem>>, vector<16xf32>,
      %get3A_577 = arith.index_cast %mul3A_572 : i32 to index
      %get3A_578 = tpu.vector_load %arg9[%get3A_577] {strides = array<i32>} : memref<8192xf32, #tpu.memory_space<vmem>>, vector<16xf32>,
      %mul3A_579 = arith.mulf %gather3A, %gather3A : vector<16xf32>
      %add3A_580 = arith.addf %get3A_578, %mul3A_579 : vector<16xf32>
      %swap3A_581 = arith.index_cast %mul3A_572 : i32 to index
      %swap3A_582 = tpu.vector_load %arg9[%swap3A_581] {strides = array<i32>} : memref<8192xf32, #tpu.memory_space<vmem>>, vector<16xf32>,
      tpu.vector_store %arg9[%swap3A_581], %add3A_580 {strides = array<i32>} : memref<8192xf32, #tpu.memory_space<vmem>>, vector<16xf32>,
      %scan3A_583 = arith.constant 0 : i32
      scf.yield %scan3A_583 : i32
    }
    %scan3A_282 = arith.constant 512 : i32
    %dma_start3A_283 = arith.constant 13 : i32
    %dma_start3A_284 = arith.constant 0 : i32
    %dma_start3A_285 = tpu.memref_slice %arg3[%dma_start3A_283, %arg1, %dma_start3A_284] : memref<26x16x100000xf32, #tpu.memory_space<hbm>> -> memref<1x1x100000xf32, #tpu.memory_space<hbm>>
    %dma_start3A_286 = tpu.memref_squeeze %dma_start3A_285 : memref<1x1x100000xf32, #tpu.memory_space<hbm>> -> memref<100000xf32, #tpu.memory_space<hbm>>
    %dma_start3A_287 = arith.constant 0 : i32
    %dma_start3A_288 = tpu.memref_slice %arg3[%dma_start3A_283, %arg1, %dma_start3A_287] : memref<26x16x100000xf32, #tpu.memory_space<hbm>> -> memref<1x1x100000xf32, #tpu.memory_space<hbm>>
    %dma_start3A_289 = tpu.memref_squeeze %dma_start3A_288 : memref<1x1x100000xf32, #tpu.memory_space<hbm>> -> memref<100000xf32, #tpu.memory_space<hbm>>
    tpu.enqueue_dma source(%dma_start3A_289 : memref<100000xf32, #tpu.memory_space<hbm>>) target(%arg6 : memref<100000xf32, #tpu.memory_space<vmem>>) target_semaphore(%arg10 : memref<!tpu.dma_semaphore, #tpu.memory_space<semaphore_mem>>)
    %run_scoped3A_290 = arith.constant 13 : i32
    "tpu.region"() ({
      %run_scoped3A_569 = tpu.sem_alloc : memref<!tpu.dma_semaphore, #tpu.memory_space<semaphore_mem>>
      %dma_start3A_570 = tpu.memref_slice %arg2[%run_scoped3A_290, %mul3A_0] : memref<26x16384xi32, #tpu.memory_space<hbm>> -> memref<1x8192xi32, #tpu.memory_space<hbm>>
      %dma_start3A_571 = tpu.memref_squeeze %dma_start3A_570 : memref<1x8192xi32, #tpu.memory_space<hbm>> -> memref<8192xi32, #tpu.memory_space<hbm>>
      %dma_start3A_572 = tpu.memref_slice %arg2[%run_scoped3A_290, %mul3A_0] : memref<26x16384xi32, #tpu.memory_space<hbm>> -> memref<1x8192xi32, #tpu.memory_space<hbm>>
      %dma_start3A_573 = tpu.memref_squeeze %dma_start3A_572 : memref<1x8192xi32, #tpu.memory_space<hbm>> -> memref<8192xi32, #tpu.memory_space<hbm>>
      tpu.enqueue_dma source(%dma_start3A_573 : memref<8192xi32, #tpu.memory_space<hbm>>) target(%arg7 : memref<8192xi32, #tpu.memory_space<vmem>>) target_semaphore(%run_scoped3A_569 : memref<!tpu.dma_semaphore, #tpu.memory_space<semaphore_mem>>)
      %dma_wait3A_574 = tpu.memref_slice %arg2[%run_scoped3A_290, %mul3A_0] : memref<26x16384xi32, #tpu.memory_space<hbm>> -> memref<1x8192xi32, #tpu.memory_space<hbm>>
      %dma_wait3A_575 = tpu.memref_squeeze %dma_wait3A_574 : memref<1x8192xi32, #tpu.memory_space<hbm>> -> memref<8192xi32, #tpu.memory_space<hbm>>
      %dma_wait3A_576 = tpu.memref_slice %arg2[%run_scoped3A_290, %mul3A_0] : memref<26x16384xi32, #tpu.memory_space<hbm>> -> memref<1x8192xi32, #tpu.memory_space<hbm>>
      %dma_wait3A_577 = tpu.memref_squeeze %dma_wait3A_576 : memref<1x8192xi32, #tpu.memory_space<hbm>> -> memref<8192xi32, #tpu.memory_space<hbm>>
      tpu.wait_dma2 semaphore(%run_scoped3A_569 : memref<!tpu.dma_semaphore, #tpu.memory_space<semaphore_mem>>) src(%dma_wait3A_577 : memref<8192xi32, #tpu.memory_space<hbm>>) dst(%arg7 : memref<8192xi32, #tpu.memory_space<vmem>>)
      tpu.yield
    }) : () -> ()
    %dma_wait3A_291 = arith.constant 13 : i32
    %dma_wait3A_292 = arith.constant 0 : i32
    %dma_wait3A_293 = tpu.memref_slice %arg3[%dma_wait3A_291, %arg1, %dma_wait3A_292] : memref<26x16x100000xf32, #tpu.memory_space<hbm>> -> memref<1x1x100000xf32, #tpu.memory_space<hbm>>
    %dma_wait3A_294 = tpu.memref_squeeze %dma_wait3A_293 : memref<1x1x100000xf32, #tpu.memory_space<hbm>> -> memref<100000xf32, #tpu.memory_space<hbm>>
    %dma_wait3A_295 = arith.constant 0 : i32
    %dma_wait3A_296 = tpu.memref_slice %arg3[%dma_wait3A_291, %arg1, %dma_wait3A_295] : memref<26x16x100000xf32, #tpu.memory_space<hbm>> -> memref<1x1x100000xf32, #tpu.memory_space<hbm>>
    %dma_wait3A_297 = tpu.memref_squeeze %dma_wait3A_296 : memref<1x1x100000xf32, #tpu.memory_space<hbm>> -> memref<100000xf32, #tpu.memory_space<hbm>>
    tpu.wait_dma2 semaphore(%arg10 : memref<!tpu.dma_semaphore, #tpu.memory_space<semaphore_mem>>) src(%dma_wait3A_297 : memref<100000xf32, #tpu.memory_space<hbm>>) dst(%arg6 : memref<100000xf32, #tpu.memory_space<vmem>>)
    %scan3A_298 = arith.constant 0 : i32
    %scan3A_299 = arith.constant 0 : i32
    %scan3A_300 = arith.constant 512 : i32
    %scan3A_301 = arith.addi %scan3A_299, %scan3A_300 : i32
    %scan3A_302 = arith.constant 1 : i32
    %scan3A_303 = scf.for %scan3A_569 = %scan3A_299 to %scan3A_301 step %scan3A_302 iter_args(%scan3A_570 = %scan3A_298) -> (i32)  : i32 {
      %mul3A_571 = arith.constant 16 : i32
      %mul3A_572 = arith.muli %scan3A_569, %mul3A_571 : i32
      %get3A = arith.index_cast %mul3A_572 : i32 to index
      %get3A_573 = tpu.vector_load %arg7[%get3A] {strides = array<i32>} : memref<8192xi32, #tpu.memory_space<vmem>>, vector<16xi32>,
      %gather3A = tpu.vector_load_idx %arg6[%get3A_573] : memref<100000xf32, #tpu.memory_space<vmem>>[vector<16xi32>], vector<16xf32>,
      %get3A_574 = arith.index_cast %mul3A_572 : i32 to index
      %get3A_575 = tpu.vector_load %arg8[%get3A_574] {strides = array<i32>} : memref<8192xf32, #tpu.memory_space<vmem>>, vector<16xf32>,
      %add3A = arith.addf %get3A_575, %gather3A : vector<16xf32>
      %swap3A = arith.index_cast %mul3A_572 : i32 to index
      %swap3A_576 = tpu.vector_load %arg8[%swap3A] {strides = array<i32>} : memref<8192xf32, #tpu.memory_space<vmem>>, vector<16xf32>,
      tpu.vector_store %arg8[%swap3A], %add3A {strides = array<i32>} : memref<8192xf32, #tpu.memory_space<vmem>>, vector<16xf32>,
      %get3A_577 = arith.index_cast %mul3A_572 : i32 to index
      %get3A_578 = tpu.vector_load %arg9[%get3A_577] {strides = array<i32>} : memref<8192xf32, #tpu.memory_space<vmem>>, vector<16xf32>,
      %mul3A_579 = arith.mulf %gather3A, %gather3A : vector<16xf32>
      %add3A_580 = arith.addf %get3A_578, %mul3A_579 : vector<16xf32>
      %swap3A_581 = arith.index_cast %mul3A_572 : i32 to index
      %swap3A_582 = tpu.vector_load %arg9[%swap3A_581] {strides = array<i32>} : memref<8192xf32, #tpu.memory_space<vmem>>, vector<16xf32>,
      tpu.vector_store %arg9[%swap3A_581], %add3A_580 {strides = array<i32>} : memref<8192xf32, #tpu.memory_space<vmem>>, vector<16xf32>,
      %scan3A_583 = arith.constant 0 : i32
      scf.yield %scan3A_583 : i32
    }
    %scan3A_304 = arith.constant 512 : i32
    %dma_start3A_305 = arith.constant 14 : i32
    %dma_start3A_306 = arith.constant 0 : i32
    %dma_start3A_307 = tpu.memref_slice %arg3[%dma_start3A_305, %arg1, %dma_start3A_306] : memref<26x16x100000xf32, #tpu.memory_space<hbm>> -> memref<1x1x100000xf32, #tpu.memory_space<hbm>>
    %dma_start3A_308 = tpu.memref_squeeze %dma_start3A_307 : memref<1x1x100000xf32, #tpu.memory_space<hbm>> -> memref<100000xf32, #tpu.memory_space<hbm>>
    %dma_start3A_309 = arith.constant 0 : i32
    %dma_start3A_310 = tpu.memref_slice %arg3[%dma_start3A_305, %arg1, %dma_start3A_309] : memref<26x16x100000xf32, #tpu.memory_space<hbm>> -> memref<1x1x100000xf32, #tpu.memory_space<hbm>>
    %dma_start3A_311 = tpu.memref_squeeze %dma_start3A_310 : memref<1x1x100000xf32, #tpu.memory_space<hbm>> -> memref<100000xf32, #tpu.memory_space<hbm>>
    tpu.enqueue_dma source(%dma_start3A_311 : memref<100000xf32, #tpu.memory_space<hbm>>) target(%arg6 : memref<100000xf32, #tpu.memory_space<vmem>>) target_semaphore(%arg10 : memref<!tpu.dma_semaphore, #tpu.memory_space<semaphore_mem>>)
    %run_scoped3A_312 = arith.constant 14 : i32
    "tpu.region"() ({
      %run_scoped3A_569 = tpu.sem_alloc : memref<!tpu.dma_semaphore, #tpu.memory_space<semaphore_mem>>
      %dma_start3A_570 = tpu.memref_slice %arg2[%run_scoped3A_312, %mul3A_0] : memref<26x16384xi32, #tpu.memory_space<hbm>> -> memref<1x8192xi32, #tpu.memory_space<hbm>>
      %dma_start3A_571 = tpu.memref_squeeze %dma_start3A_570 : memref<1x8192xi32, #tpu.memory_space<hbm>> -> memref<8192xi32, #tpu.memory_space<hbm>>
      %dma_start3A_572 = tpu.memref_slice %arg2[%run_scoped3A_312, %mul3A_0] : memref<26x16384xi32, #tpu.memory_space<hbm>> -> memref<1x8192xi32, #tpu.memory_space<hbm>>
      %dma_start3A_573 = tpu.memref_squeeze %dma_start3A_572 : memref<1x8192xi32, #tpu.memory_space<hbm>> -> memref<8192xi32, #tpu.memory_space<hbm>>
      tpu.enqueue_dma source(%dma_start3A_573 : memref<8192xi32, #tpu.memory_space<hbm>>) target(%arg7 : memref<8192xi32, #tpu.memory_space<vmem>>) target_semaphore(%run_scoped3A_569 : memref<!tpu.dma_semaphore, #tpu.memory_space<semaphore_mem>>)
      %dma_wait3A_574 = tpu.memref_slice %arg2[%run_scoped3A_312, %mul3A_0] : memref<26x16384xi32, #tpu.memory_space<hbm>> -> memref<1x8192xi32, #tpu.memory_space<hbm>>
      %dma_wait3A_575 = tpu.memref_squeeze %dma_wait3A_574 : memref<1x8192xi32, #tpu.memory_space<hbm>> -> memref<8192xi32, #tpu.memory_space<hbm>>
      %dma_wait3A_576 = tpu.memref_slice %arg2[%run_scoped3A_312, %mul3A_0] : memref<26x16384xi32, #tpu.memory_space<hbm>> -> memref<1x8192xi32, #tpu.memory_space<hbm>>
      %dma_wait3A_577 = tpu.memref_squeeze %dma_wait3A_576 : memref<1x8192xi32, #tpu.memory_space<hbm>> -> memref<8192xi32, #tpu.memory_space<hbm>>
      tpu.wait_dma2 semaphore(%run_scoped3A_569 : memref<!tpu.dma_semaphore, #tpu.memory_space<semaphore_mem>>) src(%dma_wait3A_577 : memref<8192xi32, #tpu.memory_space<hbm>>) dst(%arg7 : memref<8192xi32, #tpu.memory_space<vmem>>)
      tpu.yield
    }) : () -> ()
    %dma_wait3A_313 = arith.constant 14 : i32
    %dma_wait3A_314 = arith.constant 0 : i32
    %dma_wait3A_315 = tpu.memref_slice %arg3[%dma_wait3A_313, %arg1, %dma_wait3A_314] : memref<26x16x100000xf32, #tpu.memory_space<hbm>> -> memref<1x1x100000xf32, #tpu.memory_space<hbm>>
    %dma_wait3A_316 = tpu.memref_squeeze %dma_wait3A_315 : memref<1x1x100000xf32, #tpu.memory_space<hbm>> -> memref<100000xf32, #tpu.memory_space<hbm>>
    %dma_wait3A_317 = arith.constant 0 : i32
    %dma_wait3A_318 = tpu.memref_slice %arg3[%dma_wait3A_313, %arg1, %dma_wait3A_317] : memref<26x16x100000xf32, #tpu.memory_space<hbm>> -> memref<1x1x100000xf32, #tpu.memory_space<hbm>>
    %dma_wait3A_319 = tpu.memref_squeeze %dma_wait3A_318 : memref<1x1x100000xf32, #tpu.memory_space<hbm>> -> memref<100000xf32, #tpu.memory_space<hbm>>
    tpu.wait_dma2 semaphore(%arg10 : memref<!tpu.dma_semaphore, #tpu.memory_space<semaphore_mem>>) src(%dma_wait3A_319 : memref<100000xf32, #tpu.memory_space<hbm>>) dst(%arg6 : memref<100000xf32, #tpu.memory_space<vmem>>)
    %scan3A_320 = arith.constant 0 : i32
    %scan3A_321 = arith.constant 0 : i32
    %scan3A_322 = arith.constant 512 : i32
    %scan3A_323 = arith.addi %scan3A_321, %scan3A_322 : i32
    %scan3A_324 = arith.constant 1 : i32
    %scan3A_325 = scf.for %scan3A_569 = %scan3A_321 to %scan3A_323 step %scan3A_324 iter_args(%scan3A_570 = %scan3A_320) -> (i32)  : i32 {
      %mul3A_571 = arith.constant 16 : i32
      %mul3A_572 = arith.muli %scan3A_569, %mul3A_571 : i32
      %get3A = arith.index_cast %mul3A_572 : i32 to index
      %get3A_573 = tpu.vector_load %arg7[%get3A] {strides = array<i32>} : memref<8192xi32, #tpu.memory_space<vmem>>, vector<16xi32>,
      %gather3A = tpu.vector_load_idx %arg6[%get3A_573] : memref<100000xf32, #tpu.memory_space<vmem>>[vector<16xi32>], vector<16xf32>,
      %get3A_574 = arith.index_cast %mul3A_572 : i32 to index
      %get3A_575 = tpu.vector_load %arg8[%get3A_574] {strides = array<i32>} : memref<8192xf32, #tpu.memory_space<vmem>>, vector<16xf32>,
      %add3A = arith.addf %get3A_575, %gather3A : vector<16xf32>
      %swap3A = arith.index_cast %mul3A_572 : i32 to index
      %swap3A_576 = tpu.vector_load %arg8[%swap3A] {strides = array<i32>} : memref<8192xf32, #tpu.memory_space<vmem>>, vector<16xf32>,
      tpu.vector_store %arg8[%swap3A], %add3A {strides = array<i32>} : memref<8192xf32, #tpu.memory_space<vmem>>, vector<16xf32>,
      %get3A_577 = arith.index_cast %mul3A_572 : i32 to index
      %get3A_578 = tpu.vector_load %arg9[%get3A_577] {strides = array<i32>} : memref<8192xf32, #tpu.memory_space<vmem>>, vector<16xf32>,
      %mul3A_579 = arith.mulf %gather3A, %gather3A : vector<16xf32>
      %add3A_580 = arith.addf %get3A_578, %mul3A_579 : vector<16xf32>
      %swap3A_581 = arith.index_cast %mul3A_572 : i32 to index
      %swap3A_582 = tpu.vector_load %arg9[%swap3A_581] {strides = array<i32>} : memref<8192xf32, #tpu.memory_space<vmem>>, vector<16xf32>,
      tpu.vector_store %arg9[%swap3A_581], %add3A_580 {strides = array<i32>} : memref<8192xf32, #tpu.memory_space<vmem>>, vector<16xf32>,
      %scan3A_583 = arith.constant 0 : i32
      scf.yield %scan3A_583 : i32
    }
    %scan3A_326 = arith.constant 512 : i32
    %dma_start3A_327 = arith.constant 15 : i32
    %dma_start3A_328 = arith.constant 0 : i32
    %dma_start3A_329 = tpu.memref_slice %arg3[%dma_start3A_327, %arg1, %dma_start3A_328] : memref<26x16x100000xf32, #tpu.memory_space<hbm>> -> memref<1x1x100000xf32, #tpu.memory_space<hbm>>
    %dma_start3A_330 = tpu.memref_squeeze %dma_start3A_329 : memref<1x1x100000xf32, #tpu.memory_space<hbm>> -> memref<100000xf32, #tpu.memory_space<hbm>>
    %dma_start3A_331 = arith.constant 0 : i32
    %dma_start3A_332 = tpu.memref_slice %arg3[%dma_start3A_327, %arg1, %dma_start3A_331] : memref<26x16x100000xf32, #tpu.memory_space<hbm>> -> memref<1x1x100000xf32, #tpu.memory_space<hbm>>
    %dma_start3A_333 = tpu.memref_squeeze %dma_start3A_332 : memref<1x1x100000xf32, #tpu.memory_space<hbm>> -> memref<100000xf32, #tpu.memory_space<hbm>>
    tpu.enqueue_dma source(%dma_start3A_333 : memref<100000xf32, #tpu.memory_space<hbm>>) target(%arg6 : memref<100000xf32, #tpu.memory_space<vmem>>) target_semaphore(%arg10 : memref<!tpu.dma_semaphore, #tpu.memory_space<semaphore_mem>>)
    %run_scoped3A_334 = arith.constant 15 : i32
    "tpu.region"() ({
      %run_scoped3A_569 = tpu.sem_alloc : memref<!tpu.dma_semaphore, #tpu.memory_space<semaphore_mem>>
      %dma_start3A_570 = tpu.memref_slice %arg2[%run_scoped3A_334, %mul3A_0] : memref<26x16384xi32, #tpu.memory_space<hbm>> -> memref<1x8192xi32, #tpu.memory_space<hbm>>
      %dma_start3A_571 = tpu.memref_squeeze %dma_start3A_570 : memref<1x8192xi32, #tpu.memory_space<hbm>> -> memref<8192xi32, #tpu.memory_space<hbm>>
      %dma_start3A_572 = tpu.memref_slice %arg2[%run_scoped3A_334, %mul3A_0] : memref<26x16384xi32, #tpu.memory_space<hbm>> -> memref<1x8192xi32, #tpu.memory_space<hbm>>
      %dma_start3A_573 = tpu.memref_squeeze %dma_start3A_572 : memref<1x8192xi32, #tpu.memory_space<hbm>> -> memref<8192xi32, #tpu.memory_space<hbm>>
      tpu.enqueue_dma source(%dma_start3A_573 : memref<8192xi32, #tpu.memory_space<hbm>>) target(%arg7 : memref<8192xi32, #tpu.memory_space<vmem>>) target_semaphore(%run_scoped3A_569 : memref<!tpu.dma_semaphore, #tpu.memory_space<semaphore_mem>>)
      %dma_wait3A_574 = tpu.memref_slice %arg2[%run_scoped3A_334, %mul3A_0] : memref<26x16384xi32, #tpu.memory_space<hbm>> -> memref<1x8192xi32, #tpu.memory_space<hbm>>
      %dma_wait3A_575 = tpu.memref_squeeze %dma_wait3A_574 : memref<1x8192xi32, #tpu.memory_space<hbm>> -> memref<8192xi32, #tpu.memory_space<hbm>>
      %dma_wait3A_576 = tpu.memref_slice %arg2[%run_scoped3A_334, %mul3A_0] : memref<26x16384xi32, #tpu.memory_space<hbm>> -> memref<1x8192xi32, #tpu.memory_space<hbm>>
      %dma_wait3A_577 = tpu.memref_squeeze %dma_wait3A_576 : memref<1x8192xi32, #tpu.memory_space<hbm>> -> memref<8192xi32, #tpu.memory_space<hbm>>
      tpu.wait_dma2 semaphore(%run_scoped3A_569 : memref<!tpu.dma_semaphore, #tpu.memory_space<semaphore_mem>>) src(%dma_wait3A_577 : memref<8192xi32, #tpu.memory_space<hbm>>) dst(%arg7 : memref<8192xi32, #tpu.memory_space<vmem>>)
      tpu.yield
    }) : () -> ()
    %dma_wait3A_335 = arith.constant 15 : i32
    %dma_wait3A_336 = arith.constant 0 : i32
    %dma_wait3A_337 = tpu.memref_slice %arg3[%dma_wait3A_335, %arg1, %dma_wait3A_336] : memref<26x16x100000xf32, #tpu.memory_space<hbm>> -> memref<1x1x100000xf32, #tpu.memory_space<hbm>>
    %dma_wait3A_338 = tpu.memref_squeeze %dma_wait3A_337 : memref<1x1x100000xf32, #tpu.memory_space<hbm>> -> memref<100000xf32, #tpu.memory_space<hbm>>
    %dma_wait3A_339 = arith.constant 0 : i32
    %dma_wait3A_340 = tpu.memref_slice %arg3[%dma_wait3A_335, %arg1, %dma_wait3A_339] : memref<26x16x100000xf32, #tpu.memory_space<hbm>> -> memref<1x1x100000xf32, #tpu.memory_space<hbm>>
    %dma_wait3A_341 = tpu.memref_squeeze %dma_wait3A_340 : memref<1x1x100000xf32, #tpu.memory_space<hbm>> -> memref<100000xf32, #tpu.memory_space<hbm>>
    tpu.wait_dma2 semaphore(%arg10 : memref<!tpu.dma_semaphore, #tpu.memory_space<semaphore_mem>>) src(%dma_wait3A_341 : memref<100000xf32, #tpu.memory_space<hbm>>) dst(%arg6 : memref<100000xf32, #tpu.memory_space<vmem>>)
    %scan3A_342 = arith.constant 0 : i32
    %scan3A_343 = arith.constant 0 : i32
    %scan3A_344 = arith.constant 512 : i32
    %scan3A_345 = arith.addi %scan3A_343, %scan3A_344 : i32
    %scan3A_346 = arith.constant 1 : i32
    %scan3A_347 = scf.for %scan3A_569 = %scan3A_343 to %scan3A_345 step %scan3A_346 iter_args(%scan3A_570 = %scan3A_342) -> (i32)  : i32 {
      %mul3A_571 = arith.constant 16 : i32
      %mul3A_572 = arith.muli %scan3A_569, %mul3A_571 : i32
      %get3A = arith.index_cast %mul3A_572 : i32 to index
      %get3A_573 = tpu.vector_load %arg7[%get3A] {strides = array<i32>} : memref<8192xi32, #tpu.memory_space<vmem>>, vector<16xi32>,
      %gather3A = tpu.vector_load_idx %arg6[%get3A_573] : memref<100000xf32, #tpu.memory_space<vmem>>[vector<16xi32>], vector<16xf32>,
      %get3A_574 = arith.index_cast %mul3A_572 : i32 to index
      %get3A_575 = tpu.vector_load %arg8[%get3A_574] {strides = array<i32>} : memref<8192xf32, #tpu.memory_space<vmem>>, vector<16xf32>,
      %add3A = arith.addf %get3A_575, %gather3A : vector<16xf32>
      %swap3A = arith.index_cast %mul3A_572 : i32 to index
      %swap3A_576 = tpu.vector_load %arg8[%swap3A] {strides = array<i32>} : memref<8192xf32, #tpu.memory_space<vmem>>, vector<16xf32>,
      tpu.vector_store %arg8[%swap3A], %add3A {strides = array<i32>} : memref<8192xf32, #tpu.memory_space<vmem>>, vector<16xf32>,
      %get3A_577 = arith.index_cast %mul3A_572 : i32 to index
      %get3A_578 = tpu.vector_load %arg9[%get3A_577] {strides = array<i32>} : memref<8192xf32, #tpu.memory_space<vmem>>, vector<16xf32>,
      %mul3A_579 = arith.mulf %gather3A, %gather3A : vector<16xf32>
      %add3A_580 = arith.addf %get3A_578, %mul3A_579 : vector<16xf32>
      %swap3A_581 = arith.index_cast %mul3A_572 : i32 to index
      %swap3A_582 = tpu.vector_load %arg9[%swap3A_581] {strides = array<i32>} : memref<8192xf32, #tpu.memory_space<vmem>>, vector<16xf32>,
      tpu.vector_store %arg9[%swap3A_581], %add3A_580 {strides = array<i32>} : memref<8192xf32, #tpu.memory_space<vmem>>, vector<16xf32>,
      %scan3A_583 = arith.constant 0 : i32
      scf.yield %scan3A_583 : i32
    }
    %scan3A_348 = arith.constant 512 : i32
    %dma_start3A_349 = arith.constant 16 : i32
    %dma_start3A_350 = arith.constant 0 : i32
    %dma_start3A_351 = tpu.memref_slice %arg3[%dma_start3A_349, %arg1, %dma_start3A_350] : memref<26x16x100000xf32, #tpu.memory_space<hbm>> -> memref<1x1x100000xf32, #tpu.memory_space<hbm>>
    %dma_start3A_352 = tpu.memref_squeeze %dma_start3A_351 : memref<1x1x100000xf32, #tpu.memory_space<hbm>> -> memref<100000xf32, #tpu.memory_space<hbm>>
    %dma_start3A_353 = arith.constant 0 : i32
    %dma_start3A_354 = tpu.memref_slice %arg3[%dma_start3A_349, %arg1, %dma_start3A_353] : memref<26x16x100000xf32, #tpu.memory_space<hbm>> -> memref<1x1x100000xf32, #tpu.memory_space<hbm>>
    %dma_start3A_355 = tpu.memref_squeeze %dma_start3A_354 : memref<1x1x100000xf32, #tpu.memory_space<hbm>> -> memref<100000xf32, #tpu.memory_space<hbm>>
    tpu.enqueue_dma source(%dma_start3A_355 : memref<100000xf32, #tpu.memory_space<hbm>>) target(%arg6 : memref<100000xf32, #tpu.memory_space<vmem>>) target_semaphore(%arg10 : memref<!tpu.dma_semaphore, #tpu.memory_space<semaphore_mem>>)
    %run_scoped3A_356 = arith.constant 16 : i32
    "tpu.region"() ({
      %run_scoped3A_569 = tpu.sem_alloc : memref<!tpu.dma_semaphore, #tpu.memory_space<semaphore_mem>>
      %dma_start3A_570 = tpu.memref_slice %arg2[%run_scoped3A_356, %mul3A_0] : memref<26x16384xi32, #tpu.memory_space<hbm>> -> memref<1x8192xi32, #tpu.memory_space<hbm>>
      %dma_start3A_571 = tpu.memref_squeeze %dma_start3A_570 : memref<1x8192xi32, #tpu.memory_space<hbm>> -> memref<8192xi32, #tpu.memory_space<hbm>>
      %dma_start3A_572 = tpu.memref_slice %arg2[%run_scoped3A_356, %mul3A_0] : memref<26x16384xi32, #tpu.memory_space<hbm>> -> memref<1x8192xi32, #tpu.memory_space<hbm>>
      %dma_start3A_573 = tpu.memref_squeeze %dma_start3A_572 : memref<1x8192xi32, #tpu.memory_space<hbm>> -> memref<8192xi32, #tpu.memory_space<hbm>>
      tpu.enqueue_dma source(%dma_start3A_573 : memref<8192xi32, #tpu.memory_space<hbm>>) target(%arg7 : memref<8192xi32, #tpu.memory_space<vmem>>) target_semaphore(%run_scoped3A_569 : memref<!tpu.dma_semaphore, #tpu.memory_space<semaphore_mem>>)
      %dma_wait3A_574 = tpu.memref_slice %arg2[%run_scoped3A_356, %mul3A_0] : memref<26x16384xi32, #tpu.memory_space<hbm>> -> memref<1x8192xi32, #tpu.memory_space<hbm>>
      %dma_wait3A_575 = tpu.memref_squeeze %dma_wait3A_574 : memref<1x8192xi32, #tpu.memory_space<hbm>> -> memref<8192xi32, #tpu.memory_space<hbm>>
      %dma_wait3A_576 = tpu.memref_slice %arg2[%run_scoped3A_356, %mul3A_0] : memref<26x16384xi32, #tpu.memory_space<hbm>> -> memref<1x8192xi32, #tpu.memory_space<hbm>>
      %dma_wait3A_577 = tpu.memref_squeeze %dma_wait3A_576 : memref<1x8192xi32, #tpu.memory_space<hbm>> -> memref<8192xi32, #tpu.memory_space<hbm>>
      tpu.wait_dma2 semaphore(%run_scoped3A_569 : memref<!tpu.dma_semaphore, #tpu.memory_space<semaphore_mem>>) src(%dma_wait3A_577 : memref<8192xi32, #tpu.memory_space<hbm>>) dst(%arg7 : memref<8192xi32, #tpu.memory_space<vmem>>)
      tpu.yield
    }) : () -> ()
    %dma_wait3A_357 = arith.constant 16 : i32
    %dma_wait3A_358 = arith.constant 0 : i32
    %dma_wait3A_359 = tpu.memref_slice %arg3[%dma_wait3A_357, %arg1, %dma_wait3A_358] : memref<26x16x100000xf32, #tpu.memory_space<hbm>> -> memref<1x1x100000xf32, #tpu.memory_space<hbm>>
    %dma_wait3A_360 = tpu.memref_squeeze %dma_wait3A_359 : memref<1x1x100000xf32, #tpu.memory_space<hbm>> -> memref<100000xf32, #tpu.memory_space<hbm>>
    %dma_wait3A_361 = arith.constant 0 : i32
    %dma_wait3A_362 = tpu.memref_slice %arg3[%dma_wait3A_357, %arg1, %dma_wait3A_361] : memref<26x16x100000xf32, #tpu.memory_space<hbm>> -> memref<1x1x100000xf32, #tpu.memory_space<hbm>>
    %dma_wait3A_363 = tpu.memref_squeeze %dma_wait3A_362 : memref<1x1x100000xf32, #tpu.memory_space<hbm>> -> memref<100000xf32, #tpu.memory_space<hbm>>
    tpu.wait_dma2 semaphore(%arg10 : memref<!tpu.dma_semaphore, #tpu.memory_space<semaphore_mem>>) src(%dma_wait3A_363 : memref<100000xf32, #tpu.memory_space<hbm>>) dst(%arg6 : memref<100000xf32, #tpu.memory_space<vmem>>)
    %scan3A_364 = arith.constant 0 : i32
    %scan3A_365 = arith.constant 0 : i32
    %scan3A_366 = arith.constant 512 : i32
    %scan3A_367 = arith.addi %scan3A_365, %scan3A_366 : i32
    %scan3A_368 = arith.constant 1 : i32
    %scan3A_369 = scf.for %scan3A_569 = %scan3A_365 to %scan3A_367 step %scan3A_368 iter_args(%scan3A_570 = %scan3A_364) -> (i32)  : i32 {
      %mul3A_571 = arith.constant 16 : i32
      %mul3A_572 = arith.muli %scan3A_569, %mul3A_571 : i32
      %get3A = arith.index_cast %mul3A_572 : i32 to index
      %get3A_573 = tpu.vector_load %arg7[%get3A] {strides = array<i32>} : memref<8192xi32, #tpu.memory_space<vmem>>, vector<16xi32>,
      %gather3A = tpu.vector_load_idx %arg6[%get3A_573] : memref<100000xf32, #tpu.memory_space<vmem>>[vector<16xi32>], vector<16xf32>,
      %get3A_574 = arith.index_cast %mul3A_572 : i32 to index
      %get3A_575 = tpu.vector_load %arg8[%get3A_574] {strides = array<i32>} : memref<8192xf32, #tpu.memory_space<vmem>>, vector<16xf32>,
      %add3A = arith.addf %get3A_575, %gather3A : vector<16xf32>
      %swap3A = arith.index_cast %mul3A_572 : i32 to index
      %swap3A_576 = tpu.vector_load %arg8[%swap3A] {strides = array<i32>} : memref<8192xf32, #tpu.memory_space<vmem>>, vector<16xf32>,
      tpu.vector_store %arg8[%swap3A], %add3A {strides = array<i32>} : memref<8192xf32, #tpu.memory_space<vmem>>, vector<16xf32>,
      %get3A_577 = arith.index_cast %mul3A_572 : i32 to index
      %get3A_578 = tpu.vector_load %arg9[%get3A_577] {strides = array<i32>} : memref<8192xf32, #tpu.memory_space<vmem>>, vector<16xf32>,
      %mul3A_579 = arith.mulf %gather3A, %gather3A : vector<16xf32>
      %add3A_580 = arith.addf %get3A_578, %mul3A_579 : vector<16xf32>
      %swap3A_581 = arith.index_cast %mul3A_572 : i32 to index
      %swap3A_582 = tpu.vector_load %arg9[%swap3A_581] {strides = array<i32>} : memref<8192xf32, #tpu.memory_space<vmem>>, vector<16xf32>,
      tpu.vector_store %arg9[%swap3A_581], %add3A_580 {strides = array<i32>} : memref<8192xf32, #tpu.memory_space<vmem>>, vector<16xf32>,
      %scan3A_583 = arith.constant 0 : i32
      scf.yield %scan3A_583 : i32
    }
    %scan3A_370 = arith.constant 512 : i32
    %dma_start3A_371 = arith.constant 17 : i32
    %dma_start3A_372 = arith.constant 0 : i32
    %dma_start3A_373 = tpu.memref_slice %arg3[%dma_start3A_371, %arg1, %dma_start3A_372] : memref<26x16x100000xf32, #tpu.memory_space<hbm>> -> memref<1x1x100000xf32, #tpu.memory_space<hbm>>
    %dma_start3A_374 = tpu.memref_squeeze %dma_start3A_373 : memref<1x1x100000xf32, #tpu.memory_space<hbm>> -> memref<100000xf32, #tpu.memory_space<hbm>>
    %dma_start3A_375 = arith.constant 0 : i32
    %dma_start3A_376 = tpu.memref_slice %arg3[%dma_start3A_371, %arg1, %dma_start3A_375] : memref<26x16x100000xf32, #tpu.memory_space<hbm>> -> memref<1x1x100000xf32, #tpu.memory_space<hbm>>
    %dma_start3A_377 = tpu.memref_squeeze %dma_start3A_376 : memref<1x1x100000xf32, #tpu.memory_space<hbm>> -> memref<100000xf32, #tpu.memory_space<hbm>>
    tpu.enqueue_dma source(%dma_start3A_377 : memref<100000xf32, #tpu.memory_space<hbm>>) target(%arg6 : memref<100000xf32, #tpu.memory_space<vmem>>) target_semaphore(%arg10 : memref<!tpu.dma_semaphore, #tpu.memory_space<semaphore_mem>>)
    %run_scoped3A_378 = arith.constant 17 : i32
    "tpu.region"() ({
      %run_scoped3A_569 = tpu.sem_alloc : memref<!tpu.dma_semaphore, #tpu.memory_space<semaphore_mem>>
      %dma_start3A_570 = tpu.memref_slice %arg2[%run_scoped3A_378, %mul3A_0] : memref<26x16384xi32, #tpu.memory_space<hbm>> -> memref<1x8192xi32, #tpu.memory_space<hbm>>
      %dma_start3A_571 = tpu.memref_squeeze %dma_start3A_570 : memref<1x8192xi32, #tpu.memory_space<hbm>> -> memref<8192xi32, #tpu.memory_space<hbm>>
      %dma_start3A_572 = tpu.memref_slice %arg2[%run_scoped3A_378, %mul3A_0] : memref<26x16384xi32, #tpu.memory_space<hbm>> -> memref<1x8192xi32, #tpu.memory_space<hbm>>
      %dma_start3A_573 = tpu.memref_squeeze %dma_start3A_572 : memref<1x8192xi32, #tpu.memory_space<hbm>> -> memref<8192xi32, #tpu.memory_space<hbm>>
      tpu.enqueue_dma source(%dma_start3A_573 : memref<8192xi32, #tpu.memory_space<hbm>>) target(%arg7 : memref<8192xi32, #tpu.memory_space<vmem>>) target_semaphore(%run_scoped3A_569 : memref<!tpu.dma_semaphore, #tpu.memory_space<semaphore_mem>>)
      %dma_wait3A_574 = tpu.memref_slice %arg2[%run_scoped3A_378, %mul3A_0] : memref<26x16384xi32, #tpu.memory_space<hbm>> -> memref<1x8192xi32, #tpu.memory_space<hbm>>
      %dma_wait3A_575 = tpu.memref_squeeze %dma_wait3A_574 : memref<1x8192xi32, #tpu.memory_space<hbm>> -> memref<8192xi32, #tpu.memory_space<hbm>>
      %dma_wait3A_576 = tpu.memref_slice %arg2[%run_scoped3A_378, %mul3A_0] : memref<26x16384xi32, #tpu.memory_space<hbm>> -> memref<1x8192xi32, #tpu.memory_space<hbm>>
      %dma_wait3A_577 = tpu.memref_squeeze %dma_wait3A_576 : memref<1x8192xi32, #tpu.memory_space<hbm>> -> memref<8192xi32, #tpu.memory_space<hbm>>
      tpu.wait_dma2 semaphore(%run_scoped3A_569 : memref<!tpu.dma_semaphore, #tpu.memory_space<semaphore_mem>>) src(%dma_wait3A_577 : memref<8192xi32, #tpu.memory_space<hbm>>) dst(%arg7 : memref<8192xi32, #tpu.memory_space<vmem>>)
      tpu.yield
    }) : () -> ()
    %dma_wait3A_379 = arith.constant 17 : i32
    %dma_wait3A_380 = arith.constant 0 : i32
    %dma_wait3A_381 = tpu.memref_slice %arg3[%dma_wait3A_379, %arg1, %dma_wait3A_380] : memref<26x16x100000xf32, #tpu.memory_space<hbm>> -> memref<1x1x100000xf32, #tpu.memory_space<hbm>>
    %dma_wait3A_382 = tpu.memref_squeeze %dma_wait3A_381 : memref<1x1x100000xf32, #tpu.memory_space<hbm>> -> memref<100000xf32, #tpu.memory_space<hbm>>
    %dma_wait3A_383 = arith.constant 0 : i32
    %dma_wait3A_384 = tpu.memref_slice %arg3[%dma_wait3A_379, %arg1, %dma_wait3A_383] : memref<26x16x100000xf32, #tpu.memory_space<hbm>> -> memref<1x1x100000xf32, #tpu.memory_space<hbm>>
    %dma_wait3A_385 = tpu.memref_squeeze %dma_wait3A_384 : memref<1x1x100000xf32, #tpu.memory_space<hbm>> -> memref<100000xf32, #tpu.memory_space<hbm>>
    tpu.wait_dma2 semaphore(%arg10 : memref<!tpu.dma_semaphore, #tpu.memory_space<semaphore_mem>>) src(%dma_wait3A_385 : memref<100000xf32, #tpu.memory_space<hbm>>) dst(%arg6 : memref<100000xf32, #tpu.memory_space<vmem>>)
    %scan3A_386 = arith.constant 0 : i32
    %scan3A_387 = arith.constant 0 : i32
    %scan3A_388 = arith.constant 512 : i32
    %scan3A_389 = arith.addi %scan3A_387, %scan3A_388 : i32
    %scan3A_390 = arith.constant 1 : i32
    %scan3A_391 = scf.for %scan3A_569 = %scan3A_387 to %scan3A_389 step %scan3A_390 iter_args(%scan3A_570 = %scan3A_386) -> (i32)  : i32 {
      %mul3A_571 = arith.constant 16 : i32
      %mul3A_572 = arith.muli %scan3A_569, %mul3A_571 : i32
      %get3A = arith.index_cast %mul3A_572 : i32 to index
      %get3A_573 = tpu.vector_load %arg7[%get3A] {strides = array<i32>} : memref<8192xi32, #tpu.memory_space<vmem>>, vector<16xi32>,
      %gather3A = tpu.vector_load_idx %arg6[%get3A_573] : memref<100000xf32, #tpu.memory_space<vmem>>[vector<16xi32>], vector<16xf32>,
      %get3A_574 = arith.index_cast %mul3A_572 : i32 to index
      %get3A_575 = tpu.vector_load %arg8[%get3A_574] {strides = array<i32>} : memref<8192xf32, #tpu.memory_space<vmem>>, vector<16xf32>,
      %add3A = arith.addf %get3A_575, %gather3A : vector<16xf32>
      %swap3A = arith.index_cast %mul3A_572 : i32 to index
      %swap3A_576 = tpu.vector_load %arg8[%swap3A] {strides = array<i32>} : memref<8192xf32, #tpu.memory_space<vmem>>, vector<16xf32>,
      tpu.vector_store %arg8[%swap3A], %add3A {strides = array<i32>} : memref<8192xf32, #tpu.memory_space<vmem>>, vector<16xf32>,
      %get3A_577 = arith.index_cast %mul3A_572 : i32 to index
      %get3A_578 = tpu.vector_load %arg9[%get3A_577] {strides = array<i32>} : memref<8192xf32, #tpu.memory_space<vmem>>, vector<16xf32>,
      %mul3A_579 = arith.mulf %gather3A, %gather3A : vector<16xf32>
      %add3A_580 = arith.addf %get3A_578, %mul3A_579 : vector<16xf32>
      %swap3A_581 = arith.index_cast %mul3A_572 : i32 to index
      %swap3A_582 = tpu.vector_load %arg9[%swap3A_581] {strides = array<i32>} : memref<8192xf32, #tpu.memory_space<vmem>>, vector<16xf32>,
      tpu.vector_store %arg9[%swap3A_581], %add3A_580 {strides = array<i32>} : memref<8192xf32, #tpu.memory_space<vmem>>, vector<16xf32>,
      %scan3A_583 = arith.constant 0 : i32
      scf.yield %scan3A_583 : i32
    }
    %scan3A_392 = arith.constant 512 : i32
    %dma_start3A_393 = arith.constant 18 : i32
    %dma_start3A_394 = arith.constant 0 : i32
    %dma_start3A_395 = tpu.memref_slice %arg3[%dma_start3A_393, %arg1, %dma_start3A_394] : memref<26x16x100000xf32, #tpu.memory_space<hbm>> -> memref<1x1x100000xf32, #tpu.memory_space<hbm>>
    %dma_start3A_396 = tpu.memref_squeeze %dma_start3A_395 : memref<1x1x100000xf32, #tpu.memory_space<hbm>> -> memref<100000xf32, #tpu.memory_space<hbm>>
    %dma_start3A_397 = arith.constant 0 : i32
    %dma_start3A_398 = tpu.memref_slice %arg3[%dma_start3A_393, %arg1, %dma_start3A_397] : memref<26x16x100000xf32, #tpu.memory_space<hbm>> -> memref<1x1x100000xf32, #tpu.memory_space<hbm>>
    %dma_start3A_399 = tpu.memref_squeeze %dma_start3A_398 : memref<1x1x100000xf32, #tpu.memory_space<hbm>> -> memref<100000xf32, #tpu.memory_space<hbm>>
    tpu.enqueue_dma source(%dma_start3A_399 : memref<100000xf32, #tpu.memory_space<hbm>>) target(%arg6 : memref<100000xf32, #tpu.memory_space<vmem>>) target_semaphore(%arg10 : memref<!tpu.dma_semaphore, #tpu.memory_space<semaphore_mem>>)
    %run_scoped3A_400 = arith.constant 18 : i32
    "tpu.region"() ({
      %run_scoped3A_569 = tpu.sem_alloc : memref<!tpu.dma_semaphore, #tpu.memory_space<semaphore_mem>>
      %dma_start3A_570 = tpu.memref_slice %arg2[%run_scoped3A_400, %mul3A_0] : memref<26x16384xi32, #tpu.memory_space<hbm>> -> memref<1x8192xi32, #tpu.memory_space<hbm>>
      %dma_start3A_571 = tpu.memref_squeeze %dma_start3A_570 : memref<1x8192xi32, #tpu.memory_space<hbm>> -> memref<8192xi32, #tpu.memory_space<hbm>>
      %dma_start3A_572 = tpu.memref_slice %arg2[%run_scoped3A_400, %mul3A_0] : memref<26x16384xi32, #tpu.memory_space<hbm>> -> memref<1x8192xi32, #tpu.memory_space<hbm>>
      %dma_start3A_573 = tpu.memref_squeeze %dma_start3A_572 : memref<1x8192xi32, #tpu.memory_space<hbm>> -> memref<8192xi32, #tpu.memory_space<hbm>>
      tpu.enqueue_dma source(%dma_start3A_573 : memref<8192xi32, #tpu.memory_space<hbm>>) target(%arg7 : memref<8192xi32, #tpu.memory_space<vmem>>) target_semaphore(%run_scoped3A_569 : memref<!tpu.dma_semaphore, #tpu.memory_space<semaphore_mem>>)
      %dma_wait3A_574 = tpu.memref_slice %arg2[%run_scoped3A_400, %mul3A_0] : memref<26x16384xi32, #tpu.memory_space<hbm>> -> memref<1x8192xi32, #tpu.memory_space<hbm>>
      %dma_wait3A_575 = tpu.memref_squeeze %dma_wait3A_574 : memref<1x8192xi32, #tpu.memory_space<hbm>> -> memref<8192xi32, #tpu.memory_space<hbm>>
      %dma_wait3A_576 = tpu.memref_slice %arg2[%run_scoped3A_400, %mul3A_0] : memref<26x16384xi32, #tpu.memory_space<hbm>> -> memref<1x8192xi32, #tpu.memory_space<hbm>>
      %dma_wait3A_577 = tpu.memref_squeeze %dma_wait3A_576 : memref<1x8192xi32, #tpu.memory_space<hbm>> -> memref<8192xi32, #tpu.memory_space<hbm>>
      tpu.wait_dma2 semaphore(%run_scoped3A_569 : memref<!tpu.dma_semaphore, #tpu.memory_space<semaphore_mem>>) src(%dma_wait3A_577 : memref<8192xi32, #tpu.memory_space<hbm>>) dst(%arg7 : memref<8192xi32, #tpu.memory_space<vmem>>)
      tpu.yield
    }) : () -> ()
    %dma_wait3A_401 = arith.constant 18 : i32
    %dma_wait3A_402 = arith.constant 0 : i32
    %dma_wait3A_403 = tpu.memref_slice %arg3[%dma_wait3A_401, %arg1, %dma_wait3A_402] : memref<26x16x100000xf32, #tpu.memory_space<hbm>> -> memref<1x1x100000xf32, #tpu.memory_space<hbm>>
    %dma_wait3A_404 = tpu.memref_squeeze %dma_wait3A_403 : memref<1x1x100000xf32, #tpu.memory_space<hbm>> -> memref<100000xf32, #tpu.memory_space<hbm>>
    %dma_wait3A_405 = arith.constant 0 : i32
    %dma_wait3A_406 = tpu.memref_slice %arg3[%dma_wait3A_401, %arg1, %dma_wait3A_405] : memref<26x16x100000xf32, #tpu.memory_space<hbm>> -> memref<1x1x100000xf32, #tpu.memory_space<hbm>>
    %dma_wait3A_407 = tpu.memref_squeeze %dma_wait3A_406 : memref<1x1x100000xf32, #tpu.memory_space<hbm>> -> memref<100000xf32, #tpu.memory_space<hbm>>
    tpu.wait_dma2 semaphore(%arg10 : memref<!tpu.dma_semaphore, #tpu.memory_space<semaphore_mem>>) src(%dma_wait3A_407 : memref<100000xf32, #tpu.memory_space<hbm>>) dst(%arg6 : memref<100000xf32, #tpu.memory_space<vmem>>)
    %scan3A_408 = arith.constant 0 : i32
    %scan3A_409 = arith.constant 0 : i32
    %scan3A_410 = arith.constant 512 : i32
    %scan3A_411 = arith.addi %scan3A_409, %scan3A_410 : i32
    %scan3A_412 = arith.constant 1 : i32
    %scan3A_413 = scf.for %scan3A_569 = %scan3A_409 to %scan3A_411 step %scan3A_412 iter_args(%scan3A_570 = %scan3A_408) -> (i32)  : i32 {
      %mul3A_571 = arith.constant 16 : i32
      %mul3A_572 = arith.muli %scan3A_569, %mul3A_571 : i32
      %get3A = arith.index_cast %mul3A_572 : i32 to index
      %get3A_573 = tpu.vector_load %arg7[%get3A] {strides = array<i32>} : memref<8192xi32, #tpu.memory_space<vmem>>, vector<16xi32>,
      %gather3A = tpu.vector_load_idx %arg6[%get3A_573] : memref<100000xf32, #tpu.memory_space<vmem>>[vector<16xi32>], vector<16xf32>,
      %get3A_574 = arith.index_cast %mul3A_572 : i32 to index
      %get3A_575 = tpu.vector_load %arg8[%get3A_574] {strides = array<i32>} : memref<8192xf32, #tpu.memory_space<vmem>>, vector<16xf32>,
      %add3A = arith.addf %get3A_575, %gather3A : vector<16xf32>
      %swap3A = arith.index_cast %mul3A_572 : i32 to index
      %swap3A_576 = tpu.vector_load %arg8[%swap3A] {strides = array<i32>} : memref<8192xf32, #tpu.memory_space<vmem>>, vector<16xf32>,
      tpu.vector_store %arg8[%swap3A], %add3A {strides = array<i32>} : memref<8192xf32, #tpu.memory_space<vmem>>, vector<16xf32>,
      %get3A_577 = arith.index_cast %mul3A_572 : i32 to index
      %get3A_578 = tpu.vector_load %arg9[%get3A_577] {strides = array<i32>} : memref<8192xf32, #tpu.memory_space<vmem>>, vector<16xf32>,
      %mul3A_579 = arith.mulf %gather3A, %gather3A : vector<16xf32>
      %add3A_580 = arith.addf %get3A_578, %mul3A_579 : vector<16xf32>
      %swap3A_581 = arith.index_cast %mul3A_572 : i32 to index
      %swap3A_582 = tpu.vector_load %arg9[%swap3A_581] {strides = array<i32>} : memref<8192xf32, #tpu.memory_space<vmem>>, vector<16xf32>,
      tpu.vector_store %arg9[%swap3A_581], %add3A_580 {strides = array<i32>} : memref<8192xf32, #tpu.memory_space<vmem>>, vector<16xf32>,
      %scan3A_583 = arith.constant 0 : i32
      scf.yield %scan3A_583 : i32
    }
    %scan3A_414 = arith.constant 512 : i32
    %dma_start3A_415 = arith.constant 19 : i32
    %dma_start3A_416 = arith.constant 0 : i32
    %dma_start3A_417 = tpu.memref_slice %arg3[%dma_start3A_415, %arg1, %dma_start3A_416] : memref<26x16x100000xf32, #tpu.memory_space<hbm>> -> memref<1x1x100000xf32, #tpu.memory_space<hbm>>
    %dma_start3A_418 = tpu.memref_squeeze %dma_start3A_417 : memref<1x1x100000xf32, #tpu.memory_space<hbm>> -> memref<100000xf32, #tpu.memory_space<hbm>>
    %dma_start3A_419 = arith.constant 0 : i32
    %dma_start3A_420 = tpu.memref_slice %arg3[%dma_start3A_415, %arg1, %dma_start3A_419] : memref<26x16x100000xf32, #tpu.memory_space<hbm>> -> memref<1x1x100000xf32, #tpu.memory_space<hbm>>
    %dma_start3A_421 = tpu.memref_squeeze %dma_start3A_420 : memref<1x1x100000xf32, #tpu.memory_space<hbm>> -> memref<100000xf32, #tpu.memory_space<hbm>>
    tpu.enqueue_dma source(%dma_start3A_421 : memref<100000xf32, #tpu.memory_space<hbm>>) target(%arg6 : memref<100000xf32, #tpu.memory_space<vmem>>) target_semaphore(%arg10 : memref<!tpu.dma_semaphore, #tpu.memory_space<semaphore_mem>>)
    %run_scoped3A_422 = arith.constant 19 : i32
    "tpu.region"() ({
      %run_scoped3A_569 = tpu.sem_alloc : memref<!tpu.dma_semaphore, #tpu.memory_space<semaphore_mem>>
      %dma_start3A_570 = tpu.memref_slice %arg2[%run_scoped3A_422, %mul3A_0] : memref<26x16384xi32, #tpu.memory_space<hbm>> -> memref<1x8192xi32, #tpu.memory_space<hbm>>
      %dma_start3A_571 = tpu.memref_squeeze %dma_start3A_570 : memref<1x8192xi32, #tpu.memory_space<hbm>> -> memref<8192xi32, #tpu.memory_space<hbm>>
      %dma_start3A_572 = tpu.memref_slice %arg2[%run_scoped3A_422, %mul3A_0] : memref<26x16384xi32, #tpu.memory_space<hbm>> -> memref<1x8192xi32, #tpu.memory_space<hbm>>
      %dma_start3A_573 = tpu.memref_squeeze %dma_start3A_572 : memref<1x8192xi32, #tpu.memory_space<hbm>> -> memref<8192xi32, #tpu.memory_space<hbm>>
      tpu.enqueue_dma source(%dma_start3A_573 : memref<8192xi32, #tpu.memory_space<hbm>>) target(%arg7 : memref<8192xi32, #tpu.memory_space<vmem>>) target_semaphore(%run_scoped3A_569 : memref<!tpu.dma_semaphore, #tpu.memory_space<semaphore_mem>>)
      %dma_wait3A_574 = tpu.memref_slice %arg2[%run_scoped3A_422, %mul3A_0] : memref<26x16384xi32, #tpu.memory_space<hbm>> -> memref<1x8192xi32, #tpu.memory_space<hbm>>
      %dma_wait3A_575 = tpu.memref_squeeze %dma_wait3A_574 : memref<1x8192xi32, #tpu.memory_space<hbm>> -> memref<8192xi32, #tpu.memory_space<hbm>>
      %dma_wait3A_576 = tpu.memref_slice %arg2[%run_scoped3A_422, %mul3A_0] : memref<26x16384xi32, #tpu.memory_space<hbm>> -> memref<1x8192xi32, #tpu.memory_space<hbm>>
      %dma_wait3A_577 = tpu.memref_squeeze %dma_wait3A_576 : memref<1x8192xi32, #tpu.memory_space<hbm>> -> memref<8192xi32, #tpu.memory_space<hbm>>
      tpu.wait_dma2 semaphore(%run_scoped3A_569 : memref<!tpu.dma_semaphore, #tpu.memory_space<semaphore_mem>>) src(%dma_wait3A_577 : memref<8192xi32, #tpu.memory_space<hbm>>) dst(%arg7 : memref<8192xi32, #tpu.memory_space<vmem>>)
      tpu.yield
    }) : () -> ()
    %dma_wait3A_423 = arith.constant 19 : i32
    %dma_wait3A_424 = arith.constant 0 : i32
    %dma_wait3A_425 = tpu.memref_slice %arg3[%dma_wait3A_423, %arg1, %dma_wait3A_424] : memref<26x16x100000xf32, #tpu.memory_space<hbm>> -> memref<1x1x100000xf32, #tpu.memory_space<hbm>>
    %dma_wait3A_426 = tpu.memref_squeeze %dma_wait3A_425 : memref<1x1x100000xf32, #tpu.memory_space<hbm>> -> memref<100000xf32, #tpu.memory_space<hbm>>
    %dma_wait3A_427 = arith.constant 0 : i32
    %dma_wait3A_428 = tpu.memref_slice %arg3[%dma_wait3A_423, %arg1, %dma_wait3A_427] : memref<26x16x100000xf32, #tpu.memory_space<hbm>> -> memref<1x1x100000xf32, #tpu.memory_space<hbm>>
    %dma_wait3A_429 = tpu.memref_squeeze %dma_wait3A_428 : memref<1x1x100000xf32, #tpu.memory_space<hbm>> -> memref<100000xf32, #tpu.memory_space<hbm>>
    tpu.wait_dma2 semaphore(%arg10 : memref<!tpu.dma_semaphore, #tpu.memory_space<semaphore_mem>>) src(%dma_wait3A_429 : memref<100000xf32, #tpu.memory_space<hbm>>) dst(%arg6 : memref<100000xf32, #tpu.memory_space<vmem>>)
    %scan3A_430 = arith.constant 0 : i32
    %scan3A_431 = arith.constant 0 : i32
    %scan3A_432 = arith.constant 512 : i32
    %scan3A_433 = arith.addi %scan3A_431, %scan3A_432 : i32
    %scan3A_434 = arith.constant 1 : i32
    %scan3A_435 = scf.for %scan3A_569 = %scan3A_431 to %scan3A_433 step %scan3A_434 iter_args(%scan3A_570 = %scan3A_430) -> (i32)  : i32 {
      %mul3A_571 = arith.constant 16 : i32
      %mul3A_572 = arith.muli %scan3A_569, %mul3A_571 : i32
      %get3A = arith.index_cast %mul3A_572 : i32 to index
      %get3A_573 = tpu.vector_load %arg7[%get3A] {strides = array<i32>} : memref<8192xi32, #tpu.memory_space<vmem>>, vector<16xi32>,
      %gather3A = tpu.vector_load_idx %arg6[%get3A_573] : memref<100000xf32, #tpu.memory_space<vmem>>[vector<16xi32>], vector<16xf32>,
      %get3A_574 = arith.index_cast %mul3A_572 : i32 to index
      %get3A_575 = tpu.vector_load %arg8[%get3A_574] {strides = array<i32>} : memref<8192xf32, #tpu.memory_space<vmem>>, vector<16xf32>,
      %add3A = arith.addf %get3A_575, %gather3A : vector<16xf32>
      %swap3A = arith.index_cast %mul3A_572 : i32 to index
      %swap3A_576 = tpu.vector_load %arg8[%swap3A] {strides = array<i32>} : memref<8192xf32, #tpu.memory_space<vmem>>, vector<16xf32>,
      tpu.vector_store %arg8[%swap3A], %add3A {strides = array<i32>} : memref<8192xf32, #tpu.memory_space<vmem>>, vector<16xf32>,
      %get3A_577 = arith.index_cast %mul3A_572 : i32 to index
      %get3A_578 = tpu.vector_load %arg9[%get3A_577] {strides = array<i32>} : memref<8192xf32, #tpu.memory_space<vmem>>, vector<16xf32>,
      %mul3A_579 = arith.mulf %gather3A, %gather3A : vector<16xf32>
      %add3A_580 = arith.addf %get3A_578, %mul3A_579 : vector<16xf32>
      %swap3A_581 = arith.index_cast %mul3A_572 : i32 to index
      %swap3A_582 = tpu.vector_load %arg9[%swap3A_581] {strides = array<i32>} : memref<8192xf32, #tpu.memory_space<vmem>>, vector<16xf32>,
      tpu.vector_store %arg9[%swap3A_581], %add3A_580 {strides = array<i32>} : memref<8192xf32, #tpu.memory_space<vmem>>, vector<16xf32>,
      %scan3A_583 = arith.constant 0 : i32
      scf.yield %scan3A_583 : i32
    }
    %scan3A_436 = arith.constant 512 : i32
    %dma_start3A_437 = arith.constant 20 : i32
    %dma_start3A_438 = arith.constant 0 : i32
    %dma_start3A_439 = tpu.memref_slice %arg3[%dma_start3A_437, %arg1, %dma_start3A_438] : memref<26x16x100000xf32, #tpu.memory_space<hbm>> -> memref<1x1x100000xf32, #tpu.memory_space<hbm>>
    %dma_start3A_440 = tpu.memref_squeeze %dma_start3A_439 : memref<1x1x100000xf32, #tpu.memory_space<hbm>> -> memref<100000xf32, #tpu.memory_space<hbm>>
    %dma_start3A_441 = arith.constant 0 : i32
    %dma_start3A_442 = tpu.memref_slice %arg3[%dma_start3A_437, %arg1, %dma_start3A_441] : memref<26x16x100000xf32, #tpu.memory_space<hbm>> -> memref<1x1x100000xf32, #tpu.memory_space<hbm>>
    %dma_start3A_443 = tpu.memref_squeeze %dma_start3A_442 : memref<1x1x100000xf32, #tpu.memory_space<hbm>> -> memref<100000xf32, #tpu.memory_space<hbm>>
    tpu.enqueue_dma source(%dma_start3A_443 : memref<100000xf32, #tpu.memory_space<hbm>>) target(%arg6 : memref<100000xf32, #tpu.memory_space<vmem>>) target_semaphore(%arg10 : memref<!tpu.dma_semaphore, #tpu.memory_space<semaphore_mem>>)
    %run_scoped3A_444 = arith.constant 20 : i32
    "tpu.region"() ({
      %run_scoped3A_569 = tpu.sem_alloc : memref<!tpu.dma_semaphore, #tpu.memory_space<semaphore_mem>>
      %dma_start3A_570 = tpu.memref_slice %arg2[%run_scoped3A_444, %mul3A_0] : memref<26x16384xi32, #tpu.memory_space<hbm>> -> memref<1x8192xi32, #tpu.memory_space<hbm>>
      %dma_start3A_571 = tpu.memref_squeeze %dma_start3A_570 : memref<1x8192xi32, #tpu.memory_space<hbm>> -> memref<8192xi32, #tpu.memory_space<hbm>>
      %dma_start3A_572 = tpu.memref_slice %arg2[%run_scoped3A_444, %mul3A_0] : memref<26x16384xi32, #tpu.memory_space<hbm>> -> memref<1x8192xi32, #tpu.memory_space<hbm>>
      %dma_start3A_573 = tpu.memref_squeeze %dma_start3A_572 : memref<1x8192xi32, #tpu.memory_space<hbm>> -> memref<8192xi32, #tpu.memory_space<hbm>>
      tpu.enqueue_dma source(%dma_start3A_573 : memref<8192xi32, #tpu.memory_space<hbm>>) target(%arg7 : memref<8192xi32, #tpu.memory_space<vmem>>) target_semaphore(%run_scoped3A_569 : memref<!tpu.dma_semaphore, #tpu.memory_space<semaphore_mem>>)
      %dma_wait3A_574 = tpu.memref_slice %arg2[%run_scoped3A_444, %mul3A_0] : memref<26x16384xi32, #tpu.memory_space<hbm>> -> memref<1x8192xi32, #tpu.memory_space<hbm>>
      %dma_wait3A_575 = tpu.memref_squeeze %dma_wait3A_574 : memref<1x8192xi32, #tpu.memory_space<hbm>> -> memref<8192xi32, #tpu.memory_space<hbm>>
      %dma_wait3A_576 = tpu.memref_slice %arg2[%run_scoped3A_444, %mul3A_0] : memref<26x16384xi32, #tpu.memory_space<hbm>> -> memref<1x8192xi32, #tpu.memory_space<hbm>>
      %dma_wait3A_577 = tpu.memref_squeeze %dma_wait3A_576 : memref<1x8192xi32, #tpu.memory_space<hbm>> -> memref<8192xi32, #tpu.memory_space<hbm>>
      tpu.wait_dma2 semaphore(%run_scoped3A_569 : memref<!tpu.dma_semaphore, #tpu.memory_space<semaphore_mem>>) src(%dma_wait3A_577 : memref<8192xi32, #tpu.memory_space<hbm>>) dst(%arg7 : memref<8192xi32, #tpu.memory_space<vmem>>)
      tpu.yield
    }) : () -> ()
    %dma_wait3A_445 = arith.constant 20 : i32
    %dma_wait3A_446 = arith.constant 0 : i32
    %dma_wait3A_447 = tpu.memref_slice %arg3[%dma_wait3A_445, %arg1, %dma_wait3A_446] : memref<26x16x100000xf32, #tpu.memory_space<hbm>> -> memref<1x1x100000xf32, #tpu.memory_space<hbm>>
    %dma_wait3A_448 = tpu.memref_squeeze %dma_wait3A_447 : memref<1x1x100000xf32, #tpu.memory_space<hbm>> -> memref<100000xf32, #tpu.memory_space<hbm>>
    %dma_wait3A_449 = arith.constant 0 : i32
    %dma_wait3A_450 = tpu.memref_slice %arg3[%dma_wait3A_445, %arg1, %dma_wait3A_449] : memref<26x16x100000xf32, #tpu.memory_space<hbm>> -> memref<1x1x100000xf32, #tpu.memory_space<hbm>>
    %dma_wait3A_451 = tpu.memref_squeeze %dma_wait3A_450 : memref<1x1x100000xf32, #tpu.memory_space<hbm>> -> memref<100000xf32, #tpu.memory_space<hbm>>
    tpu.wait_dma2 semaphore(%arg10 : memref<!tpu.dma_semaphore, #tpu.memory_space<semaphore_mem>>) src(%dma_wait3A_451 : memref<100000xf32, #tpu.memory_space<hbm>>) dst(%arg6 : memref<100000xf32, #tpu.memory_space<vmem>>)
    %scan3A_452 = arith.constant 0 : i32
    %scan3A_453 = arith.constant 0 : i32
    %scan3A_454 = arith.constant 512 : i32
    %scan3A_455 = arith.addi %scan3A_453, %scan3A_454 : i32
    %scan3A_456 = arith.constant 1 : i32
    %scan3A_457 = scf.for %scan3A_569 = %scan3A_453 to %scan3A_455 step %scan3A_456 iter_args(%scan3A_570 = %scan3A_452) -> (i32)  : i32 {
      %mul3A_571 = arith.constant 16 : i32
      %mul3A_572 = arith.muli %scan3A_569, %mul3A_571 : i32
      %get3A = arith.index_cast %mul3A_572 : i32 to index
      %get3A_573 = tpu.vector_load %arg7[%get3A] {strides = array<i32>} : memref<8192xi32, #tpu.memory_space<vmem>>, vector<16xi32>,
      %gather3A = tpu.vector_load_idx %arg6[%get3A_573] : memref<100000xf32, #tpu.memory_space<vmem>>[vector<16xi32>], vector<16xf32>,
      %get3A_574 = arith.index_cast %mul3A_572 : i32 to index
      %get3A_575 = tpu.vector_load %arg8[%get3A_574] {strides = array<i32>} : memref<8192xf32, #tpu.memory_space<vmem>>, vector<16xf32>,
      %add3A = arith.addf %get3A_575, %gather3A : vector<16xf32>
      %swap3A = arith.index_cast %mul3A_572 : i32 to index
      %swap3A_576 = tpu.vector_load %arg8[%swap3A] {strides = array<i32>} : memref<8192xf32, #tpu.memory_space<vmem>>, vector<16xf32>,
      tpu.vector_store %arg8[%swap3A], %add3A {strides = array<i32>} : memref<8192xf32, #tpu.memory_space<vmem>>, vector<16xf32>,
      %get3A_577 = arith.index_cast %mul3A_572 : i32 to index
      %get3A_578 = tpu.vector_load %arg9[%get3A_577] {strides = array<i32>} : memref<8192xf32, #tpu.memory_space<vmem>>, vector<16xf32>,
      %mul3A_579 = arith.mulf %gather3A, %gather3A : vector<16xf32>
      %add3A_580 = arith.addf %get3A_578, %mul3A_579 : vector<16xf32>
      %swap3A_581 = arith.index_cast %mul3A_572 : i32 to index
      %swap3A_582 = tpu.vector_load %arg9[%swap3A_581] {strides = array<i32>} : memref<8192xf32, #tpu.memory_space<vmem>>, vector<16xf32>,
      tpu.vector_store %arg9[%swap3A_581], %add3A_580 {strides = array<i32>} : memref<8192xf32, #tpu.memory_space<vmem>>, vector<16xf32>,
      %scan3A_583 = arith.constant 0 : i32
      scf.yield %scan3A_583 : i32
    }
    %scan3A_458 = arith.constant 512 : i32
    %dma_start3A_459 = arith.constant 21 : i32
    %dma_start3A_460 = arith.constant 0 : i32
    %dma_start3A_461 = tpu.memref_slice %arg3[%dma_start3A_459, %arg1, %dma_start3A_460] : memref<26x16x100000xf32, #tpu.memory_space<hbm>> -> memref<1x1x100000xf32, #tpu.memory_space<hbm>>
    %dma_start3A_462 = tpu.memref_squeeze %dma_start3A_461 : memref<1x1x100000xf32, #tpu.memory_space<hbm>> -> memref<100000xf32, #tpu.memory_space<hbm>>
    %dma_start3A_463 = arith.constant 0 : i32
    %dma_start3A_464 = tpu.memref_slice %arg3[%dma_start3A_459, %arg1, %dma_start3A_463] : memref<26x16x100000xf32, #tpu.memory_space<hbm>> -> memref<1x1x100000xf32, #tpu.memory_space<hbm>>
    %dma_start3A_465 = tpu.memref_squeeze %dma_start3A_464 : memref<1x1x100000xf32, #tpu.memory_space<hbm>> -> memref<100000xf32, #tpu.memory_space<hbm>>
    tpu.enqueue_dma source(%dma_start3A_465 : memref<100000xf32, #tpu.memory_space<hbm>>) target(%arg6 : memref<100000xf32, #tpu.memory_space<vmem>>) target_semaphore(%arg10 : memref<!tpu.dma_semaphore, #tpu.memory_space<semaphore_mem>>)
    %run_scoped3A_466 = arith.constant 21 : i32
    "tpu.region"() ({
      %run_scoped3A_569 = tpu.sem_alloc : memref<!tpu.dma_semaphore, #tpu.memory_space<semaphore_mem>>
      %dma_start3A_570 = tpu.memref_slice %arg2[%run_scoped3A_466, %mul3A_0] : memref<26x16384xi32, #tpu.memory_space<hbm>> -> memref<1x8192xi32, #tpu.memory_space<hbm>>
      %dma_start3A_571 = tpu.memref_squeeze %dma_start3A_570 : memref<1x8192xi32, #tpu.memory_space<hbm>> -> memref<8192xi32, #tpu.memory_space<hbm>>
      %dma_start3A_572 = tpu.memref_slice %arg2[%run_scoped3A_466, %mul3A_0] : memref<26x16384xi32, #tpu.memory_space<hbm>> -> memref<1x8192xi32, #tpu.memory_space<hbm>>
      %dma_start3A_573 = tpu.memref_squeeze %dma_start3A_572 : memref<1x8192xi32, #tpu.memory_space<hbm>> -> memref<8192xi32, #tpu.memory_space<hbm>>
      tpu.enqueue_dma source(%dma_start3A_573 : memref<8192xi32, #tpu.memory_space<hbm>>) target(%arg7 : memref<8192xi32, #tpu.memory_space<vmem>>) target_semaphore(%run_scoped3A_569 : memref<!tpu.dma_semaphore, #tpu.memory_space<semaphore_mem>>)
      %dma_wait3A_574 = tpu.memref_slice %arg2[%run_scoped3A_466, %mul3A_0] : memref<26x16384xi32, #tpu.memory_space<hbm>> -> memref<1x8192xi32, #tpu.memory_space<hbm>>
      %dma_wait3A_575 = tpu.memref_squeeze %dma_wait3A_574 : memref<1x8192xi32, #tpu.memory_space<hbm>> -> memref<8192xi32, #tpu.memory_space<hbm>>
      %dma_wait3A_576 = tpu.memref_slice %arg2[%run_scoped3A_466, %mul3A_0] : memref<26x16384xi32, #tpu.memory_space<hbm>> -> memref<1x8192xi32, #tpu.memory_space<hbm>>
      %dma_wait3A_577 = tpu.memref_squeeze %dma_wait3A_576 : memref<1x8192xi32, #tpu.memory_space<hbm>> -> memref<8192xi32, #tpu.memory_space<hbm>>
      tpu.wait_dma2 semaphore(%run_scoped3A_569 : memref<!tpu.dma_semaphore, #tpu.memory_space<semaphore_mem>>) src(%dma_wait3A_577 : memref<8192xi32, #tpu.memory_space<hbm>>) dst(%arg7 : memref<8192xi32, #tpu.memory_space<vmem>>)
      tpu.yield
    }) : () -> ()
    %dma_wait3A_467 = arith.constant 21 : i32
    %dma_wait3A_468 = arith.constant 0 : i32
    %dma_wait3A_469 = tpu.memref_slice %arg3[%dma_wait3A_467, %arg1, %dma_wait3A_468] : memref<26x16x100000xf32, #tpu.memory_space<hbm>> -> memref<1x1x100000xf32, #tpu.memory_space<hbm>>
    %dma_wait3A_470 = tpu.memref_squeeze %dma_wait3A_469 : memref<1x1x100000xf32, #tpu.memory_space<hbm>> -> memref<100000xf32, #tpu.memory_space<hbm>>
    %dma_wait3A_471 = arith.constant 0 : i32
    %dma_wait3A_472 = tpu.memref_slice %arg3[%dma_wait3A_467, %arg1, %dma_wait3A_471] : memref<26x16x100000xf32, #tpu.memory_space<hbm>> -> memref<1x1x100000xf32, #tpu.memory_space<hbm>>
    %dma_wait3A_473 = tpu.memref_squeeze %dma_wait3A_472 : memref<1x1x100000xf32, #tpu.memory_space<hbm>> -> memref<100000xf32, #tpu.memory_space<hbm>>
    tpu.wait_dma2 semaphore(%arg10 : memref<!tpu.dma_semaphore, #tpu.memory_space<semaphore_mem>>) src(%dma_wait3A_473 : memref<100000xf32, #tpu.memory_space<hbm>>) dst(%arg6 : memref<100000xf32, #tpu.memory_space<vmem>>)
    %scan3A_474 = arith.constant 0 : i32
    %scan3A_475 = arith.constant 0 : i32
    %scan3A_476 = arith.constant 512 : i32
    %scan3A_477 = arith.addi %scan3A_475, %scan3A_476 : i32
    %scan3A_478 = arith.constant 1 : i32
    %scan3A_479 = scf.for %scan3A_569 = %scan3A_475 to %scan3A_477 step %scan3A_478 iter_args(%scan3A_570 = %scan3A_474) -> (i32)  : i32 {
      %mul3A_571 = arith.constant 16 : i32
      %mul3A_572 = arith.muli %scan3A_569, %mul3A_571 : i32
      %get3A = arith.index_cast %mul3A_572 : i32 to index
      %get3A_573 = tpu.vector_load %arg7[%get3A] {strides = array<i32>} : memref<8192xi32, #tpu.memory_space<vmem>>, vector<16xi32>,
      %gather3A = tpu.vector_load_idx %arg6[%get3A_573] : memref<100000xf32, #tpu.memory_space<vmem>>[vector<16xi32>], vector<16xf32>,
      %get3A_574 = arith.index_cast %mul3A_572 : i32 to index
      %get3A_575 = tpu.vector_load %arg8[%get3A_574] {strides = array<i32>} : memref<8192xf32, #tpu.memory_space<vmem>>, vector<16xf32>,
      %add3A = arith.addf %get3A_575, %gather3A : vector<16xf32>
      %swap3A = arith.index_cast %mul3A_572 : i32 to index
      %swap3A_576 = tpu.vector_load %arg8[%swap3A] {strides = array<i32>} : memref<8192xf32, #tpu.memory_space<vmem>>, vector<16xf32>,
      tpu.vector_store %arg8[%swap3A], %add3A {strides = array<i32>} : memref<8192xf32, #tpu.memory_space<vmem>>, vector<16xf32>,
      %get3A_577 = arith.index_cast %mul3A_572 : i32 to index
      %get3A_578 = tpu.vector_load %arg9[%get3A_577] {strides = array<i32>} : memref<8192xf32, #tpu.memory_space<vmem>>, vector<16xf32>,
      %mul3A_579 = arith.mulf %gather3A, %gather3A : vector<16xf32>
      %add3A_580 = arith.addf %get3A_578, %mul3A_579 : vector<16xf32>
      %swap3A_581 = arith.index_cast %mul3A_572 : i32 to index
      %swap3A_582 = tpu.vector_load %arg9[%swap3A_581] {strides = array<i32>} : memref<8192xf32, #tpu.memory_space<vmem>>, vector<16xf32>,
      tpu.vector_store %arg9[%swap3A_581], %add3A_580 {strides = array<i32>} : memref<8192xf32, #tpu.memory_space<vmem>>, vector<16xf32>,
      %scan3A_583 = arith.constant 0 : i32
      scf.yield %scan3A_583 : i32
    }
    %scan3A_480 = arith.constant 512 : i32
    %dma_start3A_481 = arith.constant 22 : i32
    %dma_start3A_482 = arith.constant 0 : i32
    %dma_start3A_483 = tpu.memref_slice %arg3[%dma_start3A_481, %arg1, %dma_start3A_482] : memref<26x16x100000xf32, #tpu.memory_space<hbm>> -> memref<1x1x100000xf32, #tpu.memory_space<hbm>>
    %dma_start3A_484 = tpu.memref_squeeze %dma_start3A_483 : memref<1x1x100000xf32, #tpu.memory_space<hbm>> -> memref<100000xf32, #tpu.memory_space<hbm>>
    %dma_start3A_485 = arith.constant 0 : i32
    %dma_start3A_486 = tpu.memref_slice %arg3[%dma_start3A_481, %arg1, %dma_start3A_485] : memref<26x16x100000xf32, #tpu.memory_space<hbm>> -> memref<1x1x100000xf32, #tpu.memory_space<hbm>>
    %dma_start3A_487 = tpu.memref_squeeze %dma_start3A_486 : memref<1x1x100000xf32, #tpu.memory_space<hbm>> -> memref<100000xf32, #tpu.memory_space<hbm>>
    tpu.enqueue_dma source(%dma_start3A_487 : memref<100000xf32, #tpu.memory_space<hbm>>) target(%arg6 : memref<100000xf32, #tpu.memory_space<vmem>>) target_semaphore(%arg10 : memref<!tpu.dma_semaphore, #tpu.memory_space<semaphore_mem>>)
    %run_scoped3A_488 = arith.constant 22 : i32
    "tpu.region"() ({
      %run_scoped3A_569 = tpu.sem_alloc : memref<!tpu.dma_semaphore, #tpu.memory_space<semaphore_mem>>
      %dma_start3A_570 = tpu.memref_slice %arg2[%run_scoped3A_488, %mul3A_0] : memref<26x16384xi32, #tpu.memory_space<hbm>> -> memref<1x8192xi32, #tpu.memory_space<hbm>>
      %dma_start3A_571 = tpu.memref_squeeze %dma_start3A_570 : memref<1x8192xi32, #tpu.memory_space<hbm>> -> memref<8192xi32, #tpu.memory_space<hbm>>
      %dma_start3A_572 = tpu.memref_slice %arg2[%run_scoped3A_488, %mul3A_0] : memref<26x16384xi32, #tpu.memory_space<hbm>> -> memref<1x8192xi32, #tpu.memory_space<hbm>>
      %dma_start3A_573 = tpu.memref_squeeze %dma_start3A_572 : memref<1x8192xi32, #tpu.memory_space<hbm>> -> memref<8192xi32, #tpu.memory_space<hbm>>
      tpu.enqueue_dma source(%dma_start3A_573 : memref<8192xi32, #tpu.memory_space<hbm>>) target(%arg7 : memref<8192xi32, #tpu.memory_space<vmem>>) target_semaphore(%run_scoped3A_569 : memref<!tpu.dma_semaphore, #tpu.memory_space<semaphore_mem>>)
      %dma_wait3A_574 = tpu.memref_slice %arg2[%run_scoped3A_488, %mul3A_0] : memref<26x16384xi32, #tpu.memory_space<hbm>> -> memref<1x8192xi32, #tpu.memory_space<hbm>>
      %dma_wait3A_575 = tpu.memref_squeeze %dma_wait3A_574 : memref<1x8192xi32, #tpu.memory_space<hbm>> -> memref<8192xi32, #tpu.memory_space<hbm>>
      %dma_wait3A_576 = tpu.memref_slice %arg2[%run_scoped3A_488, %mul3A_0] : memref<26x16384xi32, #tpu.memory_space<hbm>> -> memref<1x8192xi32, #tpu.memory_space<hbm>>
      %dma_wait3A_577 = tpu.memref_squeeze %dma_wait3A_576 : memref<1x8192xi32, #tpu.memory_space<hbm>> -> memref<8192xi32, #tpu.memory_space<hbm>>
      tpu.wait_dma2 semaphore(%run_scoped3A_569 : memref<!tpu.dma_semaphore, #tpu.memory_space<semaphore_mem>>) src(%dma_wait3A_577 : memref<8192xi32, #tpu.memory_space<hbm>>) dst(%arg7 : memref<8192xi32, #tpu.memory_space<vmem>>)
      tpu.yield
    }) : () -> ()
    %dma_wait3A_489 = arith.constant 22 : i32
    %dma_wait3A_490 = arith.constant 0 : i32
    %dma_wait3A_491 = tpu.memref_slice %arg3[%dma_wait3A_489, %arg1, %dma_wait3A_490] : memref<26x16x100000xf32, #tpu.memory_space<hbm>> -> memref<1x1x100000xf32, #tpu.memory_space<hbm>>
    %dma_wait3A_492 = tpu.memref_squeeze %dma_wait3A_491 : memref<1x1x100000xf32, #tpu.memory_space<hbm>> -> memref<100000xf32, #tpu.memory_space<hbm>>
    %dma_wait3A_493 = arith.constant 0 : i32
    %dma_wait3A_494 = tpu.memref_slice %arg3[%dma_wait3A_489, %arg1, %dma_wait3A_493] : memref<26x16x100000xf32, #tpu.memory_space<hbm>> -> memref<1x1x100000xf32, #tpu.memory_space<hbm>>
    %dma_wait3A_495 = tpu.memref_squeeze %dma_wait3A_494 : memref<1x1x100000xf32, #tpu.memory_space<hbm>> -> memref<100000xf32, #tpu.memory_space<hbm>>
    tpu.wait_dma2 semaphore(%arg10 : memref<!tpu.dma_semaphore, #tpu.memory_space<semaphore_mem>>) src(%dma_wait3A_495 : memref<100000xf32, #tpu.memory_space<hbm>>) dst(%arg6 : memref<100000xf32, #tpu.memory_space<vmem>>)
    %scan3A_496 = arith.constant 0 : i32
    %scan3A_497 = arith.constant 0 : i32
    %scan3A_498 = arith.constant 512 : i32
    %scan3A_499 = arith.addi %scan3A_497, %scan3A_498 : i32
    %scan3A_500 = arith.constant 1 : i32
    %scan3A_501 = scf.for %scan3A_569 = %scan3A_497 to %scan3A_499 step %scan3A_500 iter_args(%scan3A_570 = %scan3A_496) -> (i32)  : i32 {
      %mul3A_571 = arith.constant 16 : i32
      %mul3A_572 = arith.muli %scan3A_569, %mul3A_571 : i32
      %get3A = arith.index_cast %mul3A_572 : i32 to index
      %get3A_573 = tpu.vector_load %arg7[%get3A] {strides = array<i32>} : memref<8192xi32, #tpu.memory_space<vmem>>, vector<16xi32>,
      %gather3A = tpu.vector_load_idx %arg6[%get3A_573] : memref<100000xf32, #tpu.memory_space<vmem>>[vector<16xi32>], vector<16xf32>,
      %get3A_574 = arith.index_cast %mul3A_572 : i32 to index
      %get3A_575 = tpu.vector_load %arg8[%get3A_574] {strides = array<i32>} : memref<8192xf32, #tpu.memory_space<vmem>>, vector<16xf32>,
      %add3A = arith.addf %get3A_575, %gather3A : vector<16xf32>
      %swap3A = arith.index_cast %mul3A_572 : i32 to index
      %swap3A_576 = tpu.vector_load %arg8[%swap3A] {strides = array<i32>} : memref<8192xf32, #tpu.memory_space<vmem>>, vector<16xf32>,
      tpu.vector_store %arg8[%swap3A], %add3A {strides = array<i32>} : memref<8192xf32, #tpu.memory_space<vmem>>, vector<16xf32>,
      %get3A_577 = arith.index_cast %mul3A_572 : i32 to index
      %get3A_578 = tpu.vector_load %arg9[%get3A_577] {strides = array<i32>} : memref<8192xf32, #tpu.memory_space<vmem>>, vector<16xf32>,
      %mul3A_579 = arith.mulf %gather3A, %gather3A : vector<16xf32>
      %add3A_580 = arith.addf %get3A_578, %mul3A_579 : vector<16xf32>
      %swap3A_581 = arith.index_cast %mul3A_572 : i32 to index
      %swap3A_582 = tpu.vector_load %arg9[%swap3A_581] {strides = array<i32>} : memref<8192xf32, #tpu.memory_space<vmem>>, vector<16xf32>,
      tpu.vector_store %arg9[%swap3A_581], %add3A_580 {strides = array<i32>} : memref<8192xf32, #tpu.memory_space<vmem>>, vector<16xf32>,
      %scan3A_583 = arith.constant 0 : i32
      scf.yield %scan3A_583 : i32
    }
    %scan3A_502 = arith.constant 512 : i32
    %dma_start3A_503 = arith.constant 23 : i32
    %dma_start3A_504 = arith.constant 0 : i32
    %dma_start3A_505 = tpu.memref_slice %arg3[%dma_start3A_503, %arg1, %dma_start3A_504] : memref<26x16x100000xf32, #tpu.memory_space<hbm>> -> memref<1x1x100000xf32, #tpu.memory_space<hbm>>
    %dma_start3A_506 = tpu.memref_squeeze %dma_start3A_505 : memref<1x1x100000xf32, #tpu.memory_space<hbm>> -> memref<100000xf32, #tpu.memory_space<hbm>>
    %dma_start3A_507 = arith.constant 0 : i32
    %dma_start3A_508 = tpu.memref_slice %arg3[%dma_start3A_503, %arg1, %dma_start3A_507] : memref<26x16x100000xf32, #tpu.memory_space<hbm>> -> memref<1x1x100000xf32, #tpu.memory_space<hbm>>
    %dma_start3A_509 = tpu.memref_squeeze %dma_start3A_508 : memref<1x1x100000xf32, #tpu.memory_space<hbm>> -> memref<100000xf32, #tpu.memory_space<hbm>>
    tpu.enqueue_dma source(%dma_start3A_509 : memref<100000xf32, #tpu.memory_space<hbm>>) target(%arg6 : memref<100000xf32, #tpu.memory_space<vmem>>) target_semaphore(%arg10 : memref<!tpu.dma_semaphore, #tpu.memory_space<semaphore_mem>>)
    %run_scoped3A_510 = arith.constant 23 : i32
    "tpu.region"() ({
      %run_scoped3A_569 = tpu.sem_alloc : memref<!tpu.dma_semaphore, #tpu.memory_space<semaphore_mem>>
      %dma_start3A_570 = tpu.memref_slice %arg2[%run_scoped3A_510, %mul3A_0] : memref<26x16384xi32, #tpu.memory_space<hbm>> -> memref<1x8192xi32, #tpu.memory_space<hbm>>
      %dma_start3A_571 = tpu.memref_squeeze %dma_start3A_570 : memref<1x8192xi32, #tpu.memory_space<hbm>> -> memref<8192xi32, #tpu.memory_space<hbm>>
      %dma_start3A_572 = tpu.memref_slice %arg2[%run_scoped3A_510, %mul3A_0] : memref<26x16384xi32, #tpu.memory_space<hbm>> -> memref<1x8192xi32, #tpu.memory_space<hbm>>
      %dma_start3A_573 = tpu.memref_squeeze %dma_start3A_572 : memref<1x8192xi32, #tpu.memory_space<hbm>> -> memref<8192xi32, #tpu.memory_space<hbm>>
      tpu.enqueue_dma source(%dma_start3A_573 : memref<8192xi32, #tpu.memory_space<hbm>>) target(%arg7 : memref<8192xi32, #tpu.memory_space<vmem>>) target_semaphore(%run_scoped3A_569 : memref<!tpu.dma_semaphore, #tpu.memory_space<semaphore_mem>>)
      %dma_wait3A_574 = tpu.memref_slice %arg2[%run_scoped3A_510, %mul3A_0] : memref<26x16384xi32, #tpu.memory_space<hbm>> -> memref<1x8192xi32, #tpu.memory_space<hbm>>
      %dma_wait3A_575 = tpu.memref_squeeze %dma_wait3A_574 : memref<1x8192xi32, #tpu.memory_space<hbm>> -> memref<8192xi32, #tpu.memory_space<hbm>>
      %dma_wait3A_576 = tpu.memref_slice %arg2[%run_scoped3A_510, %mul3A_0] : memref<26x16384xi32, #tpu.memory_space<hbm>> -> memref<1x8192xi32, #tpu.memory_space<hbm>>
      %dma_wait3A_577 = tpu.memref_squeeze %dma_wait3A_576 : memref<1x8192xi32, #tpu.memory_space<hbm>> -> memref<8192xi32, #tpu.memory_space<hbm>>
      tpu.wait_dma2 semaphore(%run_scoped3A_569 : memref<!tpu.dma_semaphore, #tpu.memory_space<semaphore_mem>>) src(%dma_wait3A_577 : memref<8192xi32, #tpu.memory_space<hbm>>) dst(%arg7 : memref<8192xi32, #tpu.memory_space<vmem>>)
      tpu.yield
    }) : () -> ()
    %dma_wait3A_511 = arith.constant 23 : i32
    %dma_wait3A_512 = arith.constant 0 : i32
    %dma_wait3A_513 = tpu.memref_slice %arg3[%dma_wait3A_511, %arg1, %dma_wait3A_512] : memref<26x16x100000xf32, #tpu.memory_space<hbm>> -> memref<1x1x100000xf32, #tpu.memory_space<hbm>>
    %dma_wait3A_514 = tpu.memref_squeeze %dma_wait3A_513 : memref<1x1x100000xf32, #tpu.memory_space<hbm>> -> memref<100000xf32, #tpu.memory_space<hbm>>
    %dma_wait3A_515 = arith.constant 0 : i32
    %dma_wait3A_516 = tpu.memref_slice %arg3[%dma_wait3A_511, %arg1, %dma_wait3A_515] : memref<26x16x100000xf32, #tpu.memory_space<hbm>> -> memref<1x1x100000xf32, #tpu.memory_space<hbm>>
    %dma_wait3A_517 = tpu.memref_squeeze %dma_wait3A_516 : memref<1x1x100000xf32, #tpu.memory_space<hbm>> -> memref<100000xf32, #tpu.memory_space<hbm>>
    tpu.wait_dma2 semaphore(%arg10 : memref<!tpu.dma_semaphore, #tpu.memory_space<semaphore_mem>>) src(%dma_wait3A_517 : memref<100000xf32, #tpu.memory_space<hbm>>) dst(%arg6 : memref<100000xf32, #tpu.memory_space<vmem>>)
    %scan3A_518 = arith.constant 0 : i32
    %scan3A_519 = arith.constant 0 : i32
    %scan3A_520 = arith.constant 512 : i32
    %scan3A_521 = arith.addi %scan3A_519, %scan3A_520 : i32
    %scan3A_522 = arith.constant 1 : i32
    %scan3A_523 = scf.for %scan3A_569 = %scan3A_519 to %scan3A_521 step %scan3A_522 iter_args(%scan3A_570 = %scan3A_518) -> (i32)  : i32 {
      %mul3A_571 = arith.constant 16 : i32
      %mul3A_572 = arith.muli %scan3A_569, %mul3A_571 : i32
      %get3A = arith.index_cast %mul3A_572 : i32 to index
      %get3A_573 = tpu.vector_load %arg7[%get3A] {strides = array<i32>} : memref<8192xi32, #tpu.memory_space<vmem>>, vector<16xi32>,
      %gather3A = tpu.vector_load_idx %arg6[%get3A_573] : memref<100000xf32, #tpu.memory_space<vmem>>[vector<16xi32>], vector<16xf32>,
      %get3A_574 = arith.index_cast %mul3A_572 : i32 to index
      %get3A_575 = tpu.vector_load %arg8[%get3A_574] {strides = array<i32>} : memref<8192xf32, #tpu.memory_space<vmem>>, vector<16xf32>,
      %add3A = arith.addf %get3A_575, %gather3A : vector<16xf32>
      %swap3A = arith.index_cast %mul3A_572 : i32 to index
      %swap3A_576 = tpu.vector_load %arg8[%swap3A] {strides = array<i32>} : memref<8192xf32, #tpu.memory_space<vmem>>, vector<16xf32>,
      tpu.vector_store %arg8[%swap3A], %add3A {strides = array<i32>} : memref<8192xf32, #tpu.memory_space<vmem>>, vector<16xf32>,
      %get3A_577 = arith.index_cast %mul3A_572 : i32 to index
      %get3A_578 = tpu.vector_load %arg9[%get3A_577] {strides = array<i32>} : memref<8192xf32, #tpu.memory_space<vmem>>, vector<16xf32>,
      %mul3A_579 = arith.mulf %gather3A, %gather3A : vector<16xf32>
      %add3A_580 = arith.addf %get3A_578, %mul3A_579 : vector<16xf32>
      %swap3A_581 = arith.index_cast %mul3A_572 : i32 to index
      %swap3A_582 = tpu.vector_load %arg9[%swap3A_581] {strides = array<i32>} : memref<8192xf32, #tpu.memory_space<vmem>>, vector<16xf32>,
      tpu.vector_store %arg9[%swap3A_581], %add3A_580 {strides = array<i32>} : memref<8192xf32, #tpu.memory_space<vmem>>, vector<16xf32>,
      %scan3A_583 = arith.constant 0 : i32
      scf.yield %scan3A_583 : i32
    }
    %scan3A_524 = arith.constant 512 : i32
    %dma_start3A_525 = arith.constant 24 : i32
    %dma_start3A_526 = arith.constant 0 : i32
    %dma_start3A_527 = tpu.memref_slice %arg3[%dma_start3A_525, %arg1, %dma_start3A_526] : memref<26x16x100000xf32, #tpu.memory_space<hbm>> -> memref<1x1x100000xf32, #tpu.memory_space<hbm>>
    %dma_start3A_528 = tpu.memref_squeeze %dma_start3A_527 : memref<1x1x100000xf32, #tpu.memory_space<hbm>> -> memref<100000xf32, #tpu.memory_space<hbm>>
    %dma_start3A_529 = arith.constant 0 : i32
    %dma_start3A_530 = tpu.memref_slice %arg3[%dma_start3A_525, %arg1, %dma_start3A_529] : memref<26x16x100000xf32, #tpu.memory_space<hbm>> -> memref<1x1x100000xf32, #tpu.memory_space<hbm>>
    %dma_start3A_531 = tpu.memref_squeeze %dma_start3A_530 : memref<1x1x100000xf32, #tpu.memory_space<hbm>> -> memref<100000xf32, #tpu.memory_space<hbm>>
    tpu.enqueue_dma source(%dma_start3A_531 : memref<100000xf32, #tpu.memory_space<hbm>>) target(%arg6 : memref<100000xf32, #tpu.memory_space<vmem>>) target_semaphore(%arg10 : memref<!tpu.dma_semaphore, #tpu.memory_space<semaphore_mem>>)
    %run_scoped3A_532 = arith.constant 24 : i32
    "tpu.region"() ({
      %run_scoped3A_569 = tpu.sem_alloc : memref<!tpu.dma_semaphore, #tpu.memory_space<semaphore_mem>>
      %dma_start3A_570 = tpu.memref_slice %arg2[%run_scoped3A_532, %mul3A_0] : memref<26x16384xi32, #tpu.memory_space<hbm>> -> memref<1x8192xi32, #tpu.memory_space<hbm>>
      %dma_start3A_571 = tpu.memref_squeeze %dma_start3A_570 : memref<1x8192xi32, #tpu.memory_space<hbm>> -> memref<8192xi32, #tpu.memory_space<hbm>>
      %dma_start3A_572 = tpu.memref_slice %arg2[%run_scoped3A_532, %mul3A_0] : memref<26x16384xi32, #tpu.memory_space<hbm>> -> memref<1x8192xi32, #tpu.memory_space<hbm>>
      %dma_start3A_573 = tpu.memref_squeeze %dma_start3A_572 : memref<1x8192xi32, #tpu.memory_space<hbm>> -> memref<8192xi32, #tpu.memory_space<hbm>>
      tpu.enqueue_dma source(%dma_start3A_573 : memref<8192xi32, #tpu.memory_space<hbm>>) target(%arg7 : memref<8192xi32, #tpu.memory_space<vmem>>) target_semaphore(%run_scoped3A_569 : memref<!tpu.dma_semaphore, #tpu.memory_space<semaphore_mem>>)
      %dma_wait3A_574 = tpu.memref_slice %arg2[%run_scoped3A_532, %mul3A_0] : memref<26x16384xi32, #tpu.memory_space<hbm>> -> memref<1x8192xi32, #tpu.memory_space<hbm>>
      %dma_wait3A_575 = tpu.memref_squeeze %dma_wait3A_574 : memref<1x8192xi32, #tpu.memory_space<hbm>> -> memref<8192xi32, #tpu.memory_space<hbm>>
      %dma_wait3A_576 = tpu.memref_slice %arg2[%run_scoped3A_532, %mul3A_0] : memref<26x16384xi32, #tpu.memory_space<hbm>> -> memref<1x8192xi32, #tpu.memory_space<hbm>>
      %dma_wait3A_577 = tpu.memref_squeeze %dma_wait3A_576 : memref<1x8192xi32, #tpu.memory_space<hbm>> -> memref<8192xi32, #tpu.memory_space<hbm>>
      tpu.wait_dma2 semaphore(%run_scoped3A_569 : memref<!tpu.dma_semaphore, #tpu.memory_space<semaphore_mem>>) src(%dma_wait3A_577 : memref<8192xi32, #tpu.memory_space<hbm>>) dst(%arg7 : memref<8192xi32, #tpu.memory_space<vmem>>)
      tpu.yield
    }) : () -> ()
    %dma_wait3A_533 = arith.constant 24 : i32
    %dma_wait3A_534 = arith.constant 0 : i32
    %dma_wait3A_535 = tpu.memref_slice %arg3[%dma_wait3A_533, %arg1, %dma_wait3A_534] : memref<26x16x100000xf32, #tpu.memory_space<hbm>> -> memref<1x1x100000xf32, #tpu.memory_space<hbm>>
    %dma_wait3A_536 = tpu.memref_squeeze %dma_wait3A_535 : memref<1x1x100000xf32, #tpu.memory_space<hbm>> -> memref<100000xf32, #tpu.memory_space<hbm>>
    %dma_wait3A_537 = arith.constant 0 : i32
    %dma_wait3A_538 = tpu.memref_slice %arg3[%dma_wait3A_533, %arg1, %dma_wait3A_537] : memref<26x16x100000xf32, #tpu.memory_space<hbm>> -> memref<1x1x100000xf32, #tpu.memory_space<hbm>>
    %dma_wait3A_539 = tpu.memref_squeeze %dma_wait3A_538 : memref<1x1x100000xf32, #tpu.memory_space<hbm>> -> memref<100000xf32, #tpu.memory_space<hbm>>
    tpu.wait_dma2 semaphore(%arg10 : memref<!tpu.dma_semaphore, #tpu.memory_space<semaphore_mem>>) src(%dma_wait3A_539 : memref<100000xf32, #tpu.memory_space<hbm>>) dst(%arg6 : memref<100000xf32, #tpu.memory_space<vmem>>)
    %scan3A_540 = arith.constant 0 : i32
    %scan3A_541 = arith.constant 0 : i32
    %scan3A_542 = arith.constant 512 : i32
    %scan3A_543 = arith.addi %scan3A_541, %scan3A_542 : i32
    %scan3A_544 = arith.constant 1 : i32
    %scan3A_545 = scf.for %scan3A_569 = %scan3A_541 to %scan3A_543 step %scan3A_544 iter_args(%scan3A_570 = %scan3A_540) -> (i32)  : i32 {
      %mul3A_571 = arith.constant 16 : i32
      %mul3A_572 = arith.muli %scan3A_569, %mul3A_571 : i32
      %get3A = arith.index_cast %mul3A_572 : i32 to index
      %get3A_573 = tpu.vector_load %arg7[%get3A] {strides = array<i32>} : memref<8192xi32, #tpu.memory_space<vmem>>, vector<16xi32>,
      %gather3A = tpu.vector_load_idx %arg6[%get3A_573] : memref<100000xf32, #tpu.memory_space<vmem>>[vector<16xi32>], vector<16xf32>,
      %get3A_574 = arith.index_cast %mul3A_572 : i32 to index
      %get3A_575 = tpu.vector_load %arg8[%get3A_574] {strides = array<i32>} : memref<8192xf32, #tpu.memory_space<vmem>>, vector<16xf32>,
      %add3A = arith.addf %get3A_575, %gather3A : vector<16xf32>
      %swap3A = arith.index_cast %mul3A_572 : i32 to index
      %swap3A_576 = tpu.vector_load %arg8[%swap3A] {strides = array<i32>} : memref<8192xf32, #tpu.memory_space<vmem>>, vector<16xf32>,
      tpu.vector_store %arg8[%swap3A], %add3A {strides = array<i32>} : memref<8192xf32, #tpu.memory_space<vmem>>, vector<16xf32>,
      %get3A_577 = arith.index_cast %mul3A_572 : i32 to index
      %get3A_578 = tpu.vector_load %arg9[%get3A_577] {strides = array<i32>} : memref<8192xf32, #tpu.memory_space<vmem>>, vector<16xf32>,
      %mul3A_579 = arith.mulf %gather3A, %gather3A : vector<16xf32>
      %add3A_580 = arith.addf %get3A_578, %mul3A_579 : vector<16xf32>
      %swap3A_581 = arith.index_cast %mul3A_572 : i32 to index
      %swap3A_582 = tpu.vector_load %arg9[%swap3A_581] {strides = array<i32>} : memref<8192xf32, #tpu.memory_space<vmem>>, vector<16xf32>,
      tpu.vector_store %arg9[%swap3A_581], %add3A_580 {strides = array<i32>} : memref<8192xf32, #tpu.memory_space<vmem>>, vector<16xf32>,
      %scan3A_583 = arith.constant 0 : i32
      scf.yield %scan3A_583 : i32
    }
    %scan3A_546 = arith.constant 512 : i32
    %dma_start3A_547 = arith.constant 25 : i32
    %dma_start3A_548 = arith.constant 0 : i32
    %dma_start3A_549 = tpu.memref_slice %arg3[%dma_start3A_547, %arg1, %dma_start3A_548] : memref<26x16x100000xf32, #tpu.memory_space<hbm>> -> memref<1x1x100000xf32, #tpu.memory_space<hbm>>
    %dma_start3A_550 = tpu.memref_squeeze %dma_start3A_549 : memref<1x1x100000xf32, #tpu.memory_space<hbm>> -> memref<100000xf32, #tpu.memory_space<hbm>>
    %dma_start3A_551 = arith.constant 0 : i32
    %dma_start3A_552 = tpu.memref_slice %arg3[%dma_start3A_547, %arg1, %dma_start3A_551] : memref<26x16x100000xf32, #tpu.memory_space<hbm>> -> memref<1x1x100000xf32, #tpu.memory_space<hbm>>
    %dma_start3A_553 = tpu.memref_squeeze %dma_start3A_552 : memref<1x1x100000xf32, #tpu.memory_space<hbm>> -> memref<100000xf32, #tpu.memory_space<hbm>>
    tpu.enqueue_dma source(%dma_start3A_553 : memref<100000xf32, #tpu.memory_space<hbm>>) target(%arg6 : memref<100000xf32, #tpu.memory_space<vmem>>) target_semaphore(%arg10 : memref<!tpu.dma_semaphore, #tpu.memory_space<semaphore_mem>>)
    %run_scoped3A_554 = arith.constant 25 : i32
    "tpu.region"() ({
      %run_scoped3A_569 = tpu.sem_alloc : memref<!tpu.dma_semaphore, #tpu.memory_space<semaphore_mem>>
      %dma_start3A_570 = tpu.memref_slice %arg2[%run_scoped3A_554, %mul3A_0] : memref<26x16384xi32, #tpu.memory_space<hbm>> -> memref<1x8192xi32, #tpu.memory_space<hbm>>
      %dma_start3A_571 = tpu.memref_squeeze %dma_start3A_570 : memref<1x8192xi32, #tpu.memory_space<hbm>> -> memref<8192xi32, #tpu.memory_space<hbm>>
      %dma_start3A_572 = tpu.memref_slice %arg2[%run_scoped3A_554, %mul3A_0] : memref<26x16384xi32, #tpu.memory_space<hbm>> -> memref<1x8192xi32, #tpu.memory_space<hbm>>
      %dma_start3A_573 = tpu.memref_squeeze %dma_start3A_572 : memref<1x8192xi32, #tpu.memory_space<hbm>> -> memref<8192xi32, #tpu.memory_space<hbm>>
      tpu.enqueue_dma source(%dma_start3A_573 : memref<8192xi32, #tpu.memory_space<hbm>>) target(%arg7 : memref<8192xi32, #tpu.memory_space<vmem>>) target_semaphore(%run_scoped3A_569 : memref<!tpu.dma_semaphore, #tpu.memory_space<semaphore_mem>>)
      %dma_wait3A_574 = tpu.memref_slice %arg2[%run_scoped3A_554, %mul3A_0] : memref<26x16384xi32, #tpu.memory_space<hbm>> -> memref<1x8192xi32, #tpu.memory_space<hbm>>
      %dma_wait3A_575 = tpu.memref_squeeze %dma_wait3A_574 : memref<1x8192xi32, #tpu.memory_space<hbm>> -> memref<8192xi32, #tpu.memory_space<hbm>>
      %dma_wait3A_576 = tpu.memref_slice %arg2[%run_scoped3A_554, %mul3A_0] : memref<26x16384xi32, #tpu.memory_space<hbm>> -> memref<1x8192xi32, #tpu.memory_space<hbm>>
      %dma_wait3A_577 = tpu.memref_squeeze %dma_wait3A_576 : memref<1x8192xi32, #tpu.memory_space<hbm>> -> memref<8192xi32, #tpu.memory_space<hbm>>
      tpu.wait_dma2 semaphore(%run_scoped3A_569 : memref<!tpu.dma_semaphore, #tpu.memory_space<semaphore_mem>>) src(%dma_wait3A_577 : memref<8192xi32, #tpu.memory_space<hbm>>) dst(%arg7 : memref<8192xi32, #tpu.memory_space<vmem>>)
      tpu.yield
    }) : () -> ()
    %dma_wait3A_555 = arith.constant 25 : i32
    %dma_wait3A_556 = arith.constant 0 : i32
    %dma_wait3A_557 = tpu.memref_slice %arg3[%dma_wait3A_555, %arg1, %dma_wait3A_556] : memref<26x16x100000xf32, #tpu.memory_space<hbm>> -> memref<1x1x100000xf32, #tpu.memory_space<hbm>>
    %dma_wait3A_558 = tpu.memref_squeeze %dma_wait3A_557 : memref<1x1x100000xf32, #tpu.memory_space<hbm>> -> memref<100000xf32, #tpu.memory_space<hbm>>
    %dma_wait3A_559 = arith.constant 0 : i32
    %dma_wait3A_560 = tpu.memref_slice %arg3[%dma_wait3A_555, %arg1, %dma_wait3A_559] : memref<26x16x100000xf32, #tpu.memory_space<hbm>> -> memref<1x1x100000xf32, #tpu.memory_space<hbm>>
    %dma_wait3A_561 = tpu.memref_squeeze %dma_wait3A_560 : memref<1x1x100000xf32, #tpu.memory_space<hbm>> -> memref<100000xf32, #tpu.memory_space<hbm>>
    tpu.wait_dma2 semaphore(%arg10 : memref<!tpu.dma_semaphore, #tpu.memory_space<semaphore_mem>>) src(%dma_wait3A_561 : memref<100000xf32, #tpu.memory_space<hbm>>) dst(%arg6 : memref<100000xf32, #tpu.memory_space<vmem>>)
    %scan3A_562 = arith.constant 0 : i32
    %scan3A_563 = arith.constant 0 : i32
    %scan3A_564 = arith.constant 512 : i32
    %scan3A_565 = arith.addi %scan3A_563, %scan3A_564 : i32
    %scan3A_566 = arith.constant 1 : i32
    %scan3A_567 = scf.for %scan3A_569 = %scan3A_563 to %scan3A_565 step %scan3A_566 iter_args(%scan3A_570 = %scan3A_562) -> (i32)  : i32 {
      %mul3A_571 = arith.constant 16 : i32
      %mul3A_572 = arith.muli %scan3A_569, %mul3A_571 : i32
      %get3A = arith.index_cast %mul3A_572 : i32 to index
      %get3A_573 = tpu.vector_load %arg7[%get3A] {strides = array<i32>} : memref<8192xi32, #tpu.memory_space<vmem>>, vector<16xi32>,
      %gather3A = tpu.vector_load_idx %arg6[%get3A_573] : memref<100000xf32, #tpu.memory_space<vmem>>[vector<16xi32>], vector<16xf32>,
      %get3A_574 = arith.index_cast %mul3A_572 : i32 to index
      %get3A_575 = tpu.vector_load %arg8[%get3A_574] {strides = array<i32>} : memref<8192xf32, #tpu.memory_space<vmem>>, vector<16xf32>,
      %add3A = arith.addf %get3A_575, %gather3A : vector<16xf32>
      %swap3A = arith.index_cast %mul3A_572 : i32 to index
      %swap3A_576 = tpu.vector_load %arg8[%swap3A] {strides = array<i32>} : memref<8192xf32, #tpu.memory_space<vmem>>, vector<16xf32>,
      tpu.vector_store %arg8[%swap3A], %add3A {strides = array<i32>} : memref<8192xf32, #tpu.memory_space<vmem>>, vector<16xf32>,
      %get3A_577 = arith.index_cast %mul3A_572 : i32 to index
      %get3A_578 = tpu.vector_load %arg9[%get3A_577] {strides = array<i32>} : memref<8192xf32, #tpu.memory_space<vmem>>, vector<16xf32>,
      %mul3A_579 = arith.mulf %gather3A, %gather3A : vector<16xf32>
      %add3A_580 = arith.addf %get3A_578, %mul3A_579 : vector<16xf32>
      %swap3A_581 = arith.index_cast %mul3A_572 : i32 to index
      %swap3A_582 = tpu.vector_load %arg9[%swap3A_581] {strides = array<i32>} : memref<8192xf32, #tpu.memory_space<vmem>>, vector<16xf32>,
      tpu.vector_store %arg9[%swap3A_581], %add3A_580 {strides = array<i32>} : memref<8192xf32, #tpu.memory_space<vmem>>, vector<16xf32>,
      %scan3A_583 = arith.constant 0 : i32
      scf.yield %scan3A_583 : i32
    }
    %scan3A_568 = arith.constant 512 : i32
    "tpu.region"() ({
      %run_scoped3A_569 = tpu.sem_alloc : memref<!tpu.dma_semaphore, #tpu.memory_space<semaphore_mem>>
      %dma_start3A_570 = tpu.memref_slice %arg4[%arg1, %mul3A_0] : memref<16x16384xf32, #tpu.memory_space<hbm>> -> memref<1x8192xf32, #tpu.memory_space<hbm>>
      %dma_start3A_571 = tpu.memref_squeeze %dma_start3A_570 : memref<1x8192xf32, #tpu.memory_space<hbm>> -> memref<8192xf32, #tpu.memory_space<hbm>>
      %dma_start3A_572 = tpu.memref_slice %arg4[%arg1, %mul3A_0] : memref<16x16384xf32, #tpu.memory_space<hbm>> -> memref<1x8192xf32, #tpu.memory_space<hbm>>
      %dma_start3A_573 = tpu.memref_squeeze %dma_start3A_572 : memref<1x8192xf32, #tpu.memory_space<hbm>> -> memref<8192xf32, #tpu.memory_space<hbm>>
      tpu.enqueue_dma source(%arg8 : memref<8192xf32, #tpu.memory_space<vmem>>) target(%dma_start3A_573 : memref<8192xf32, #tpu.memory_space<hbm>>) target_semaphore(%run_scoped3A_569 : memref<!tpu.dma_semaphore, #tpu.memory_space<semaphore_mem>>)
      %dma_wait3A_574 = tpu.memref_slice %arg4[%arg1, %mul3A_0] : memref<16x16384xf32, #tpu.memory_space<hbm>> -> memref<1x8192xf32, #tpu.memory_space<hbm>>
      %dma_wait3A_575 = tpu.memref_squeeze %dma_wait3A_574 : memref<1x8192xf32, #tpu.memory_space<hbm>> -> memref<8192xf32, #tpu.memory_space<hbm>>
      %dma_wait3A_576 = tpu.memref_slice %arg4[%arg1, %mul3A_0] : memref<16x16384xf32, #tpu.memory_space<hbm>> -> memref<1x8192xf32, #tpu.memory_space<hbm>>
      %dma_wait3A_577 = tpu.memref_squeeze %dma_wait3A_576 : memref<1x8192xf32, #tpu.memory_space<hbm>> -> memref<8192xf32, #tpu.memory_space<hbm>>
      tpu.wait_dma2 semaphore(%run_scoped3A_569 : memref<!tpu.dma_semaphore, #tpu.memory_space<semaphore_mem>>) src(%arg8 : memref<8192xf32, #tpu.memory_space<vmem>>) dst(%dma_wait3A_577 : memref<8192xf32, #tpu.memory_space<hbm>>)
      tpu.yield
    }) : () -> ()
    "tpu.region"() ({
      %run_scoped3A_569 = tpu.sem_alloc : memref<!tpu.dma_semaphore, #tpu.memory_space<semaphore_mem>>
      %dma_start3A_570 = tpu.memref_slice %arg5[%arg1, %mul3A_0] : memref<16x16384xf32, #tpu.memory_space<hbm>> -> memref<1x8192xf32, #tpu.memory_space<hbm>>
      %dma_start3A_571 = tpu.memref_squeeze %dma_start3A_570 : memref<1x8192xf32, #tpu.memory_space<hbm>> -> memref<8192xf32, #tpu.memory_space<hbm>>
      %dma_start3A_572 = tpu.memref_slice %arg5[%arg1, %mul3A_0] : memref<16x16384xf32, #tpu.memory_space<hbm>> -> memref<1x8192xf32, #tpu.memory_space<hbm>>
      %dma_start3A_573 = tpu.memref_squeeze %dma_start3A_572 : memref<1x8192xf32, #tpu.memory_space<hbm>> -> memref<8192xf32, #tpu.memory_space<hbm>>
      tpu.enqueue_dma source(%arg9 : memref<8192xf32, #tpu.memory_space<vmem>>) target(%dma_start3A_573 : memref<8192xf32, #tpu.memory_space<hbm>>) target_semaphore(%run_scoped3A_569 : memref<!tpu.dma_semaphore, #tpu.memory_space<semaphore_mem>>)
      %dma_wait3A_574 = tpu.memref_slice %arg5[%arg1, %mul3A_0] : memref<16x16384xf32, #tpu.memory_space<hbm>> -> memref<1x8192xf32, #tpu.memory_space<hbm>>
      %dma_wait3A_575 = tpu.memref_squeeze %dma_wait3A_574 : memref<1x8192xf32, #tpu.memory_space<hbm>> -> memref<8192xf32, #tpu.memory_space<hbm>>
      %dma_wait3A_576 = tpu.memref_slice %arg5[%arg1, %mul3A_0] : memref<16x16384xf32, #tpu.memory_space<hbm>> -> memref<1x8192xf32, #tpu.memory_space<hbm>>
      %dma_wait3A_577 = tpu.memref_squeeze %dma_wait3A_576 : memref<1x8192xf32, #tpu.memory_space<hbm>> -> memref<8192xf32, #tpu.memory_space<hbm>>
      tpu.wait_dma2 semaphore(%run_scoped3A_569 : memref<!tpu.dma_semaphore, #tpu.memory_space<semaphore_mem>>) src(%arg9 : memref<8192xf32, #tpu.memory_space<vmem>>) dst(%dma_wait3A_577 : memref<8192xf32, #tpu.memory_space<hbm>>)
      tpu.yield
    }) : () -> ()
    return
  }
}

module attributes {stable_mosaic.version = 14 : i64} {
  func.func @_stats_body(%arg0: memref<16384x13xf32, #tpu.memory_space<vmem>>, %arg1: memref<16x16384xf32, #tpu.memory_space<vmem>>, %arg2: memref<16x16384xf32, #tpu.memory_space<vmem>>, %arg3: memref<2x13xf32, #tpu.memory_space<vmem>>, %arg4: memref<16x2xf32, #tpu.memory_space<vmem>>) attributes {dimension_semantics = [], scalar_prefetch = 0 : i64, scratch_operands = 0 : i64, tpu.core_type = #tpu.core_type<tc>} {
    %get3A = arith.constant 0 : index
    %get3A_0 = arith.constant 0 : index
    %get3A_1 = vector.load %arg0[%get3A, %get3A_0] : memref<16384x13xf32, #tpu.memory_space<vmem>>, vector<16384x13xf32>
    %reduce_sum3A = arith.constant dense<0.000000e+00> : vector<13xf32>
    %reduce_sum3A_2 = vector.multi_reduction <add>, %get3A_1, %reduce_sum3A [0] : vector<16384x13xf32> to vector<13xf32>
    %broadcast_in_dim3A = vector.shape_cast %reduce_sum3A_2 : vector<13xf32> to vector<1x13xf32>
    %mul3A = arith.mulf %get3A_1, %get3A_1 : vector<16384x13xf32>
    %reduce_sum3A_3 = arith.constant dense<0.000000e+00> : vector<13xf32>
    %reduce_sum3A_4 = vector.multi_reduction <add>, %mul3A, %reduce_sum3A_3 [0] : vector<16384x13xf32> to vector<13xf32>
    %broadcast_in_dim3A_5 = vector.shape_cast %reduce_sum3A_4 : vector<13xf32> to vector<1x13xf32>
    %concatenate3A = tpu.concatenate %broadcast_in_dim3A, %broadcast_in_dim3A_5 in 0 : vector<1x13xf32>, vector<1x13xf32> -> vector<2x13xf32>
    %swap3A = arith.constant 0 : index
    %swap3A_6 = arith.constant 0 : index
    %swap3A_7 = vector.load %arg3[%swap3A, %swap3A_6] : memref<2x13xf32, #tpu.memory_space<vmem>>, vector<2x13xf32>
    tpu.vector_store %arg3[%swap3A, %swap3A_6], %concatenate3A {strides = array<i32>} : memref<2x13xf32, #tpu.memory_space<vmem>>, vector<2x13xf32>,
    %get3A_8 = arith.constant 0 : index
    %get3A_9 = arith.constant 0 : index
    %get3A_10 = vector.load %arg1[%get3A_8, %get3A_9] : memref<16x16384xf32, #tpu.memory_space<vmem>>, vector<16x16384xf32>
    %get3A_11 = arith.constant 0 : index
    %get3A_12 = arith.constant 0 : index
    %get3A_13 = vector.load %arg1[%get3A_11, %get3A_12] : memref<16x16384xf32, #tpu.memory_space<vmem>>, vector<16x16384xf32>
    %mul3A_14 = arith.mulf %get3A_10, %get3A_13 : vector<16x16384xf32>
    %get3A_15 = arith.constant 0 : index
    %get3A_16 = arith.constant 0 : index
    %get3A_17 = vector.load %arg2[%get3A_15, %get3A_16] : memref<16x16384xf32, #tpu.memory_space<vmem>>, vector<16x16384xf32>
    %sub3A = arith.subf %mul3A_14, %get3A_17 : vector<16x16384xf32>
    %mul3A_18 = arith.constant 5.000000e-01 : f32
    %mul3A_19 = vector.broadcast %mul3A_18 : f32 to vector<16x16384xf32>
    %mul3A_20 = arith.mulf %mul3A_19, %sub3A : vector<16x16384xf32>
    %reduce_sum3A_21 = arith.constant dense<0.000000e+00> : vector<16xf32>
    %reduce_sum3A_22 = vector.multi_reduction <add>, %mul3A_20, %reduce_sum3A_21 [1] : vector<16x16384xf32> to vector<16xf32>
    %broadcast_in_dim3A_23 = vector.shape_cast %reduce_sum3A_22 : vector<16xf32> to vector<16x1xf32>
    %mul3A_24 = arith.mulf %mul3A_20, %mul3A_20 : vector<16x16384xf32>
    %reduce_sum3A_25 = arith.constant dense<0.000000e+00> : vector<16xf32>
    %reduce_sum3A_26 = vector.multi_reduction <add>, %mul3A_24, %reduce_sum3A_25 [1] : vector<16x16384xf32> to vector<16xf32>
    %broadcast_in_dim3A_27 = vector.shape_cast %reduce_sum3A_26 : vector<16xf32> to vector<16x1xf32>
    %concatenate3A_28 = tpu.concatenate %broadcast_in_dim3A_23, %broadcast_in_dim3A_27 in 1 : vector<16x1xf32>, vector<16x1xf32> -> vector<16x2xf32>
    %swap3A_29 = arith.constant 0 : index
    %swap3A_30 = arith.constant 0 : index
    %swap3A_31 = vector.load %arg4[%swap3A_29, %swap3A_30] : memref<16x2xf32, #tpu.memory_space<vmem>>, vector<16x2xf32>
    tpu.vector_store %arg4[%swap3A_29, %swap3A_30], %concatenate3A_28 {strides = array<i32>} : memref<16x2xf32, #tpu.memory_space<vmem>>, vector<16x2xf32>,
    return
  }
}

module attributes {stable_mosaic.version = 14 : i64} {
  func.func @_mlp_body(%arg0: i32, %arg1: memref<2048x13xf32, #tpu.memory_space<vmem>>, %arg2: memref<16x2048xf32, #tpu.memory_space<vmem>>, %arg3: memref<16x2048xf32, #tpu.memory_space<vmem>>, %arg4: memref<2x13xf32, #tpu.memory_space<vmem>>, %arg5: memref<16x2xf32, #tpu.memory_space<vmem>>, %arg6: memref<1x13xf32, #tpu.memory_space<vmem>>, %arg7: memref<1x16xf32, #tpu.memory_space<vmem>>, %arg8: memref<1x13xf32, #tpu.memory_space<vmem>>, %arg9: memref<1x16xf32, #tpu.memory_space<vmem>>, %arg10: memref<13x256xf32, #tpu.memory_space<vmem>>, %arg11: memref<16x256xf32, #tpu.memory_space<vmem>>, %arg12: memref<1x256xf32, #tpu.memory_space<vmem>>, %arg13: memref<256x128xf32, #tpu.memory_space<vmem>>, %arg14: memref<1x128xf32, #tpu.memory_space<vmem>>, %arg15: memref<128x64xf32, #tpu.memory_space<vmem>>, %arg16: memref<1x64xf32, #tpu.memory_space<vmem>>, %arg17: memref<64x1xf32, #tpu.memory_space<vmem>>, %arg18: memref<1x1xf32, #tpu.memory_space<vmem>>, %arg19: memref<2048x1xf32, #tpu.memory_space<vmem>>) attributes {dimension_semantics = [#tpu.dimension_semantics<arbitrary>], iteration_bounds = array<i64: 8>, scalar_prefetch = 0 : i64, scratch_operands = 0 : i64, tpu.core_type = #tpu.core_type<tc>, window_params = [{transform_indices = @transform_0, window_bounds = array<i64: 2048, 13>}, {transform_indices = @transform_1, window_bounds = array<i64: 16, 2048>}, {transform_indices = @transform_2, window_bounds = array<i64: 16, 2048>}, {pipeline_mode = #tpu.pipeline_mode<synchronous>, transform_indices = @transform_3, window_bounds = array<i64: 2, 13>}, {pipeline_mode = #tpu.pipeline_mode<synchronous>, transform_indices = @transform_4, window_bounds = array<i64: 16, 2>}, {pipeline_mode = #tpu.pipeline_mode<synchronous>, transform_indices = @transform_5, window_bounds = array<i64: 1, 13>}, {pipeline_mode = #tpu.pipeline_mode<synchronous>, transform_indices = @transform_6, window_bounds = array<i64: 1, 16>}, {pipeline_mode = #tpu.pipeline_mode<synchronous>, transform_indices = @transform_7, window_bounds = array<i64: 1, 13>}, {pipeline_mode = #tpu.pipeline_mode<synchronous>, transform_indices = @transform_8, window_bounds = array<i64: 1, 16>}, {pipeline_mode = #tpu.pipeline_mode<synchronous>, transform_indices = @transform_9, window_bounds = array<i64: 13, 256>}, {pipeline_mode = #tpu.pipeline_mode<synchronous>, transform_indices = @transform_10, window_bounds = array<i64: 16, 256>}, {pipeline_mode = #tpu.pipeline_mode<synchronous>, transform_indices = @transform_11, window_bounds = array<i64: 1, 256>}, {pipeline_mode = #tpu.pipeline_mode<synchronous>, transform_indices = @transform_12, window_bounds = array<i64: 256, 128>}, {pipeline_mode = #tpu.pipeline_mode<synchronous>, transform_indices = @transform_13, window_bounds = array<i64: 1, 128>}, {pipeline_mode = #tpu.pipeline_mode<synchronous>, transform_indices = @transform_14, window_bounds = array<i64: 128, 64>}, {pipeline_mode = #tpu.pipeline_mode<synchronous>, transform_indices = @transform_15, window_bounds = array<i64: 1, 64>}, {pipeline_mode = #tpu.pipeline_mode<synchronous>, transform_indices = @transform_16, window_bounds = array<i64: 64, 1>}, {pipeline_mode = #tpu.pipeline_mode<synchronous>, transform_indices = @transform_17, window_bounds = array<i64: 1, 1>}, {transform_indices = @transform_18, window_bounds = array<i64: 2048, 1>}]} {
    %get3A = arith.constant 0 : index
    %get3A_0 = arith.constant 0 : index
    %get3A_1 = vector.load %arg4[%get3A, %get3A_0] : memref<2x13xf32, #tpu.memory_space<vmem>>, vector<2x13xf32>
    %get3A_2 = arith.constant 0 : index
    %get3A_3 = arith.constant 0 : index
    %get3A_4 = vector.load %arg5[%get3A_2, %get3A_3] : memref<16x2xf32, #tpu.memory_space<vmem>>, vector<16x2xf32>
    %slice3A = vector.extract_strided_slice %get3A_1 {offsets = [0, 0], sizes = [1, 13], strides = [1, 1]} : vector<2x13xf32> to vector<1x13xf32>
    %mul3A = arith.constant 6.10351563E-5 : f32
    %mul3A_5 = vector.broadcast %mul3A : f32 to vector<1x13xf32>
    %mul3A_6 = arith.mulf %slice3A, %mul3A_5 : vector<1x13xf32>
    %slice3A_7 = vector.extract_strided_slice %get3A_1 {offsets = [1, 0], sizes = [1, 13], strides = [1, 1]} : vector<2x13xf32> to vector<1x13xf32>
    %mul3A_8 = arith.constant 6.10351563E-5 : f32
    %mul3A_9 = vector.broadcast %mul3A_8 : f32 to vector<1x13xf32>
    %mul3A_10 = arith.mulf %slice3A_7, %mul3A_9 : vector<1x13xf32>
    %mul3A_11 = arith.mulf %mul3A_6, %mul3A_6 : vector<1x13xf32>
    %sub3A = arith.subf %mul3A_10, %mul3A_11 : vector<1x13xf32>
    %slice3A_12 = vector.extract_strided_slice %get3A_4 {offsets = [0, 0], sizes = [16, 1], strides = [1, 1]} : vector<16x2xf32> to vector<16x1xf32>
    %mul3A_13 = arith.constant 6.10351563E-5 : f32
    %mul3A_14 = vector.broadcast %mul3A_13 : f32 to vector<16x1xf32>
    %mul3A_15 = arith.mulf %slice3A_12, %mul3A_14 : vector<16x1xf32>
    %slice3A_16 = vector.extract_strided_slice %get3A_4 {offsets = [0, 1], sizes = [16, 1], strides = [1, 1]} : vector<16x2xf32> to vector<16x1xf32>
    %mul3A_17 = arith.constant 6.10351563E-5 : f32
    %mul3A_18 = vector.broadcast %mul3A_17 : f32 to vector<16x1xf32>
    %mul3A_19 = arith.mulf %slice3A_16, %mul3A_18 : vector<16x1xf32>
    %mul3A_20 = arith.mulf %mul3A_15, %mul3A_15 : vector<16x1xf32>
    %sub3A_21 = arith.subf %mul3A_19, %mul3A_20 : vector<16x1xf32>
    %add3A = arith.constant 1.000000e-03 : f32
    %add3A_22 = vector.broadcast %add3A : f32 to vector<1x13xf32>
    %add3A_23 = arith.addf %sub3A, %add3A_22 : vector<1x13xf32>
    %rsqrt3A = math.rsqrt %add3A_23 : vector<1x13xf32>
    %get3A_24 = arith.constant 0 : index
    %get3A_25 = arith.constant 0 : index
    %get3A_26 = vector.load %arg6[%get3A_24, %get3A_25] : memref<1x13xf32, #tpu.memory_space<vmem>>, vector<1x13xf32>
    %mul3A_27 = arith.mulf %rsqrt3A, %get3A_26 : vector<1x13xf32>
    %add3A_28 = arith.constant 1.000000e-03 : f32
    %add3A_29 = vector.broadcast %add3A_28 : f32 to vector<16x1xf32>
    %add3A_30 = arith.addf %sub3A_21, %add3A_29 : vector<16x1xf32>
    %rsqrt3A_31 = math.rsqrt %add3A_30 : vector<16x1xf32>
    %get3A_32 = arith.constant 0 : index
    %get3A_33 = arith.constant 0 : index
    %get3A_34 = vector.load %arg7[%get3A_32, %get3A_33] : memref<1x16xf32, #tpu.memory_space<vmem>>, vector<1x16xf32>
    %reshape3A = vector.shape_cast %get3A_34 : vector<1x16xf32> to vector<16x1xf32>
    %mul3A_35 = arith.mulf %rsqrt3A_31, %reshape3A : vector<16x1xf32>
    %get3A_36 = arith.constant 0 : index
    %get3A_37 = arith.constant 0 : index
    %get3A_38 = vector.load %arg1[%get3A_36, %get3A_37] : memref<2048x13xf32, #tpu.memory_space<vmem>>, vector<2048x13xf32>
    %sub3A_39 = vector.broadcast %mul3A_6 : vector<1x13xf32> to vector<2048x13xf32>
    %sub3A_40 = arith.subf %get3A_38, %sub3A_39 : vector<2048x13xf32>
    %mul3A_41 = vector.broadcast %mul3A_27 : vector<1x13xf32> to vector<2048x13xf32>
    %mul3A_42 = arith.mulf %sub3A_40, %mul3A_41 : vector<2048x13xf32>
    %get3A_43 = arith.constant 0 : index
    %get3A_44 = arith.constant 0 : index
    %get3A_45 = vector.load %arg8[%get3A_43, %get3A_44] : memref<1x13xf32, #tpu.memory_space<vmem>>, vector<1x13xf32>
    %add3A_46 = vector.broadcast %get3A_45 : vector<1x13xf32> to vector<2048x13xf32>
    %add3A_47 = arith.addf %mul3A_42, %add3A_46 : vector<2048x13xf32>
    %get3A_48 = arith.constant 0 : index
    %get3A_49 = arith.constant 0 : index
    %get3A_50 = vector.load %arg2[%get3A_48, %get3A_49] : memref<16x2048xf32, #tpu.memory_space<vmem>>, vector<16x2048xf32>
    %get3A_51 = arith.constant 0 : index
    %get3A_52 = arith.constant 0 : index
    %get3A_53 = vector.load %arg2[%get3A_51, %get3A_52] : memref<16x2048xf32, #tpu.memory_space<vmem>>, vector<16x2048xf32>
    %mul3A_54 = arith.mulf %get3A_50, %get3A_53 : vector<16x2048xf32>
    %get3A_55 = arith.constant 0 : index
    %get3A_56 = arith.constant 0 : index
    %get3A_57 = vector.load %arg3[%get3A_55, %get3A_56] : memref<16x2048xf32, #tpu.memory_space<vmem>>, vector<16x2048xf32>
    %sub3A_58 = arith.subf %mul3A_54, %get3A_57 : vector<16x2048xf32>
    %mul3A_59 = arith.constant 5.000000e-01 : f32
    %mul3A_60 = vector.broadcast %mul3A_59 : f32 to vector<16x2048xf32>
    %mul3A_61 = arith.mulf %mul3A_60, %sub3A_58 : vector<16x2048xf32>
    %sub3A_62 = vector.broadcast %mul3A_15 : vector<16x1xf32> to vector<16x2048xf32>
    %sub3A_63 = arith.subf %mul3A_61, %sub3A_62 : vector<16x2048xf32>
    %mul3A_64 = vector.broadcast %mul3A_35 : vector<16x1xf32> to vector<16x2048xf32>
    %mul3A_65 = arith.mulf %sub3A_63, %mul3A_64 : vector<16x2048xf32>
    %get3A_66 = arith.constant 0 : index
    %get3A_67 = arith.constant 0 : index
    %get3A_68 = vector.load %arg9[%get3A_66, %get3A_67] : memref<1x16xf32, #tpu.memory_space<vmem>>, vector<1x16xf32>
    %reshape3A_69 = vector.shape_cast %get3A_68 : vector<1x16xf32> to vector<16x1xf32>
    %add3A_70 = vector.broadcast %reshape3A_69 : vector<16x1xf32> to vector<16x2048xf32>
    %add3A_71 = arith.addf %mul3A_65, %add3A_70 : vector<16x2048xf32>
    %get3A_72 = arith.constant 0 : index
    %get3A_73 = arith.constant 0 : index
    %get3A_74 = vector.load %arg10[%get3A_72, %get3A_73] : memref<13x256xf32, #tpu.memory_space<vmem>>, vector<13x256xf32>
    %dot_general3A = arith.constant dense<0.000000e+00> : vector<2048x256xf32>
    %dot_general3A_75 = tpu.matmul %add3A_47, %get3A_74, %dot_general3A {dimension_numbers = #tpu.dot_dimension_numbers<[1], [0], [0], [1], [0, 0, 1, 1], [], []>, precision = #tpu.contract_precision<fp32>, transpose_lhs_hint = false} : vector<2048x13xf32>, vector<13x256xf32>, vector<2048x256xf32> -> vector<2048x256xf32>
    %get3A_76 = arith.constant 0 : index
    %get3A_77 = arith.constant 0 : index
    %get3A_78 = vector.load %arg11[%get3A_76, %get3A_77] : memref<16x256xf32, #tpu.memory_space<vmem>>, vector<16x256xf32>
    %dot_general3A_79 = arith.constant dense<0.000000e+00> : vector<2048x256xf32>
    %dot_general3A_80 = tpu.matmul %add3A_71, %get3A_78, %dot_general3A_79 {dimension_numbers = #tpu.dot_dimension_numbers<[0], [0], [1], [1], [0, 1, 1, 1], [], []>, precision = #tpu.contract_precision<fp32>, transpose_lhs_hint = false} : vector<16x2048xf32>, vector<16x256xf32>, vector<2048x256xf32> -> vector<2048x256xf32>
    %add3A_81 = arith.addf %dot_general3A_75, %dot_general3A_80 : vector<2048x256xf32>
    %get3A_82 = arith.constant 0 : index
    %get3A_83 = arith.constant 0 : index
    %get3A_84 = vector.load %arg12[%get3A_82, %get3A_83] : memref<1x256xf32, #tpu.memory_space<vmem>>, vector<1x256xf32>
    %add3A_85 = vector.broadcast %get3A_84 : vector<1x256xf32> to vector<2048x256xf32>
    %add3A_86 = arith.addf %add3A_81, %add3A_85 : vector<2048x256xf32>
    %max3A = arith.constant 0.000000e+00 : f32
    %max3A_87 = vector.broadcast %max3A : f32 to vector<2048x256xf32>
    %max3A_88 = arith.maximumf %add3A_86, %max3A_87 : vector<2048x256xf32>
    %get3A_89 = arith.constant 0 : index
    %get3A_90 = arith.constant 0 : index
    %get3A_91 = vector.load %arg13[%get3A_89, %get3A_90] : memref<256x128xf32, #tpu.memory_space<vmem>>, vector<256x128xf32>
    %dot_general3A_92 = arith.constant dense<0.000000e+00> : vector<2048x128xf32>
    %dot_general3A_93 = tpu.matmul %max3A_88, %get3A_91, %dot_general3A_92 {dimension_numbers = #tpu.dot_dimension_numbers<[1], [0], [0], [1], [0, 0, 1, 1], [], []>, precision = #tpu.contract_precision<fp32>, transpose_lhs_hint = false} : vector<2048x256xf32>, vector<256x128xf32>, vector<2048x128xf32> -> vector<2048x128xf32>
    %get3A_94 = arith.constant 0 : index
    %get3A_95 = arith.constant 0 : index
    %get3A_96 = vector.load %arg14[%get3A_94, %get3A_95] : memref<1x128xf32, #tpu.memory_space<vmem>>, vector<1x128xf32>
    %add3A_97 = vector.broadcast %get3A_96 : vector<1x128xf32> to vector<2048x128xf32>
    %add3A_98 = arith.addf %dot_general3A_93, %add3A_97 : vector<2048x128xf32>
    %max3A_99 = arith.constant 0.000000e+00 : f32
    %max3A_100 = vector.broadcast %max3A_99 : f32 to vector<2048x128xf32>
    %max3A_101 = arith.maximumf %add3A_98, %max3A_100 : vector<2048x128xf32>
    %get3A_102 = arith.constant 0 : index
    %get3A_103 = arith.constant 0 : index
    %get3A_104 = vector.load %arg15[%get3A_102, %get3A_103] : memref<128x64xf32, #tpu.memory_space<vmem>>, vector<128x64xf32>
    %dot_general3A_105 = arith.constant dense<0.000000e+00> : vector<2048x64xf32>
    %dot_general3A_106 = tpu.matmul %max3A_101, %get3A_104, %dot_general3A_105 {dimension_numbers = #tpu.dot_dimension_numbers<[1], [0], [0], [1], [0, 0, 1, 1], [], []>, precision = #tpu.contract_precision<fp32>, transpose_lhs_hint = false} : vector<2048x128xf32>, vector<128x64xf32>, vector<2048x64xf32> -> vector<2048x64xf32>
    %get3A_107 = arith.constant 0 : index
    %get3A_108 = arith.constant 0 : index
    %get3A_109 = vector.load %arg16[%get3A_107, %get3A_108] : memref<1x64xf32, #tpu.memory_space<vmem>>, vector<1x64xf32>
    %add3A_110 = vector.broadcast %get3A_109 : vector<1x64xf32> to vector<2048x64xf32>
    %add3A_111 = arith.addf %dot_general3A_106, %add3A_110 : vector<2048x64xf32>
    %max3A_112 = arith.constant 0.000000e+00 : f32
    %max3A_113 = vector.broadcast %max3A_112 : f32 to vector<2048x64xf32>
    %max3A_114 = arith.maximumf %add3A_111, %max3A_113 : vector<2048x64xf32>
    %get3A_115 = arith.constant 0 : index
    %get3A_116 = arith.constant 0 : index
    %get3A_117 = vector.load %arg17[%get3A_115, %get3A_116] : memref<64x1xf32, #tpu.memory_space<vmem>>, vector<64x1xf32>
    %dot_general3A_118 = arith.constant dense<0.000000e+00> : vector<2048x1xf32>
    %dot_general3A_119 = tpu.matmul %max3A_114, %get3A_117, %dot_general3A_118 {dimension_numbers = #tpu.dot_dimension_numbers<[1], [0], [0], [1], [0, 0, 1, 1], [], []>, precision = #tpu.contract_precision<fp32>, transpose_lhs_hint = false} : vector<2048x64xf32>, vector<64x1xf32>, vector<2048x1xf32> -> vector<2048x1xf32>
    %get3A_120 = arith.constant 0 : index
    %get3A_121 = arith.constant 0 : index
    %get3A_122 = vector.load %arg18[%get3A_120, %get3A_121] : memref<1x1xf32, #tpu.memory_space<vmem>>, vector<1x1xf32>
    %add3A_123 = vector.broadcast %get3A_122 : vector<1x1xf32> to vector<2048x1xf32>
    %add3A_124 = arith.addf %dot_general3A_119, %add3A_123 : vector<2048x1xf32>
    %logistic3A = arith.negf %add3A_124 : vector<2048x1xf32>
    %logistic3A_125 = math.exp %logistic3A : vector<2048x1xf32>
    %logistic3A_126 = arith.constant 1.000000e+00 : f32
    %logistic3A_127 = vector.broadcast %logistic3A_126 : f32 to vector<2048x1xf32>
    %logistic3A_128 = arith.addf %logistic3A_127, %logistic3A_125 : vector<2048x1xf32>
    %logistic3A_129 = arith.divf %logistic3A_127, %logistic3A_128 : vector<2048x1xf32>
    %swap3A = arith.constant 0 : index
    %swap3A_130 = arith.constant 0 : index
    %swap3A_131 = vector.load %arg19[%swap3A, %swap3A_130] : memref<2048x1xf32, #tpu.memory_space<vmem>>, vector<2048x1xf32>
    tpu.vector_store %arg19[%swap3A, %swap3A_130], %logistic3A_129 {strides = array<i32>} : memref<2048x1xf32, #tpu.memory_space<vmem>>, vector<2048x1xf32>,
    return
  }
  func.func @transform_0(%arg0: i32) -> (i32, i32) {
    %c0_i32 = arith.constant 0 : i32
    %c0_i32_0 = arith.constant 0 : i32
    return %arg0, %c0_i32 : i32, i32
  }
  func.func @transform_1(%arg0: i32) -> (i32, i32) {
    %c0_i32 = arith.constant 0 : i32
    %c0_i32_0 = arith.constant 0 : i32
    return %c0_i32, %arg0 : i32, i32
  }
  func.func @transform_2(%arg0: i32) -> (i32, i32) {
    %c0_i32 = arith.constant 0 : i32
    %c0_i32_0 = arith.constant 0 : i32
    return %c0_i32, %arg0 : i32, i32
  }
  func.func @transform_3(%arg0: i32) -> (i32, i32) {
    %c0_i32 = arith.constant 0 : i32
    %c0_i32_0 = arith.constant 0 : i32
    %c0_i32_1 = arith.constant 0 : i32
    return %c0_i32, %c0_i32_0 : i32, i32
  }
  func.func @transform_4(%arg0: i32) -> (i32, i32) {
    %c0_i32 = arith.constant 0 : i32
    %c0_i32_0 = arith.constant 0 : i32
    %c0_i32_1 = arith.constant 0 : i32
    return %c0_i32, %c0_i32_0 : i32, i32
  }
  func.func @transform_5(%arg0: i32) -> (i32, i32) {
    %c0_i32 = arith.constant 0 : i32
    %c0_i32_0 = arith.constant 0 : i32
    %c0_i32_1 = arith.constant 0 : i32
    return %c0_i32, %c0_i32_0 : i32, i32
  }
  func.func @transform_6(%arg0: i32) -> (i32, i32) {
    %c0_i32 = arith.constant 0 : i32
    %c0_i32_0 = arith.constant 0 : i32
    %c0_i32_1 = arith.constant 0 : i32
    return %c0_i32, %c0_i32_0 : i32, i32
  }
  func.func @transform_7(%arg0: i32) -> (i32, i32) {
    %c0_i32 = arith.constant 0 : i32
    %c0_i32_0 = arith.constant 0 : i32
    %c0_i32_1 = arith.constant 0 : i32
    return %c0_i32, %c0_i32_0 : i32, i32
  }
  func.func @transform_8(%arg0: i32) -> (i32, i32) {
    %c0_i32 = arith.constant 0 : i32
    %c0_i32_0 = arith.constant 0 : i32
    %c0_i32_1 = arith.constant 0 : i32
    return %c0_i32, %c0_i32_0 : i32, i32
  }
  func.func @transform_9(%arg0: i32) -> (i32, i32) {
    %c0_i32 = arith.constant 0 : i32
    %c0_i32_0 = arith.constant 0 : i32
    %c0_i32_1 = arith.constant 0 : i32
    return %c0_i32, %c0_i32_0 : i32, i32
  }
  func.func @transform_10(%arg0: i32) -> (i32, i32) {
    %c0_i32 = arith.constant 0 : i32
    %c0_i32_0 = arith.constant 0 : i32
    %c0_i32_1 = arith.constant 0 : i32
    return %c0_i32, %c0_i32_0 : i32, i32
  }
  func.func @transform_11(%arg0: i32) -> (i32, i32) {
    %c0_i32 = arith.constant 0 : i32
    %c0_i32_0 = arith.constant 0 : i32
    %c0_i32_1 = arith.constant 0 : i32
    return %c0_i32, %c0_i32_0 : i32, i32
  }
  func.func @transform_12(%arg0: i32) -> (i32, i32) {
    %c0_i32 = arith.constant 0 : i32
    %c0_i32_0 = arith.constant 0 : i32
    %c0_i32_1 = arith.constant 0 : i32
    return %c0_i32, %c0_i32_0 : i32, i32
  }
  func.func @transform_13(%arg0: i32) -> (i32, i32) {
    %c0_i32 = arith.constant 0 : i32
    %c0_i32_0 = arith.constant 0 : i32
    %c0_i32_1 = arith.constant 0 : i32
    return %c0_i32, %c0_i32_0 : i32, i32
  }
  func.func @transform_14(%arg0: i32) -> (i32, i32) {
    %c0_i32 = arith.constant 0 : i32
    %c0_i32_0 = arith.constant 0 : i32
    %c0_i32_1 = arith.constant 0 : i32
    return %c0_i32, %c0_i32_0 : i32, i32
  }
  func.func @transform_15(%arg0: i32) -> (i32, i32) {
    %c0_i32 = arith.constant 0 : i32
    %c0_i32_0 = arith.constant 0 : i32
    %c0_i32_1 = arith.constant 0 : i32
    return %c0_i32, %c0_i32_0 : i32, i32
  }
  func.func @transform_16(%arg0: i32) -> (i32, i32) {
    %c0_i32 = arith.constant 0 : i32
    %c0_i32_0 = arith.constant 0 : i32
    %c0_i32_1 = arith.constant 0 : i32
    return %c0_i32, %c0_i32_0 : i32, i32
  }
  func.func @transform_17(%arg0: i32) -> (i32, i32) {
    %c0_i32 = arith.constant 0 : i32
    %c0_i32_0 = arith.constant 0 : i32
    %c0_i32_1 = arith.constant 0 : i32
    return %c0_i32, %c0_i32_0 : i32, i32
  }
  func.func @transform_18(%arg0: i32) -> (i32, i32) {
    %c0_i32 = arith.constant 0 : i32
    %c0_i32_0 = arith.constant 0 : i32
    return %arg0, %c0_i32 : i32, i32
  }
}

</mosaic_0001>

<sc_bundles>
// kernel: kernel.5.cloned.1.call-start
scs
__scs_entry_jumppad:
0x0: {  	(pc) =	sbr.rel $0x88, $3  }
0x1: {  	(tag) =	ssettag $0x0;
	lr =	simm.s32 $0x1  }
0x2: {  	[smem:$0x3F94] =	sst lr;
	_ =	strace $0xD0000000  }
0x3: {  	_ = 	snop  }
0x4: {  	_ = 	snop  }
0x5: {  	_ = 	snop  }
0x6: {  	_ = 	snop  }
0x7: {  	_ = 	snop  }
__scs_overlays_trampoline_lowered:
0x8: {  	[smem:$0x3FA3] =	sst s0  }
0x9: {  	[smem:$0x3FA4] =	sst s1  }
0xa: {  	[smem:$0x3FA5] =	sst s2  }
0xb: {  	[smem:$0x3FA6] =	sst s3  }
0xc: {  	[smem:$0x3FA7] =	sst s4  }
0xd: {  	[smem:$0x3FA8] =	sst s5  }
0xe: {  	[smem:$0x3FA9] =	sst s6  }
0xf: {  	[smem:$0x3FAA] =	sst s7  }
0x10: {  	[smem:$0x3FAB] =	sst s8  }
0x11: {  	[smem:$0x3FAC] =	sst s9;
	s0 =	simm.s32 @!p0 $0x0  }
0x12: {  	s1 =	sld [smem:$0x3F92];
	s0 =	simm.s32 @p0 $0x1  }
0x13: {  	[smem:$0x3FAD] =	sst s0;
	s0 =	simm.s32 @!p1 $0x0  }
0x14: {  	s2 =	sld [smem:$0x3F91];
	s0 =	simm.s32 @p1 $0x1  }
0x15: {  	[smem:$0x3FAE] =	sst s0;
	s0 =	simm.s32 @!p2 $0x0  }
0x16: {  	s3 =	sld [smem:$0x3FDB];
	s0 =	simm.s32 @p2 $0x1  }
0x17: {  	s4 =	simm.s32 $0x1BF5;
	[smem:$0x3FB0] =	sst s0  }
0x18: {  	s0 =	sld [smem:$0x3F93];
	_ =	swait.ge [sflag:s4], $0x0  }
0x19: {  	s7 =	sld [smem:$0x3F94]  }
0x1a: {  	s8 =	sadd.s32 $0xFFFFE003, lr  }
0x1b: {  	s9 =	sadd.s32 $0xFFFFFEF7, lr;
	s5 =	simm.s32 $0xFFFFFFFF;
	p2 =	slt.u32 s8, $0xFFFFF086  }
0x1c: {  	p1 =	slt.u32 s9, $0xF7A;
	s5 =	simm.s32 @!p2 $0x0  }
0x1d: {  	s5 =	simm.s32 @p1 $0x1;
	p0 =	seq.s32 s7, s2  }
0x1e: {  	s7 =	smul.u32 @!p0 $0xF7A, s2;
	p2 =	seq.s32 @!p0 s5, $0x0  }
0x1f: {  	s9 =	smul.u32 $0xF7A, s1;
	s8 =	simm.s32 @!p0 $0x1BF5;
	p2 =	por !p2, p0  }
0x20: {  	[sflag:s8] =	ssyncset.s32 @!p0 $0xFFFFF086;
	s6 =	sadd.s32 @!p0 s3, s7;
	s7 =	simm.s32 @!p0 $0x108  }
0x21: {  	s3 =	sadd.s32 s3, s9;
	s6 =	sadd.s32 @!p0 $0x88, s6;
	s7 =	simm.s32 @p2 $0x1082  }
0x22: {  	[simem:s7], [sflag:s8] =	dma.local @!p0 [hbm:s6], $0xF7A  }
0x23: {  	s9 =	sor.u32 $0xD0000000, s2;
	s6 =	simm.s32 $0x108;
	_ =	swait.ge @!p0 [sflag:s8], $0x0  }
0x24: {  	s3 =	sadd.s32 $0x88, s3;
	s6 =	simm.s32 @!p1 $0x1082;
	[sflag:s4] =	ssyncset.s32 $0xFFFFF086  }
0x25: {  	[simem:s6], [sflag:s4] =	dma.local [hbm:s3], $0xF7A  }
0x26: {  	[smem:$0x3F94] =	sst s1;
	(tag) =	ssettag s2;
	_ =	strace s9  }
0x27: {  	s1 =	sld [smem:$0x3FA4]  }
0x28: {  	s2 =	sld [smem:$0x3FA5]  }
0x29: {  	s4 =	sld [smem:$0x3FA7]  }
0x2a: {  	p0 =	seq.s32 s5, $0x0;
	s5 =	sld [smem:$0x3FA8]  }
0x2b: {  	s6 =	sld [smem:$0x3FA9]  }
0x2c: {  	s7 =	sld [smem:$0x3FAA]  }
0x2d: {  	s3 =	simm.s32 $0x108;
	s8 =	sld [smem:$0x3FAB]  }
0x2e: {  	s3 =	simm.s32 @!p0 $0x1082;
	s9 =	sld [smem:$0x3FAC]  }
0x2f: {  	lr =	sadd.s32 s0, s3;
	s0 =	sld [smem:$0x3FA3]  }
0x30: {  	s3 =	sld [smem:$0x3FA6]  }
0x31: {  	[smem:$0x3FAF] =	sst s10  }
0x32: {  	s10 =	sld [smem:$0x3FAD];
	_ =	sdelay $0x3  }
0x33: {  	p0 =	seq.s32 s10, $0x1;
	s10 =	sld [smem:$0x3FAF];
	_ =	sdelay $0x3  }
0x34: {  	[smem:$0x3FAF] =	sst s10  }
0x35: {  	s10 =	sld [smem:$0x3FAE];
	_ =	sdelay $0x3  }
0x36: {  	p1 =	seq.s32 s10, $0x1;
	s10 =	sld [smem:$0x3FAF];
	_ =	sdelay $0x3  }
0x37: {  	[smem:$0x3FAF] =	sst s10  }
0x38: {  	s10 =	sld [smem:$0x3FB0]  }
0x39: {  	_ = 	snop;
	(pc) =	sbr.ind lr, $3  }
0x3a: {  	_ = 	snop  }
0x3b: {  	_ = 	snop  }
0x3c: {  	p2 =	seq.s32 s10, $0x1;
	s10 =	sld [smem:$0x3FAF]  }
0x3d: {  	_ =	shalt  }
0x3e: {  	_ =	shalt  }
0x3f: {  	_ =	shalt  }
0x40: {  	_ =	shalt  }
0x41: {  	_ =	shalt  }
0x42: {  	_ =	shalt  }
0x43: {  	_ =	shalt  }
0x44: {  	_ =	shalt  }
0x45: {  	_ =	shalt  }
0x46: {  	_ =	shalt  }
0x47: {  	_ =	shalt  }
0x48: {  	_ =	shalt  }
0x49: {  	_ =	shalt  }
0x4a: {  	_ =	shalt  }
0x4b: {  	_ =	shalt  }
0x4c: {  	_ =	shalt  }
0x4d: {  	_ =	shalt  }
0x4e: {  	_ =	shalt  }
0x4f: {  	_ =	shalt  }
0x50: {  	_ =	shalt  }
0x51: {  	_ =	shalt  }
0x52: {  	_ =	shalt  }
0x53: {  	_ =	shalt  }
0x54: {  	_ =	shalt  }
0x55: {  	_ =	shalt  }
0x56: {  	_ =	shalt  }
0x57: {  	_ =	shalt  }
0x58: {  	_ =	shalt  }
0x59: {  	_ =	shalt  }
0x5a: {  	_ =	shalt  }
0x5b: {  	_ =	shalt  }
0x5c: {  	_ =	shalt  }
0x5d: {  	_ =	shalt  }
0x5e: {  	_ =	shalt  }
0x5f: {  	_ =	shalt  }
0x60: {  	_ =	shalt  }
0x61: {  	_ =	shalt  }
0x62: {  	_ =	shalt  }
0x63: {  	_ =	shalt  }
0x64: {  	_ =	shalt  }
0x65: {  	_ =	shalt  }
0x66: {  	_ =	shalt  }
0x67: {  	_ =	shalt  }
0x68: {  	_ =	shalt  }
0x69: {  	_ =	shalt  }
0x6a: {  	_ =	shalt  }
0x6b: {  	_ =	shalt  }
0x6c: {  	_ =	shalt  }
0x6d: {  	_ =	shalt  }
0x6e: {  	_ =	shalt  }
0x6f: {  	_ =	shalt  }
0x70: {  	_ =	shalt  }
0x71: {  	_ =	shalt  }
0x72: {  	_ =	shalt  }
0x73: {  	_ =	shalt  }
0x74: {  	_ =	shalt  }
0x75: {  	_ =	shalt  }
0x76: {  	_ =	shalt  }
0x77: {  	_ =	shalt  }
0x78: {  	_ =	shalt  }
0x79: {  	_ =	shalt  }
0x7a: {  	_ =	shalt  }
0x7b: {  	_ =	shalt  }
0x7c: {  	_ =	shalt  }
0x7d: {  	_ =	shalt  }
0x7e: {  	_ =	shalt  }
0x7f: {  	_ =	shalt  }
0x80: {  	_ =	shalt  }
0x81: {  	_ =	shalt  }
0x82: {  	_ =	shalt  }
0x83: {  	_ =	shalt  }
0x84: {  	_ =	shalt  }
0x85: {  	_ =	shalt  }
0x86: {  	_ =	shalt  }
0x87: {  	_ =	shalt  }
.Lfunc_end0:
.L_simem_size_0:
called_computation_lowered:
.L_overlay_start_0:
0x88: {  	s2 =	sld [smem:$0x3FD9]  }
0x89: {  	s3 =	sld [smem:$0x3FFE];
	_ =	sdelay $0x1  }
0x8a: {  	s1 =	srdreg.scid  }
0x8b: {  	s0 =	sand.u32 $0x1, s1  }
0x8c: {  	s17 =	sshll.u32 s0, $0xA;
	s2 =	sadd.s32 s3, s2  }
0x8d: {  	s2 =	sadd.s32 s2, s17  }
0x8e: {  	[smem:$0x3FBB] =	sst s2  }
0x8f: {  	_ = 	snop  }
0x90: {  	s2 =	sld [smem:$0x3FC8]  }
0x91: {  	s18 =	sld [smem:$0x3FC7];
	(tm) =	ssettm $0x1  }
0x92: {  	s4 =	sld [smem:$0x3FFB];
	_ =	sdelay $0x3  }
0x93: {  	_ =	strace s4  }
0x94: {  	s4 =	sld [smem:$0x3FFC];
	_ =	sdelay $0x3  }
0x95: {  	_ =	strace s4  }
0x96: {  	s4 =	sld [smem:$0x3FFD];
	_ =	sdelay $0x3  }
0x97: {  	_ =	strace s4  }
0x98: {  	_ =	strace $0x8FFFFFFF  }
0x99: {  	s19 =	sld [smem:$0x3FDB];
	_ =	sdelay $0x1  }
0x9a: {  	s5 =	simm.s32 $_scs_section_size  }
0x9b: {  	s6 =	simm.s32 $_size__tile_overlayer_lowered;
	s7 =	simm.s32 $_tile_overlayer_lowered  }
0x9c: {  	s22 =	simm.s32 $0x1BFF;
	s21 =	sshll.u32 s7, $0x1;
	s4 =	sadd.s32 s5, s19  }
0x9d: {  	s8 =	simm.s32 $0x0;
	s20 =	sshll.u32 s6, $0x1;
	s6 =	sadd.s32 s21, s4  }
0x9e: {  	[timem:s8], [sflag:s22] =	dma.local [hbm:s6], s20  }
0x9f: {  	_ =	swait.ge [sflag:s22], s20  }
0xa0: {  	s5 =	ssub.s32 $0x0, s20;
	[sflag:s22] =	ssyncset.done $0x0  }
0xa1: {  	[sflag:s22] =	ssyncadd.s32 s5;
	_ =	sdelay $0x1  }
0xa2: {  	s23 =	simm.s32 $0x1B8B  }
0xa3: {  	_ =	swait.ge [sflag:s23], $0x1  }
0xa4: {  	[sflag:s23] =	ssyncset.done $0x0  }
0xa5: {  	s25 =	simm.s32 $0x1B8E;
	s24 =	sld [smem:$0x3FFE];
	[sflag:s23] =	ssyncadd.s32 $0xFFFFFFFF  }
0xa6: {  	s26 =	simm.s32 $execute0_lowered;
	[smem:$0x3FD2] =	sst s25  }
0xa7: {  	s6 =	sshll.u32 s26, $0x1;
	_ =	strace $0x80000046;
	[dreg:$0x1] =	wrdreg $0xFFFFFFFF  }
0xa8: {  	s28 =	simm.s32 $_size_execute0_lowered;
	s4 =	sadd.s32 s4, s6;
	[dreg:$0x0] =	wrdreg $0x0  }
0xa9: {  	s6 =	sshll.u32 s28, $0x1;
	[dreg:$0x2] =	wrdreg s4  }
0xaa: {  	[dreg:$0x3] =	wrdreg s6  }
0xab: {  	[dreg:$0x4] =	wrdreg $0xC0  }
0xac: {  	_ =	task [dreg:s8], $0x5FFFF  }
0xad: {  	[dreg:$0x1] =	wrdreg $0xFFFFFFFF  }
0xae: {  	[dreg:$0x0] =	wrdreg $0x60  }
0xaf: {  	[dreg:$0x2] =	wrdreg s2  }
0xb0: {  	[dreg:$0x3] =	wrdreg s18  }
0xb1: {  	[dreg:$0x4] =	wrdreg s24  }
0xb2: {  	[dreg:$0x5] =	wrdreg $0x9  }
0xb3: {  	_ =	task.clear_ibuf [dreg:s8], $0x6FFFF;
	_ =	strace $0x90000046  }
0xb4: {  	s29 =	simm.s32 $0x9;
	_ =	strace $0x80000048  }
0xb5: {  	_ =	swait.ge [sflag:s29], $0x1  }
0xb6: {  	[sflag:s29] =	ssyncadd.s32 $0xFFFFFFFF  }
0xb7: {  	_ =	strace $0x90000048  }
0xb8: {  	_ =	sfence  }
0xb9: {  	s30 =	sld [smem:$0x0];
	_ =	sdelay $0x2  }
0xba: {  	s31 =	sshll.u32 s1, $0xD;
	s1 =	sshrl.u32 s1, $0x2  }
0xbb: {  	s3 =	sand.u32 $0x4000, s31;
	s1 =	sadd.s32 s1, s30  }
0xbc: {  	s0 =	sor.u32 s3, s0;
	s1 =	sshll.u32 s1, $0x11  }
0xbd: {  	s0 =	sor.u32 s1, s0  }
0xbe: {  	s0 =	sadd.s32 $0x8F2B, s0  }
0xbf: {  	[sflag:s0] =	ssyncadd.remote.s32 $0x1  }
0xc0: {  	_ =	sfence.sel $0xFFFF  }
0xc1: {  	[dreg:$0x0] =	wrdreg $0xFFFFFFFF;
	(pc) =	sbr.abs _section_cstart, $3  }
0xc2: {  	[dreg:$0x1] =	wrdreg $0xFFFFFFFF  }
0xc3: {  	_ =	task.clear_ibuf [dreg:s8], $0x2FFFF;
	_ =	strace $0x9FFFFFFF  }
0xc4: {  	(tm) =	ssettm $0x7FFFFFFF  }
0xc5: {  	_ =	shalt  }
tec
execute0_lowered:
.L_overlay_start_1:
0x0: {  	(tag) =	ssettag $0x1  }
0x1: {  	s3 =	rddreg [dreg:$0x0]  }
0x2: {  	s0 =	rddreg [dreg:$0x1]  }
0x3: {  	s2 =	rddreg [dreg:$0x2]  }
0x4: {  	s4 =	srdreg.scid;
	s5 =	stileid.u32  }
0x5: {  	s1 =	simm.s32 $0x0;
	s30 =	simm.s32 $0x80;
	s31 =	simm.s32 $0x400  }
0x6: {  	s6 =	sand.u32 $0x1, s4;
	s15 =	sshrl.u32 s5, $0x3;
	s5 =	sshll.u32 s5, $0x7  }
0x7: {  	[smem:$0x7FF] =	sst s1;
	s7 =	sshll.u32 s6, $0x10;
	s8 =	sshll.u32 s15, $0x11  }
0x8: {  	s5 =	sand.u32 $0x380, s5;
	s4 =	smul.u32 $0xC3800, s15;
	s16 =	ssub.s32 $0x2, s6  }
0x9: {  	s6 =	sshll.u32 s6, $0xD;
	s7 =	sor.u32 s7, s8;
	s17 =	sshrl.u32 s16, $0x1  }
0xa: {  	s3 =	sadd.s32 s3, s6;
	s7 =	sor.u32 s5, s7;
	s5 =	sor.u32 s5, s4  }
0xb: {  	s4 =	ssub.s32 s16, s17;
	s28 =	sadd.s32 $0xC000, s3;
	s29 =	sadd.s32 $0xC010, s3  }
0xc: {  	s7 =	sshrl.u32 s7, $0x3;
	s18 =	sshrl.u32 s5, $0x3;
	s19 =	sadd.s32 $0x187000, s5  }
0xd: {  	s20 =	sadd.s32 $0x30E000, s5;
	s23 =	sadd.s32 $0x495000, s5;
	s24 =	sadd.s32 $0x61C000, s5  }
0xe: {  	s25 =	sadd.s32 $0x7A3000, s5;
	s8 =	sadd.s32 $0x92A000, s5;
	s9 =	sadd.s32 $0xAB1000, s5  }
0xf: {  	s10 =	sadd.s32 $0xC38000, s5;
	s13 =	sadd.s32 $0xDBF000, s5;
	s14 =	sadd.s32 $0xF46000, s5  }
0x10: {  	s15 =	sadd.s32 $0x10CD000, s5;
	s2 =	sadd.s32 s7, s2;
	s7 =	sadd.s32 s0, s18  }
0x11: {  	s22 =	sshrl.u32 s20, $0x3;
	s12 =	sshrl.u32 s10, $0x3;
	s17 =	sshrl.u32 s15, $0x3  }
0x12: {  	s18 =	sadd.s32 $0x1254000, s5;
	s20 =	sadd.s32 $0x1562000, s5;
	s10 =	sadd.s32 $0x1E8C000, s5  }
0x13: {  	s15 =	sadd.s32 $0x2321000, s5;
	[dreg:$0x4] =	wrdreg s7;
	s7 =	sshrl.u32 s19, $0x3  }
0x14: {  	s6 =	sadd.s32 s0, s22;
	s19 =	sadd.s32 $0x13DB000, s5;
	s22 =	sshrl.u32 s20, $0x3  }
0x15: {  	s20 =	sadd.s32 $0xA800, s2;
	s21 =	sadd.s32 s0, s7;
	[dreg:$0x6] =	wrdreg s6  }
0x16: {  	s6 =	sshrl.u32 s23, $0x3;
	s7 =	sshrl.u32 s24, $0x3;
	s23 =	sadd.s32 $0x16E9000, s5  }
0x17: {  	s24 =	sadd.s32 $0x1870000, s5;
	[dreg:$0x5] =	wrdreg s21;
	s6 =	sadd.s32 s0, s6  }
0x18: {  	s26 =	sadd.s32 s0, s7;
	s7 =	sshrl.u32 s25, $0x3;
	[dreg:$0x7] =	wrdreg s6  }
0x19: {  	s25 =	sadd.s32 $0x19F7000, s5;
	[dreg:$0x8] =	wrdreg s26;
	s6 =	sadd.s32 s0, s7  }
0x1a: {  	s7 =	sshrl.u32 s9, $0x3;
	s9 =	sadd.s32 $0x1D05000, s5;
	[dreg:$0x9] =	wrdreg s6  }
0x1b: {  	s6 =	sshrl.u32 s8, $0x3;
	s11 =	sadd.s32 s0, s7;
	s7 =	sshrl.u32 s14, $0x3  }
0x1c: {  	s8 =	sadd.s32 $0x1B7E000, s5;
	s14 =	sadd.s32 $0x219A000, s5;
	s6 =	sadd.s32 s0, s6  }
0x1d: {  	[dreg:$0xb] =	wrdreg s11;
	s16 =	sadd.s32 s0, s7;
	s7 =	sshrl.u32 s19, $0x3  }
0x1e: {  	s19 =	sadd.s32 $0x2800, s2;
	[dreg:$0xa] =	wrdreg s6;
	s6 =	sadd.s32 s0, s12  }
0x1f: {  	s2 =	simm.s32 $0x1;
	[dreg:$0xc] =	wrdreg s6;
	s6 =	sshrl.u32 s13, $0x3  }
0x20: {  	[dreg:$0xe] =	wrdreg s16;
	s21 =	sadd.s32 s0, s7;
	s6 =	sadd.s32 s0, s6  }
0x21: {  	s7 =	sshrl.u32 s24, $0x3;
	[dreg:$0xd] =	wrdreg s6;
	s6 =	sadd.s32 s0, s17  }
0x22: {  	s12 =	sshrl.u32 s10, $0x3;
	[dreg:$0xf] =	wrdreg s6;
	s6 =	sshrl.u32 s18, $0x3  }
0x23: {  	s24 =	sadd.s32 $0x30, s3;
	[dreg:$0x11] =	wrdreg s21;
	s6 =	sadd.s32 s0, s6  }
0x24: {  	s10 =	sadd.s32 $0x4000, s3;
	[dreg:$0x10] =	wrdreg s6;
	s6 =	sadd.s32 s0, s22  }
0x25: {  	s26 =	sadd.s32 s0, s7;
	[dreg:$0x12] =	wrdreg s6;
	s6 =	sshrl.u32 s23, $0x3  }
0x26: {  	s7 =	sshrl.u32 s25, $0x3;
	[dreg:$0x14] =	wrdreg s26;
	s6 =	sadd.s32 s0, s6  }
0x27: {  	s13 =	sadd.s32 $0x2013000, s5;
	[dreg:$0x13] =	wrdreg s6;
	s6 =	sadd.s32 s0, s7  }
0x28: {  	s21 =	smax.u32 s4, $0x1;
	[dreg:$0x15] =	wrdreg s6;
	s6 =	sshrl.u32 s8, $0x3  }
0x29: {  	s17 =	sshrl.u32 s15, $0x3;
	s18 =	sadd.s32 $0x24A8000, s5;
	s6 =	sadd.s32 s0, s6  }
0x2a: {  	s7 =	sshrl.u32 s9, $0x3;
	[dreg:$0x16] =	wrdreg s6;
	s6 =	sadd.s32 s0, s12  }
0x2b: {  	s11 =	sadd.s32 s0, s7;
	[dreg:$0x18] =	wrdreg s6;
	s6 =	sshrl.u32 s13, $0x3  }
0x2c: {  	s5 =	sadd.s32 $0x262F000, s5;
	[dreg:$0x17] =	wrdreg s11;
	s6 =	sadd.s32 s0, s6  }
0x2d: {  	s7 =	sshrl.u32 s14, $0x3;
	[dreg:$0x19] =	wrdreg s6;
	s6 =	sadd.s32 s0, s17  }
0x2e: {  	s16 =	sadd.s32 s0, s7;
	[dreg:$0x1b] =	wrdreg s6;
	s6 =	sshrl.u32 s18, $0x3  }
0x2f: {  	s5 =	sshrl.u32 s5, $0x3;
	[dreg:$0x1a] =	wrdreg s16;
	s6 =	sadd.s32 s0, s6  }
0x30: {  	s25 =	sadd.s32 $0x40, s3;
	s0 =	sadd.s32 s0, s5;
	[dreg:$0x1c] =	wrdreg s6  }
0x31: {  	s4 =	simm.s32 $0x0;
	s26 =	sadd.s32 $0x50, s3;
	[dreg:$0x1d] =	wrdreg s0  }
0x32: {  	s15 =	sadd.s32 $0x4050, s3;
	_ =	strace $0x80000047;
	[dreg:$0x1e] =	wrdreg s19  }
0x33: {  	s22 =	sadd.s32 $0x10, s3;
	s23 =	sadd.s32 $0x20, s3;
	[dreg:$0x1f] =	wrdreg s20  }
0x34: {  	s9 =	sadd.s32 $0x70, s3;
	s8 =	sadd.s32 $0x60, s3;
	[smem:$0x7F8] =	sst s21  }
0x35: {  	s14 =	sadd.s32 $0x4040, s3;
	s11 =	sadd.s32 $0x4010, s3;
	[smem:$0x7F9] =	sst s22  }
0x36: {  	s12 =	sadd.s32 $0x4020, s3;
	s16 =	sadd.s32 $0x4060, s3;
	[smem:$0x7FA] =	sst s23  }
0x37: {  	s13 =	sadd.s32 $0x4030, s3;
	s17 =	sadd.s32 $0x4070, s3;
	[smem:$0x7FB] =	sst s24  }
0x38: {  	s18 =	sadd.s32 $0x8000, s3;
	s0 =	simm.s32 $0x2;
	[smem:$0x7FC] =	sst s25  }
0x39: {  	[smem:$0x7FD] =	sst s26;
	s19 =	sadd.s32 $0x8010, s3;
	s20 =	sadd.s32 $0x8020, s3  }
0x3a: {  	s21 =	sadd.s32 $0x8030, s3;
	s22 =	sadd.s32 $0x8040, s3;
	s23 =	sadd.s32 $0x8050, s3  }
0x3b: {  	s24 =	sadd.s32 $0x8060, s3;
	s25 =	sadd.s32 $0x8070, s3;
	s26 =	simm.s32 $0x18700  }
.LBB2_1:
0x3c: {  	s5 =	rddreg [dreg:$0x4]  }
0x3d: {  	[tilespmem:s1], [sflag:$0x1] =	stream.strided.gather [hbm4b:s5+s30], $0x18700, s31, s30, $0x38;
	[tilespmem:$0x1E700] =	vst v63  }
0x3e: {  	_ = 	snop  }
0x3f: {  	[tilespmem:s26], [sflag:$0x2] =	stream.strided.gather [hbm4b:s3+s30], $0x2000, s31, s30, $0x38;
	[tilespmem:$0x1E700] =	vst v63  }
0x40: {  	_ =	swait.ge [sflag:s0], $0x2000  }
0x41: {  	[sflag:s0] =	ssyncset.done $0x0  }
0x42: {  	[sflag:s0] =	ssyncadd.s32 $0xFFFFE000  }
0x43: {  	_ =	swait.ge [sflag:s2], $0x18700  }
0x44: {  	[sflag:s2] =	ssyncset.done $0x0  }
0x45: {  	s6 =	simm.s32 $0x0;
	[sflag:s2] =	ssyncadd.s32 $0xFFFE7900  }
0x46: {  	v0 =	vld [tilespmem:s6+$0x18700];
	_ =	sdelay $0x7  }
0x47: {  	s7 =	simm.s32 $0x80;
	s5 =	simm.s32 $0x10;
	v0 =	vld.idx.msk [tilespmem:v0+s1+$0x0], $0xffff  }
.LBB2_2:
0x48: {  	p0 =	sne.s32 s7, $0x7FC0;
	v1 =	vld [tilespmem:s5+$0x18700];
	_ =	sdelay $0x3  }
.Ltmp0:
0x49: {  	(pc) =	sbr.rel @p0 .LBB2_2-.Ltmp0, $3  }
0x4a: {  	[tilespmem:s6+$0x1A700] =	vst v0;
	v0 =	vmul.f32 v0, v0;
	_ =	sdelay $0x1  }
0x4b: {  	[tilespmem:s6+$0x1C700] =	vst v0;
	s6 =	smov.u32 s5  }
0x4c: {  	s5 =	sshra.s32 s7, $0x2;
	s7 =	sadd.s32 $0x40, s7;
	v0 =	vld.idx.msk [tilespmem:v1+s1+$0x0], $0xffff  }
0x4d: {  	v1 =	vld [tilespmem:s5+$0x18700];
	_ =	sdelay $0x4  }
0x4e: {  	v2 =	vmul.f32 v0, v0  }
0x4f: {  	[tilespmem:s6+$0x1A700] =	vst v0  }
0x50: {  	[tilespmem:s6+$0x1C700] =	vst v2  }
0x51: {  	v0 =	vld.idx.msk [tilespmem:v1+s1+$0x0], $0xffff;
	_ =	sdelay $0x4  }
0x52: {  	v1 =	vmul.f32 v0, v0  }
0x53: {  	[tilespmem:s5+$0x1A700] =	vst v0  }
0x54: {  	s7 =	rddreg [dreg:$0x5];
	s6 =	simm.s32 $0x0;
	[tilespmem:s5+$0x1C700] =	vst v1  }
0x55: {  	[tilespmem:s6], [sflag:$0x1] =	stream.strided.gather [hbm4b:s7+s30], $0x18700, s31, s30, $0x38;
	[tilespmem:$0x1E700] =	vst v63  }
0x56: {  	s7 =	sld [smem:$0x7F9];
	_ =	sdelay $0x2  }
0x57: {  	[tilespmem:s26], [sflag:$0x2] =	stream.strided.gather [hbm4b:s7+s30], $0x2000, s31, s30, $0x38;
	[tilespmem:$0x1E700] =	vst v63  }
0x58: {  	_ =	swait.ge [sflag:s0], $0x2000  }
0x59: {  	[sflag:s0] =	ssyncset.done $0x0  }
0x5a: {  	[sflag:s0] =	ssyncadd.s32 $0xFFFFE000  }
0x5b: {  	_ =	swait.ge [sflag:s2], $0x18700  }
0x5c: {  	[sflag:s2] =	ssyncset.done $0x0  }
0x5d: {  	s6 =	simm.s32 $0x0;
	[sflag:s2] =	ssyncadd.s32 $0xFFFE7900  }
0x5e: {  	v0 =	vld [tilespmem:s6+$0x18700];
	_ =	sdelay $0x6  }
0x5f: {  	v2 =	vld [tilespmem:s6+$0x1A700]  }
0x60: {  	s5 =	simm.s32 $0x10;
	v1 =	vld.idx.msk [tilespmem:v0+s1+$0x0], $0xffff  }
0x61: {  	s7 =	simm.s32 $0x80;
	v0 =	vld [tilespmem:s5+$0x18700]  }
.LBB2_4:
0x62: {  	p0 =	sne.s32 s7, $0x7FC0;
	v3 =	vld [tilespmem:s6+$0x1C700];
	_ =	sdelay $0x2  }
0x63: {  	v2 =	vadd.f32 v2, v1;
	v1 =	vmul.f32 v1, v1;
	_ =	sdelay $0x1  }
0x64: {  	[tilespmem:s6+$0x1A700] =	vst v2;
	v1 =	vadd.f32 v3, v1  }
.Ltmp1:
0x65: {  	(pc) =	sbr.rel @p0 .LBB2_4-.Ltmp1, $4  }
0x66: {  	[tilespmem:s6+$0x1C700] =	vst v1;
	s6 =	smov.u32 s5  }
0x67: {  	v1 =	vld.idx.msk [tilespmem:v0+s1+$0x0], $0xffff  }
0x68: {  	s5 =	sshra.s32 s7, $0x2;
	v2 =	vld [tilespmem:s6+$0x1A700]  }
0x69: {  	s7 =	sadd.s32 $0x40, s7;
	v0 =	vld [tilespmem:s5+$0x18700]  }
0x6a: {  	v3 =	vld [tilespmem:s6+$0x1C700];
	_ =	sdelay $0x2  }
0x6b: {  	v4 =	vmul.f32 v1, v1  }
0x6c: {  	v1 =	vadd.f32 v2, v1  }
0x6d: {  	v2 =	vadd.f32 v3, v4  }
0x6e: {  	[tilespmem:s6+$0x1A700] =	vst v1  }
0x6f: {  	[tilespmem:s6+$0x1C700] =	vst v2  }
0x70: {  	v0 =	vld.idx.msk [tilespmem:v0+s1+$0x0], $0xffff  }
0x71: {  	v1 =	vld [tilespmem:s5+$0x1A700]  }
0x72: {  	v2 =	vld [tilespmem:s5+$0x1C700];
	_ =	sdelay $0x2  }
0x73: {  	v3 =	vmul.f32 v0, v0  }
0x74: {  	v0 =	vadd.f32 v1, v0  }
0x75: {  	v1 =	vadd.f32 v2, v3  }
0x76: {  	[tilespmem:s5+$0x1A700] =	vst v0  }
0x77: {  	s7 =	rddreg [dreg:$0x6];
	s6 =	simm.s32 $0x0;
	[tilespmem:s5+$0x1C700] =	vst v1  }
0x78: {  	[tilespmem:s6], [sflag:$0x1] =	stream.strided.gather [hbm4b:s7+s30], $0x18700, s31, s30, $0x38;
	[tilespmem:$0x1E700] =	vst v63  }
0x79: {  	s7 =	sld [smem:$0x7FA];
	_ =	sdelay $0x2  }
0x7a: {  	[tilespmem:s26], [sflag:$0x2] =	stream.strided.gather [hbm4b:s7+s30], $0x2000, s31, s30, $0x38;
	[tilespmem:$0x1E700] =	vst v63  }
0x7b: {  	_ =	swait.ge [sflag:s0], $0x2000  }
0x7c: {  	[sflag:s0] =	ssyncset.done $0x0  }
0x7d: {  	[sflag:s0] =	ssyncadd.s32 $0xFFFFE000  }
0x7e: {  	_ =	swait.ge [sflag:s2], $0x18700  }
0x7f: {  	[sflag:s2] =	ssyncset.done $0x0  }
0x80: {  	s6 =	simm.s32 $0x0;
	[sflag:s2] =	ssyncadd.s32 $0xFFFE7900  }
0x81: {  	v0 =	vld [tilespmem:s6+$0x18700];
	_ =	sdelay $0x6  }
0x82: {  	v2 =	vld [tilespmem:s6+$0x1A700]  }
0x83: {  	s5 =	simm.s32 $0x10;
	v1 =	vld.idx.msk [tilespmem:v0+s1+$0x0], $0xffff  }
0x84: {  	s7 =	simm.s32 $0x80;
	v0 =	vld [tilespmem:s5+$0x18700]  }
.LBB2_6:
0x85: {  	p0 =	sne.s32 s7, $0x7FC0;
	v3 =	vld [tilespmem:s6+$0x1C700];
	_ =	sdelay $0x2  }
0x86: {  	v2 =	vadd.f32 v2, v1;
	v1 =	vmul.f32 v1, v1;
	_ =	sdelay $0x1  }
0x87: {  	[tilespmem:s6+$0x1A700] =	vst v2;
	v1 =	vadd.f32 v3, v1  }
.Ltmp2:
0x88: {  	(pc) =	sbr.rel @p0 .LBB2_6-.Ltmp2, $4  }
0x89: {  	[tilespmem:s6+$0x1C700] =	vst v1;
	s6 =	smov.u32 s5  }
0x8a: {  	v1 =	vld.idx.msk [tilespmem:v0+s1+$0x0], $0xffff  }
0x8b: {  	s5 =	sshra.s32 s7, $0x2;
	v2 =	vld [tilespmem:s6+$0x1A700]  }
0x8c: {  	s7 =	sadd.s32 $0x40, s7;
	v0 =	vld [tilespmem:s5+$0x18700]  }
0x8d: {  	v3 =	vld [tilespmem:s6+$0x1C700];
	_ =	sdelay $0x2  }
0x8e: {  	v4 =	vmul.f32 v1, v1  }
0x8f: {  	v1 =	vadd.f32 v2, v1  }
0x90: {  	v2 =	vadd.f32 v3, v4  }
0x91: {  	[tilespmem:s6+$0x1A700] =	vst v1  }
0x92: {  	[tilespmem:s6+$0x1C700] =	vst v2  }
0x93: {  	v0 =	vld.idx.msk [tilespmem:v0+s1+$0x0], $0xffff  }
0x94: {  	v1 =	vld [tilespmem:s5+$0x1A700]  }
0x95: {  	v2 =	vld [tilespmem:s5+$0x1C700];
	_ =	sdelay $0x2  }
0x96: {  	v3 =	vmul.f32 v0, v0  }
0x97: {  	v0 =	vadd.f32 v1, v0  }
0x98: {  	v1 =	vadd.f32 v2, v3  }
0x99: {  	[tilespmem:s5+$0x1A700] =	vst v0  }
0x9a: {  	s7 =	rddreg [dreg:$0x7];
	s6 =	simm.s32 $0x0;
	[tilespmem:s5+$0x1C700] =	vst v1  }
0x9b: {  	[tilespmem:s6], [sflag:$0x1] =	stream.strided.gather [hbm4b:s7+s30], $0x18700, s31, s30, $0x38;
	[tilespmem:$0x1E700] =	vst v63  }
0x9c: {  	s7 =	sld [smem:$0x7FB];
	_ =	sdelay $0x2  }
0x9d: {  	[tilespmem:s26], [sflag:$0x2] =	stream.strided.gather [hbm4b:s7+s30], $0x2000, s31, s30, $0x38;
	[tilespmem:$0x1E700] =	vst v63  }
0x9e: {  	_ =	swait.ge [sflag:s0], $0x2000  }
0x9f: {  	[sflag:s0] =	ssyncset.done $0x0  }
0xa0: {  	[sflag:s0] =	ssyncadd.s32 $0xFFFFE000  }
0xa1: {  	_ =	swait.ge [sflag:s2], $0x18700  }
0xa2: {  	[sflag:s2] =	ssyncset.done $0x0  }
0xa3: {  	s6 =	simm.s32 $0x0;
	[sflag:s2] =	ssyncadd.s32 $0xFFFE7900  }
0xa4: {  	v0 =	vld [tilespmem:s6+$0x18700];
	_ =	sdelay $0x6  }
0xa5: {  	v2 =	vld [tilespmem:s6+$0x1A700]  }
0xa6: {  	s5 =	simm.s32 $0x10;
	v1 =	vld.idx.msk [tilespmem:v0+s1+$0x0], $0xffff  }
0xa7: {  	s7 =	simm.s32 $0x80;
	v0 =	vld [tilespmem:s5+$0x18700]  }
.LBB2_8:
0xa8: {  	p0 =	sne.s32 s7, $0x7FC0;
	v3 =	vld [tilespmem:s6+$0x1C700];
	_ =	sdelay $0x2  }
0xa9: {  	v2 =	vadd.f32 v2, v1;
	v1 =	vmul.f32 v1, v1;
	_ =	sdelay $0x1  }
0xaa: {  	[tilespmem:s6+$0x1A700] =	vst v2;
	v1 =	vadd.f32 v3, v1  }
.Ltmp3:
0xab: {  	(pc) =	sbr.rel @p0 .LBB2_8-.Ltmp3, $4  }
0xac: {  	[tilespmem:s6+$0x1C700] =	vst v1;
	s6 =	smov.u32 s5  }
0xad: {  	v1 =	vld.idx.msk [tilespmem:v0+s1+$0x0], $0xffff  }
0xae: {  	s5 =	sshra.s32 s7, $0x2;
	v2 =	vld [tilespmem:s6+$0x1A700]  }
0xaf: {  	s7 =	sadd.s32 $0x40, s7;
	v0 =	vld [tilespmem:s5+$0x18700]  }
0xb0: {  	v3 =	vld [tilespmem:s6+$0x1C700];
	_ =	sdelay $0x2  }
0xb1: {  	v4 =	vmul.f32 v1, v1  }
0xb2: {  	v1 =	vadd.f32 v2, v1  }
0xb3: {  	v2 =	vadd.f32 v3, v4  }
0xb4: {  	[tilespmem:s6+$0x1A700] =	vst v1  }
0xb5: {  	[tilespmem:s6+$0x1C700] =	vst v2  }
0xb6: {  	v0 =	vld.idx.msk [tilespmem:v0+s1+$0x0], $0xffff  }
0xb7: {  	v1 =	vld [tilespmem:s5+$0x1A700]  }
0xb8: {  	v2 =	vld [tilespmem:s5+$0x1C700];
	_ =	sdelay $0x2  }
0xb9: {  	v3 =	vmul.f32 v0, v0  }
0xba: {  	v0 =	vadd.f32 v1, v0  }
0xbb: {  	v1 =	vadd.f32 v2, v3  }
0xbc: {  	[tilespmem:s5+$0x1A700] =	vst v0  }
0xbd: {  	s7 =	rddreg [dreg:$0x8];
	s6 =	simm.s32 $0x0;
	[tilespmem:s5+$0x1C700] =	vst v1  }
0xbe: {  	[tilespmem:s6], [sflag:$0x1] =	stream.strided.gather [hbm4b:s7+s30], $0x18700, s31, s30, $0x38;
	[tilespmem:$0x1E700] =	vst v63  }
0xbf: {  	s7 =	sld [smem:$0x7FC];
	_ =	sdelay $0x2  }
0xc0: {  	[tilespmem:s26], [sflag:$0x2] =	stream.strided.gather [hbm4b:s7+s30], $0x2000, s31, s30, $0x38;
	[tilespmem:$0x1E700] =	vst v63  }
0xc1: {  	_ =	swait.ge [sflag:s0], $0x2000  }
0xc2: {  	[sflag:s0] =	ssyncset.done $0x0  }
0xc3: {  	[sflag:s0] =	ssyncadd.s32 $0xFFFFE000  }
0xc4: {  	_ =	swait.ge [sflag:s2], $0x18700  }
0xc5: {  	[sflag:s2] =	ssyncset.done $0x0  }
0xc6: {  	s6 =	simm.s32 $0x0;
	[sflag:s2] =	ssyncadd.s32 $0xFFFE7900  }
0xc7: {  	v0 =	vld [tilespmem:s6+$0x18700];
	_ =	sdelay $0x6  }
0xc8: {  	v2 =	vld [tilespmem:s6+$0x1A700]  }
0xc9: {  	s5 =	simm.s32 $0x10;
	v1 =	vld.idx.msk [tilespmem:v0+s1+$0x0], $0xffff  }
0xca: {  	s7 =	simm.s32 $0x80;
	v0 =	vld [tilespmem:s5+$0x18700]  }
.LBB2_10:
0xcb: {  	p0 =	sne.s32 s7, $0x7FC0;
	v3 =	vld [tilespmem:s6+$0x1C700];
	_ =	sdelay $0x2  }
0xcc: {  	v2 =	vadd.f32 v2, v1;
	v1 =	vmul.f32 v1, v1;
	_ =	sdelay $0x1  }
0xcd: {  	[tilespmem:s6+$0x1A700] =	vst v2;
	v1 =	vadd.f32 v3, v1  }
.Ltmp4:
0xce: {  	(pc) =	sbr.rel @p0 .LBB2_10-.Ltmp4, $4  }
0xcf: {  	[tilespmem:s6+$0x1C700] =	vst v1;
	s6 =	smov.u32 s5  }
0xd0: {  	v1 =	vld.idx.msk [tilespmem:v0+s1+$0x0], $0xffff  }
0xd1: {  	s5 =	sshra.s32 s7, $0x2;
	v2 =	vld [tilespmem:s6+$0x1A700]  }
0xd2: {  	s7 =	sadd.s32 $0x40, s7;
	v0 =	vld [tilespmem:s5+$0x18700]  }
0xd3: {  	v3 =	vld [tilespmem:s6+$0x1C700];
	_ =	sdelay $0x2  }
0xd4: {  	v4 =	vmul.f32 v1, v1  }
0xd5: {  	v1 =	vadd.f32 v2, v1  }
0xd6: {  	v2 =	vadd.f32 v3, v4  }
0xd7: {  	[tilespmem:s6+$0x1A700] =	vst v1  }
0xd8: {  	[tilespmem:s6+$0x1C700] =	vst v2  }
0xd9: {  	v0 =	vld.idx.msk [tilespmem:v0+s1+$0x0], $0xffff  }
0xda: {  	v1 =	vld [tilespmem:s5+$0x1A700]  }
0xdb: {  	v2 =	vld [tilespmem:s5+$0x1C700];
	_ =	sdelay $0x2  }
0xdc: {  	v3 =	vmul.f32 v0, v0  }
0xdd: {  	v0 =	vadd.f32 v1, v0  }
0xde: {  	v1 =	vadd.f32 v2, v3  }
0xdf: {  	[tilespmem:s5+$0x1A700] =	vst v0  }
0xe0: {  	s7 =	rddreg [dreg:$0x9];
	s6 =	simm.s32 $0x0;
	[tilespmem:s5+$0x1C700] =	vst v1  }
0xe1: {  	[tilespmem:s6], [sflag:$0x1] =	stream.strided.gather [hbm4b:s7+s30], $0x18700, s31, s30, $0x38;
	[tilespmem:$0x1E700] =	vst v63  }
0xe2: {  	s7 =	sld [smem:$0x7FD];
	_ =	sdelay $0x2  }
0xe3: {  	[tilespmem:s26], [sflag:$0x2] =	stream.strided.gather [hbm4b:s7+s30], $0x2000, s31, s30, $0x38;
	[tilespmem:$0x1E700] =	vst v63  }
0xe4: {  	_ =	swait.ge [sflag:s0], $0x2000  }
0xe5: {  	[sflag:s0] =	ssyncset.done $0x0  }
0xe6: {  	[sflag:s0] =	ssyncadd.s32 $0xFFFFE000  }
0xe7: {  	_ =	swait.ge [sflag:s2], $0x18700  }
0xe8: {  	[sflag:s2] =	ssyncset.done $0x0  }
0xe9: {  	s6 =	simm.s32 $0x0;
	[sflag:s2] =	ssyncadd.s32 $0xFFFE7900  }
0xea: {  	v0 =	vld [tilespmem:s6+$0x18700];
	_ =	sdelay $0x6  }
0xeb: {  	v2 =	vld [tilespmem:s6+$0x1A700]  }
0xec: {  	s5 =	simm.s32 $0x10;
	v1 =	vld.idx.msk [tilespmem:v0+s1+$0x0], $0xffff  }
0xed: {  	s7 =	simm.s32 $0x80;
	v0 =	vld [tilespmem:s5+$0x18700]  }
.LBB2_12:
0xee: {  	p0 =	sne.s32 s7, $0x7FC0;
	v3 =	vld [tilespmem:s6+$0x1C700];
	_ =	sdelay $0x2  }
0xef: {  	v2 =	vadd.f32 v2, v1;
	v1 =	vmul.f32 v1, v1;
	_ =	sdelay $0x1  }
0xf0: {  	[tilespmem:s6+$0x1A700] =	vst v2;
	v1 =	vadd.f32 v3, v1  }
.Ltmp5:
0xf1: {  	(pc) =	sbr.rel @p0 .LBB2_12-.Ltmp5, $4  }
0xf2: {  	[tilespmem:s6+$0x1C700] =	vst v1;
	s6 =	smov.u32 s5  }
0xf3: {  	v1 =	vld.idx.msk [tilespmem:v0+s1+$0x0], $0xffff  }
0xf4: {  	s5 =	sshra.s32 s7, $0x2;
	v2 =	vld [tilespmem:s6+$0x1A700]  }
0xf5: {  	s7 =	sadd.s32 $0x40, s7;
	v0 =	vld [tilespmem:s5+$0x18700]  }
0xf6: {  	v3 =	vld [tilespmem:s6+$0x1C700];
	_ =	sdelay $0x2  }
0xf7: {  	v4 =	vmul.f32 v1, v1  }
0xf8: {  	v1 =	vadd.f32 v2, v1  }
0xf9: {  	v2 =	vadd.f32 v3, v4  }
0xfa: {  	[tilespmem:s6+$0x1A700] =	vst v1  }
0xfb: {  	[tilespmem:s6+$0x1C700] =	vst v2  }
0xfc: {  	v0 =	vld.idx.msk [tilespmem:v0+s1+$0x0], $0xffff  }
0xfd: {  	v1 =	vld [tilespmem:s5+$0x1A700]  }
0xfe: {  	v2 =	vld [tilespmem:s5+$0x1C700];
	_ =	sdelay $0x2  }
0xff: {  	v3 =	vmul.f32 v0, v0  }
0x100: {  	v0 =	vadd.f32 v1, v0  }
0x101: {  	v1 =	vadd.f32 v2, v3  }
0x102: {  	[tilespmem:s5+$0x1A700] =	vst v0  }
0x103: {  	s7 =	rddreg [dreg:$0xa];
	s6 =	simm.s32 $0x0;
	[tilespmem:s5+$0x1C700] =	vst v1  }
0x104: {  	[tilespmem:s6], [sflag:$0x1] =	stream.strided.gather [hbm4b:s7+s30], $0x18700, s31, s30, $0x38;
	[tilespmem:$0x1E700] =	vst v63  }
0x105: {  	_ = 	snop  }
0x106: {  	[tilespmem:s26], [sflag:$0x2] =	stream.strided.gather [hbm4b:s8+s30], $0x2000, s31, s30, $0x38;
	[tilespmem:$0x1E700] =	vst v63  }
0x107: {  	_ =	swait.ge [sflag:s0], $0x2000  }
0x108: {  	[sflag:s0] =	ssyncset.done $0x0  }
0x109: {  	[sflag:s0] =	ssyncadd.s32 $0xFFFFE000  }
0x10a: {  	_ =	swait.ge [sflag:s2], $0x18700  }
0x10b: {  	[sflag:s2] =	ssyncset.done $0x0  }
0x10c: {  	s6 =	simm.s32 $0x0;
	[sflag:s2] =	ssyncadd.s32 $0xFFFE7900  }
0x10d: {  	v0 =	vld [tilespmem:s6+$0x18700];
	_ =	sdelay $0x6  }
0x10e: {  	v2 =	vld [tilespmem:s6+$0x1A700]  }
0x10f: {  	s5 =	simm.s32 $0x10;
	v1 =	vld.idx.msk [tilespmem:v0+s1+$0x0], $0xffff  }
0x110: {  	s7 =	simm.s32 $0x80;
	v0 =	vld [tilespmem:s5+$0x18700]  }
.LBB2_14:
0x111: {  	p0 =	sne.s32 s7, $0x7FC0;
	v3 =	vld [tilespmem:s6+$0x1C700];
	_ =	sdelay $0x2  }
0x112: {  	v2 =	vadd.f32 v2, v1;
	v1 =	vmul.f32 v1, v1;
	_ =	sdelay $0x1  }
0x113: {  	[tilespmem:s6+$0x1A700] =	vst v2;
	v1 =	vadd.f32 v3, v1  }
.Ltmp6:
0x114: {  	(pc) =	sbr.rel @p0 .LBB2_14-.Ltmp6, $4  }
0x115: {  	[tilespmem:s6+$0x1C700] =	vst v1;
	s6 =	smov.u32 s5  }
0x116: {  	v1 =	vld.idx.msk [tilespmem:v0+s1+$0x0], $0xffff  }
0x117: {  	s5 =	sshra.s32 s7, $0x2;
	v2 =	vld [tilespmem:s6+$0x1A700]  }
0x118: {  	s7 =	sadd.s32 $0x40, s7;
	v0 =	vld [tilespmem:s5+$0x18700]  }
0x119: {  	v3 =	vld [tilespmem:s6+$0x1C700];
	_ =	sdelay $0x2  }
0x11a: {  	v4 =	vmul.f32 v1, v1  }
0x11b: {  	v1 =	vadd.f32 v2, v1  }
0x11c: {  	v2 =	vadd.f32 v3, v4  }
0x11d: {  	[tilespmem:s6+$0x1A700] =	vst v1  }
0x11e: {  	[tilespmem:s6+$0x1C700] =	vst v2  }
0x11f: {  	v0 =	vld.idx.msk [tilespmem:v0+s1+$0x0], $0xffff  }
0x120: {  	v1 =	vld [tilespmem:s5+$0x1A700]  }
0x121: {  	v2 =	vld [tilespmem:s5+$0x1C700];
	_ =	sdelay $0x2  }
0x122: {  	v3 =	vmul.f32 v0, v0  }
0x123: {  	v0 =	vadd.f32 v1, v0  }
0x124: {  	v1 =	vadd.f32 v2, v3  }
0x125: {  	[tilespmem:s5+$0x1A700] =	vst v0  }
0x126: {  	s7 =	rddreg [dreg:$0xb];
	s6 =	simm.s32 $0x0;
	[tilespmem:s5+$0x1C700] =	vst v1  }
0x127: {  	[tilespmem:s6], [sflag:$0x1] =	stream.strided.gather [hbm4b:s7+s30], $0x18700, s31, s30, $0x38;
	[tilespmem:$0x1E700] =	vst v63  }
0x128: {  	_ = 	snop  }
0x129: {  	[tilespmem:s26], [sflag:$0x2] =	stream.strided.gather [hbm4b:s9+s30], $0x2000, s31, s30, $0x38;
	[tilespmem:$0x1E700] =	vst v63  }
0x12a: {  	_ =	swait.ge [sflag:s0], $0x2000  }
0x12b: {  	[sflag:s0] =	ssyncset.done $0x0  }
0x12c: {  	[sflag:s0] =	ssyncadd.s32 $0xFFFFE000  }
0x12d: {  	_ =	swait.ge [sflag:s2], $0x18700  }
0x12e: {  	[sflag:s2] =	ssyncset.done $0x0  }
0x12f: {  	s6 =	simm.s32 $0x0;
	[sflag:s2] =	ssyncadd.s32 $0xFFFE7900  }
0x130: {  	v0 =	vld [tilespmem:s6+$0x18700];
	_ =	sdelay $0x6  }
0x131: {  	v2 =	vld [tilespmem:s6+$0x1A700]  }
0x132: {  	s5 =	simm.s32 $0x10;
	v1 =	vld.idx.msk [tilespmem:v0+s1+$0x0], $0xffff  }
0x133: {  	s7 =	simm.s32 $0x80;
	v0 =	vld [tilespmem:s5+$0x18700]  }
.LBB2_16:
0x134: {  	p0 =	sne.s32 s7, $0x7FC0;
	v3 =	vld [tilespmem:s6+$0x1C700];
	_ =	sdelay $0x2  }
0x135: {  	v2 =	vadd.f32 v2, v1;
	v1 =	vmul.f32 v1, v1;
	_ =	sdelay $0x1  }
0x136: {  	[tilespmem:s6+$0x1A700] =	vst v2;
	v1 =	vadd.f32 v3, v1  }
.Ltmp7:
0x137: {  	(pc) =	sbr.rel @p0 .LBB2_16-.Ltmp7, $4  }
0x138: {  	[tilespmem:s6+$0x1C700] =	vst v1;
	s6 =	smov.u32 s5  }
0x139: {  	v1 =	vld.idx.msk [tilespmem:v0+s1+$0x0], $0xffff  }
0x13a: {  	s5 =	sshra.s32 s7, $0x2;
	v2 =	vld [tilespmem:s6+$0x1A700]  }
0x13b: {  	s7 =	sadd.s32 $0x40, s7;
	v0 =	vld [tilespmem:s5+$0x18700]  }
0x13c: {  	v3 =	vld [tilespmem:s6+$0x1C700];
	_ =	sdelay $0x2  }
0x13d: {  	v4 =	vmul.f32 v1, v1  }
0x13e: {  	v1 =	vadd.f32 v2, v1  }
0x13f: {  	v2 =	vadd.f32 v3, v4  }
0x140: {  	[tilespmem:s6+$0x1A700] =	vst v1  }
0x141: {  	[tilespmem:s6+$0x1C700] =	vst v2  }
0x142: {  	v0 =	vld.idx.msk [tilespmem:v0+s1+$0x0], $0xffff  }
0x143: {  	v1 =	vld [tilespmem:s5+$0x1A700]  }
0x144: {  	v2 =	vld [tilespmem:s5+$0x1C700];
	_ =	sdelay $0x2  }
0x145: {  	v3 =	vmul.f32 v0, v0  }
0x146: {  	v0 =	vadd.f32 v1, v0  }
0x147: {  	v1 =	vadd.f32 v2, v3  }
0x148: {  	[tilespmem:s5+$0x1A700] =	vst v0  }
0x149: {  	s7 =	rddreg [dreg:$0xc];
	s6 =	simm.s32 $0x0;
	[tilespmem:s5+$0x1C700] =	vst v1  }
0x14a: {  	[tilespmem:s6], [sflag:$0x1] =	stream.strided.gather [hbm4b:s7+s30], $0x18700, s31, s30, $0x38;
	[tilespmem:$0x1E700] =	vst v63  }
0x14b: {  	_ = 	snop  }
0x14c: {  	[tilespmem:s26], [sflag:$0x2] =	stream.strided.gather [hbm4b:s10+s30], $0x2000, s31, s30, $0x38;
	[tilespmem:$0x1E700] =	vst v63  }
0x14d: {  	_ =	swait.ge [sflag:s0], $0x2000  }
0x14e: {  	[sflag:s0] =	ssyncset.done $0x0  }
0x14f: {  	[sflag:s0] =	ssyncadd.s32 $0xFFFFE000  }
0x150: {  	_ =	swait.ge [sflag:s2], $0x18700  }
0x151: {  	[sflag:s2] =	ssyncset.done $0x0  }
0x152: {  	s6 =	simm.s32 $0x0;
	[sflag:s2] =	ssyncadd.s32 $0xFFFE7900  }
0x153: {  	v0 =	vld [tilespmem:s6+$0x18700];
	_ =	sdelay $0x6  }
0x154: {  	v2 =	vld [tilespmem:s6+$0x1A700]  }
0x155: {  	s5 =	simm.s32 $0x10;
	v1 =	vld.idx.msk [tilespmem:v0+s1+$0x0], $0xffff  }
0x156: {  	s7 =	simm.s32 $0x80;
	v0 =	vld [tilespmem:s5+$0x18700]  }
.LBB2_18:
0x157: {  	p0 =	sne.s32 s7, $0x7FC0;
	v3 =	vld [tilespmem:s6+$0x1C700];
	_ =	sdelay $0x2  }
0x158: {  	v2 =	vadd.f32 v2, v1;
	v1 =	vmul.f32 v1, v1;
	_ =	sdelay $0x1  }
0x159: {  	[tilespmem:s6+$0x1A700] =	vst v2;
	v1 =	vadd.f32 v3, v1  }
.Ltmp8:
0x15a: {  	(pc) =	sbr.rel @p0 .LBB2_18-.Ltmp8, $4  }
0x15b: {  	[tilespmem:s6+$0x1C700] =	vst v1;
	s6 =	smov.u32 s5  }
0x15c: {  	v1 =	vld.idx.msk [tilespmem:v0+s1+$0x0], $0xffff  }
0x15d: {  	s5 =	sshra.s32 s7, $0x2;
	v2 =	vld [tilespmem:s6+$0x1A700]  }
0x15e: {  	s7 =	sadd.s32 $0x40, s7;
	v0 =	vld [tilespmem:s5+$0x18700]  }
0x15f: {  	v3 =	vld [tilespmem:s6+$0x1C700];
	_ =	sdelay $0x2  }
0x160: {  	v4 =	vmul.f32 v1, v1  }
0x161: {  	v1 =	vadd.f32 v2, v1  }
0x162: {  	v2 =	vadd.f32 v3, v4  }
0x163: {  	[tilespmem:s6+$0x1A700] =	vst v1  }
0x164: {  	[tilespmem:s6+$0x1C700] =	vst v2  }
0x165: {  	v0 =	vld.idx.msk [tilespmem:v0+s1+$0x0], $0xffff  }
0x166: {  	v1 =	vld [tilespmem:s5+$0x1A700]  }
0x167: {  	v2 =	vld [tilespmem:s5+$0x1C700];
	_ =	sdelay $0x2  }
0x168: {  	v3 =	vmul.f32 v0, v0  }
0x169: {  	v0 =	vadd.f32 v1, v0  }
0x16a: {  	v1 =	vadd.f32 v2, v3  }
0x16b: {  	[tilespmem:s5+$0x1A700] =	vst v0  }
0x16c: {  	s7 =	rddreg [dreg:$0xd];
	s6 =	simm.s32 $0x0;
	[tilespmem:s5+$0x1C700] =	vst v1  }
0x16d: {  	[tilespmem:s6], [sflag:$0x1] =	stream.strided.gather [hbm4b:s7+s30], $0x18700, s31, s30, $0x38;
	[tilespmem:$0x1E700] =	vst v63  }
0x16e: {  	_ = 	snop  }
0x16f: {  	[tilespmem:s26], [sflag:$0x2] =	stream.strided.gather [hbm4b:s11+s30], $0x2000, s31, s30, $0x38;
	[tilespmem:$0x1E700] =	vst v63  }
0x170: {  	_ =	swait.ge [sflag:s0], $0x2000  }
0x171: {  	[sflag:s0] =	ssyncset.done $0x0  }
0x172: {  	[sflag:s0] =	ssyncadd.s32 $0xFFFFE000  }
0x173: {  	_ =	swait.ge [sflag:s2], $0x18700  }
0x174: {  	[sflag:s2] =	ssyncset.done $0x0  }
0x175: {  	s6 =	simm.s32 $0x0;
	[sflag:s2] =	ssyncadd.s32 $0xFFFE7900  }
0x176: {  	v0 =	vld [tilespmem:s6+$0x18700];
	_ =	sdelay $0x6  }
0x177: {  	v2 =	vld [tilespmem:s6+$0x1A700]  }
0x178: {  	s5 =	simm.s32 $0x10;
	v1 =	vld.idx.msk [tilespmem:v0+s1+$0x0], $0xffff  }
0x179: {  	s7 =	simm.s32 $0x80;
	v0 =	vld [tilespmem:s5+$0x18700]  }
.LBB2_20:
0x17a: {  	p0 =	sne.s32 s7, $0x7FC0;
	v3 =	vld [tilespmem:s6+$0x1C700];
	_ =	sdelay $0x2  }
0x17b: {  	v2 =	vadd.f32 v2, v1;
	v1 =	vmul.f32 v1, v1;
	_ =	sdelay $0x1  }
0x17c: {  	[tilespmem:s6+$0x1A700] =	vst v2;
	v1 =	vadd.f32 v3, v1  }
.Ltmp9:
0x17d: {  	(pc) =	sbr.rel @p0 .LBB2_20-.Ltmp9, $4  }
0x17e: {  	[tilespmem:s6+$0x1C700] =	vst v1;
	s6 =	smov.u32 s5  }
0x17f: {  	v1 =	vld.idx.msk [tilespmem:v0+s1+$0x0], $0xffff  }
0x180: {  	s5 =	sshra.s32 s7, $0x2;
	v2 =	vld [tilespmem:s6+$0x1A700]  }
0x181: {  	s7 =	sadd.s32 $0x40, s7;
	v0 =	vld [tilespmem:s5+$0x18700]  }
0x182: {  	v3 =	vld [tilespmem:s6+$0x1C700];
	_ =	sdelay $0x2  }
0x183: {  	v4 =	vmul.f32 v1, v1  }
0x184: {  	v1 =	vadd.f32 v2, v1  }
0x185: {  	v2 =	vadd.f32 v3, v4  }
0x186: {  	[tilespmem:s6+$0x1A700] =	vst v1  }
0x187: {  	[tilespmem:s6+$0x1C700] =	vst v2  }
0x188: {  	v0 =	vld.idx.msk [tilespmem:v0+s1+$0x0], $0xffff  }
0x189: {  	v1 =	vld [tilespmem:s5+$0x1A700]  }
0x18a: {  	v2 =	vld [tilespmem:s5+$0x1C700];
	_ =	sdelay $0x2  }
0x18b: {  	v3 =	vmul.f32 v0, v0  }
0x18c: {  	v0 =	vadd.f32 v1, v0  }
0x18d: {  	v1 =	vadd.f32 v2, v3  }
0x18e: {  	[tilespmem:s5+$0x1A700] =	vst v0  }
0x18f: {  	s7 =	rddreg [dreg:$0xe];
	s6 =	simm.s32 $0x0;
	[tilespmem:s5+$0x1C700] =	vst v1  }
0x190: {  	[tilespmem:s6], [sflag:$0x1] =	stream.strided.gather [hbm4b:s7+s30], $0x18700, s31, s30, $0x38;
	[tilespmem:$0x1E700] =	vst v63  }
0x191: {  	_ = 	snop  }
0x192: {  	[tilespmem:s26], [sflag:$0x2] =	stream.strided.gather [hbm4b:s12+s30], $0x2000, s31, s30, $0x38;
	[tilespmem:$0x1E700] =	vst v63  }
0x193: {  	_ =	swait.ge [sflag:s0], $0x2000  }
0x194: {  	[sflag:s0] =	ssyncset.done $0x0  }
0x195: {  	[sflag:s0] =	ssyncadd.s32 $0xFFFFE000  }
0x196: {  	_ =	swait.ge [sflag:s2], $0x18700  }
0x197: {  	[sflag:s2] =	ssyncset.done $0x0  }
0x198: {  	s6 =	simm.s32 $0x0;
	[sflag:s2] =	ssyncadd.s32 $0xFFFE7900  }
0x199: {  	v0 =	vld [tilespmem:s6+$0x18700];
	_ =	sdelay $0x6  }
0x19a: {  	v2 =	vld [tilespmem:s6+$0x1A700]  }
0x19b: {  	s5 =	simm.s32 $0x10;
	v1 =	vld.idx.msk [tilespmem:v0+s1+$0x0], $0xffff  }
0x19c: {  	s7 =	simm.s32 $0x80;
	v0 =	vld [tilespmem:s5+$0x18700]  }
.LBB2_22:
0x19d: {  	p0 =	sne.s32 s7, $0x7FC0;
	v3 =	vld [tilespmem:s6+$0x1C700];
	_ =	sdelay $0x2  }
0x19e: {  	v2 =	vadd.f32 v2, v1;
	v1 =	vmul.f32 v1, v1;
	_ =	sdelay $0x1  }
0x19f: {  	[tilespmem:s6+$0x1A700] =	vst v2;
	v1 =	vadd.f32 v3, v1  }
.Ltmp10:
0x1a0: {  	(pc) =	sbr.rel @p0 .LBB2_22-.Ltmp10, $4  }
0x1a1: {  	[tilespmem:s6+$0x1C700] =	vst v1;
	s6 =	smov.u32 s5  }
0x1a2: {  	v1 =	vld.idx.msk [tilespmem:v0+s1+$0x0], $0xffff  }
0x1a3: {  	s5 =	sshra.s32 s7, $0x2;
	v2 =	vld [tilespmem:s6+$0x1A700]  }
0x1a4: {  	s7 =	sadd.s32 $0x40, s7;
	v0 =	vld [tilespmem:s5+$0x18700]  }
0x1a5: {  	v3 =	vld [tilespmem:s6+$0x1C700];
	_ =	sdelay $0x2  }
0x1a6: {  	v4 =	vmul.f32 v1, v1  }
0x1a7: {  	v1 =	vadd.f32 v2, v1  }
0x1a8: {  	v2 =	vadd.f32 v3, v4  }
0x1a9: {  	[tilespmem:s6+$0x1A700] =	vst v1  }
0x1aa: {  	[tilespmem:s6+$0x1C700] =	vst v2  }
0x1ab: {  	v0 =	vld.idx.msk [tilespmem:v0+s1+$0x0], $0xffff  }
0x1ac: {  	v1 =	vld [tilespmem:s5+$0x1A700]  }
0x1ad: {  	v2 =	vld [tilespmem:s5+$0x1C700];
	_ =	sdelay $0x2  }
0x1ae: {  	v3 =	vmul.f32 v0, v0  }
0x1af: {  	v0 =	vadd.f32 v1, v0  }
0x1b0: {  	v1 =	vadd.f32 v2, v3  }
0x1b1: {  	[tilespmem:s5+$0x1A700] =	vst v0  }
0x1b2: {  	s7 =	rddreg [dreg:$0xf];
	s6 =	simm.s32 $0x0;
	[tilespmem:s5+$0x1C700] =	vst v1  }
0x1b3: {  	[tilespmem:s6], [sflag:$0x1] =	stream.strided.gather [hbm4b:s7+s30], $0x18700, s31, s30, $0x38;
	[tilespmem:$0x1E700] =	vst v63  }
0x1b4: {  	_ = 	snop  }
0x1b5: {  	[tilespmem:s26], [sflag:$0x2] =	stream.strided.gather [hbm4b:s13+s30], $0x2000, s31, s30, $0x38;
	[tilespmem:$0x1E700] =	vst v63  }
0x1b6: {  	_ =	swait.ge [sflag:s0], $0x2000  }
0x1b7: {  	[sflag:s0] =	ssyncset.done $0x0  }
0x1b8: {  	[sflag:s0] =	ssyncadd.s32 $0xFFFFE000  }
0x1b9: {  	_ =	swait.ge [sflag:s2], $0x18700  }
0x1ba: {  	[sflag:s2] =	ssyncset.done $0x0  }
0x1bb: {  	s6 =	simm.s32 $0x0;
	[sflag:s2] =	ssyncadd.s32 $0xFFFE7900  }
0x1bc: {  	v0 =	vld [tilespmem:s6+$0x18700];
	_ =	sdelay $0x6  }
0x1bd: {  	v2 =	vld [tilespmem:s6+$0x1A700]  }
0x1be: {  	s5 =	simm.s32 $0x10;
	v1 =	vld.idx.msk [tilespmem:v0+s1+$0x0], $0xffff  }
0x1bf: {  	s7 =	simm.s32 $0x80;
	v0 =	vld [tilespmem:s5+$0x18700]  }
.LBB2_24:
0x1c0: {  	p0 =	sne.s32 s7, $0x7FC0;
	v3 =	vld [tilespmem:s6+$0x1C700];
	_ =	sdelay $0x2  }
0x1c1: {  	v2 =	vadd.f32 v2, v1;
	v1 =	vmul.f32 v1, v1;
	_ =	sdelay $0x1  }
0x1c2: {  	[tilespmem:s6+$0x1A700] =	vst v2;
	v1 =	vadd.f32 v3, v1  }
.Ltmp11:
0x1c3: {  	(pc) =	sbr.rel @p0 .LBB2_24-.Ltmp11, $4  }
0x1c4: {  	[tilespmem:s6+$0x1C700] =	vst v1;
	s6 =	smov.u32 s5  }
0x1c5: {  	v1 =	vld.idx.msk [tilespmem:v0+s1+$0x0], $0xffff  }
0x1c6: {  	s5 =	sshra.s32 s7, $0x2;
	v2 =	vld [tilespmem:s6+$0x1A700]  }
0x1c7: {  	s7 =	sadd.s32 $0x40, s7;
	v0 =	vld [tilespmem:s5+$0x18700]  }
0x1c8: {  	v3 =	vld [tilespmem:s6+$0x1C700];
	_ =	sdelay $0x2  }
0x1c9: {  	v4 =	vmul.f32 v1, v1  }
0x1ca: {  	v1 =	vadd.f32 v2, v1  }
0x1cb: {  	v2 =	vadd.f32 v3, v4  }
0x1cc: {  	[tilespmem:s6+$0x1A700] =	vst v1  }
0x1cd: {  	[tilespmem:s6+$0x1C700] =	vst v2  }
0x1ce: {  	v0 =	vld.idx.msk [tilespmem:v0+s1+$0x0], $0xffff  }
0x1cf: {  	v1 =	vld [tilespmem:s5+$0x1A700]  }
0x1d0: {  	v2 =	vld [tilespmem:s5+$0x1C700];
	_ =	sdelay $0x2  }
0x1d1: {  	v3 =	vmul.f32 v0, v0  }
0x1d2: {  	v0 =	vadd.f32 v1, v0  }
0x1d3: {  	v1 =	vadd.f32 v2, v3  }
0x1d4: {  	[tilespmem:s5+$0x1A700] =	vst v0  }
0x1d5: {  	s7 =	rddreg [dreg:$0x10];
	s6 =	simm.s32 $0x0;
	[tilespmem:s5+$0x1C700] =	vst v1  }
0x1d6: {  	[tilespmem:s6], [sflag:$0x1] =	stream.strided.gather [hbm4b:s7+s30], $0x18700, s31, s30, $0x38;
	[tilespmem:$0x1E700] =	vst v63  }
0x1d7: {  	_ = 	snop  }
0x1d8: {  	[tilespmem:s26], [sflag:$0x2] =	stream.strided.gather [hbm4b:s14+s30], $0x2000, s31, s30, $0x38;
	[tilespmem:$0x1E700] =	vst v63  }
0x1d9: {  	_ =	swait.ge [sflag:s0], $0x2000  }
0x1da: {  	[sflag:s0] =	ssyncset.done $0x0  }
0x1db: {  	[sflag:s0] =	ssyncadd.s32 $0xFFFFE000  }
0x1dc: {  	_ =	swait.ge [sflag:s2], $0x18700  }
0x1dd: {  	[sflag:s2] =	ssyncset.done $0x0  }
0x1de: {  	s6 =	simm.s32 $0x0;
	[sflag:s2] =	ssyncadd.s32 $0xFFFE7900  }
0x1df: {  	v0 =	vld [tilespmem:s6+$0x18700];
	_ =	sdelay $0x6  }
0x1e0: {  	v2 =	vld [tilespmem:s6+$0x1A700]  }
0x1e1: {  	s5 =	simm.s32 $0x10;
	v1 =	vld.idx.msk [tilespmem:v0+s1+$0x0], $0xffff  }
0x1e2: {  	s7 =	simm.s32 $0x80;
	v0 =	vld [tilespmem:s5+$0x18700]  }
.LBB2_26:
0x1e3: {  	p0 =	sne.s32 s7, $0x7FC0;
	v3 =	vld [tilespmem:s6+$0x1C700];
	_ =	sdelay $0x2  }
0x1e4: {  	v2 =	vadd.f32 v2, v1;
	v1 =	vmul.f32 v1, v1;
	_ =	sdelay $0x1  }
0x1e5: {  	[tilespmem:s6+$0x1A700] =	vst v2;
	v1 =	vadd.f32 v3, v1  }
.Ltmp12:
0x1e6: {  	(pc) =	sbr.rel @p0 .LBB2_26-.Ltmp12, $4  }
0x1e7: {  	[tilespmem:s6+$0x1C700] =	vst v1;
	s6 =	smov.u32 s5  }
0x1e8: {  	v1 =	vld.idx.msk [tilespmem:v0+s1+$0x0], $0xffff  }
0x1e9: {  	s5 =	sshra.s32 s7, $0x2;
	v2 =	vld [tilespmem:s6+$0x1A700]  }
0x1ea: {  	s7 =	sadd.s32 $0x40, s7;
	v0 =	vld [tilespmem:s5+$0x18700]  }
0x1eb: {  	v3 =	vld [tilespmem:s6+$0x1C700];
	_ =	sdelay $0x2  }
0x1ec: {  	v4 =	vmul.f32 v1, v1  }
0x1ed: {  	v1 =	vadd.f32 v2, v1  }
0x1ee: {  	v2 =	vadd.f32 v3, v4  }
0x1ef: {  	[tilespmem:s6+$0x1A700] =	vst v1  }
0x1f0: {  	[tilespmem:s6+$0x1C700] =	vst v2  }
0x1f1: {  	v0 =	vld.idx.msk [tilespmem:v0+s1+$0x0], $0xffff  }
0x1f2: {  	v1 =	vld [tilespmem:s5+$0x1A700]  }
0x1f3: {  	v2 =	vld [tilespmem:s5+$0x1C700];
	_ =	sdelay $0x2  }
0x1f4: {  	v3 =	vmul.f32 v0, v0  }
0x1f5: {  	v0 =	vadd.f32 v1, v0  }
0x1f6: {  	v1 =	vadd.f32 v2, v3  }
0x1f7: {  	[tilespmem:s5+$0x1A700] =	vst v0  }
0x1f8: {  	s7 =	rddreg [dreg:$0x11];
	s6 =	simm.s32 $0x0;
	[tilespmem:s5+$0x1C700] =	vst v1  }
0x1f9: {  	[tilespmem:s6], [sflag:$0x1] =	stream.strided.gather [hbm4b:s7+s30], $0x18700, s31, s30, $0x38;
	[tilespmem:$0x1E700] =	vst v63  }
0x1fa: {  	_ = 	snop  }
0x1fb: {  	[tilespmem:s26], [sflag:$0x2] =	stream.strided.gather [hbm4b:s15+s30], $0x2000, s31, s30, $0x38;
	[tilespmem:$0x1E700] =	vst v63  }
0x1fc: {  	_ =	swait.ge [sflag:s0], $0x2000  }
0x1fd: {  	[sflag:s0] =	ssyncset.done $0x0  }
0x1fe: {  	[sflag:s0] =	ssyncadd.s32 $0xFFFFE000  }
0x1ff: {  	_ =	swait.ge [sflag:s2], $0x18700  }
0x200: {  	[sflag:s2] =	ssyncset.done $0x0  }
0x201: {  	s6 =	simm.s32 $0x0;
	[sflag:s2] =	ssyncadd.s32 $0xFFFE7900  }
0x202: {  	v0 =	vld [tilespmem:s6+$0x18700];
	_ =	sdelay $0x6  }
0x203: {  	v2 =	vld [tilespmem:s6+$0x1A700]  }
0x204: {  	s5 =	simm.s32 $0x10;
	v1 =	vld.idx.msk [tilespmem:v0+s1+$0x0], $0xffff  }
0x205: {  	s7 =	simm.s32 $0x80;
	v0 =	vld [tilespmem:s5+$0x18700]  }
.LBB2_28:
0x206: {  	p0 =	sne.s32 s7, $0x7FC0;
	v3 =	vld [tilespmem:s6+$0x1C700];
	_ =	sdelay $0x2  }
0x207: {  	v2 =	vadd.f32 v2, v1;
	v1 =	vmul.f32 v1, v1;
	_ =	sdelay $0x1  }
0x208: {  	[tilespmem:s6+$0x1A700] =	vst v2;
	v1 =	vadd.f32 v3, v1  }
.Ltmp13:
0x209: {  	(pc) =	sbr.rel @p0 .LBB2_28-.Ltmp13, $4  }
0x20a: {  	[tilespmem:s6+$0x1C700] =	vst v1;
	s6 =	smov.u32 s5  }
0x20b: {  	v1 =	vld.idx.msk [tilespmem:v0+s1+$0x0], $0xffff  }
0x20c: {  	s5 =	sshra.s32 s7, $0x2;
	v2 =	vld [tilespmem:s6+$0x1A700]  }
0x20d: {  	s7 =	sadd.s32 $0x40, s7;
	v0 =	vld [tilespmem:s5+$0x18700]  }
0x20e: {  	v3 =	vld [tilespmem:s6+$0x1C700];
	_ =	sdelay $0x2  }
0x20f: {  	v4 =	vmul.f32 v1, v1  }
0x210: {  	v1 =	vadd.f32 v2, v1  }
0x211: {  	v2 =	vadd.f32 v3, v4  }
0x212: {  	[tilespmem:s6+$0x1A700] =	vst v1  }
0x213: {  	[tilespmem:s6+$0x1C700] =	vst v2  }
0x214: {  	v0 =	vld.idx.msk [tilespmem:v0+s1+$0x0], $0xffff  }
0x215: {  	v1 =	vld [tilespmem:s5+$0x1A700]  }
0x216: {  	v2 =	vld [tilespmem:s5+$0x1C700];
	_ =	sdelay $0x2  }
0x217: {  	v3 =	vmul.f32 v0, v0  }
0x218: {  	v0 =	vadd.f32 v1, v0  }
0x219: {  	v1 =	vadd.f32 v2, v3  }
0x21a: {  	[tilespmem:s5+$0x1A700] =	vst v0  }
0x21b: {  	s7 =	rddreg [dreg:$0x12];
	s6 =	simm.s32 $0x0;
	[tilespmem:s5+$0x1C700] =	vst v1  }
0x21c: {  	[tilespmem:s6], [sflag:$0x1] =	stream.strided.gather [hbm4b:s7+s30], $0x18700, s31, s30, $0x38;
	[tilespmem:$0x1E700] =	vst v63  }
0x21d: {  	_ = 	snop  }
0x21e: {  	[tilespmem:s26], [sflag:$0x2] =	stream.strided.gather [hbm4b:s16+s30], $0x2000, s31, s30, $0x38;
	[tilespmem:$0x1E700] =	vst v63  }
0x21f: {  	_ =	swait.ge [sflag:s0], $0x2000  }
0x220: {  	[sflag:s0] =	ssyncset.done $0x0  }
0x221: {  	[sflag:s0] =	ssyncadd.s32 $0xFFFFE000  }
0x222: {  	_ =	swait.ge [sflag:s2], $0x18700  }
0x223: {  	[sflag:s2] =	ssyncset.done $0x0  }
0x224: {  	s6 =	simm.s32 $0x0;
	[sflag:s2] =	ssyncadd.s32 $0xFFFE7900  }
0x225: {  	v0 =	vld [tilespmem:s6+$0x18700];
	_ =	sdelay $0x6  }
0x226: {  	v2 =	vld [tilespmem:s6+$0x1A700]  }
0x227: {  	s5 =	simm.s32 $0x10;
	v1 =	vld.idx.msk [tilespmem:v0+s1+$0x0], $0xffff  }
0x228: {  	s7 =	simm.s32 $0x80;
	v0 =	vld [tilespmem:s5+$0x18700]  }
.LBB2_30:
0x229: {  	p0 =	sne.s32 s7, $0x7FC0;
	v3 =	vld [tilespmem:s6+$0x1C700];
	_ =	sdelay $0x2  }
0x22a: {  	v2 =	vadd.f32 v2, v1;
	v1 =	vmul.f32 v1, v1;
	_ =	sdelay $0x1  }
0x22b: {  	[tilespmem:s6+$0x1A700] =	vst v2;
	v1 =	vadd.f32 v3, v1  }
.Ltmp14:
0x22c: {  	(pc) =	sbr.rel @p0 .LBB2_30-.Ltmp14, $4  }
0x22d: {  	[tilespmem:s6+$0x1C700] =	vst v1;
	s6 =	smov.u32 s5  }
0x22e: {  	v1 =	vld.idx.msk [tilespmem:v0+s1+$0x0], $0xffff  }
0x22f: {  	s5 =	sshra.s32 s7, $0x2;
	v2 =	vld [tilespmem:s6+$0x1A700]  }
0x230: {  	s7 =	sadd.s32 $0x40, s7;
	v0 =	vld [tilespmem:s5+$0x18700]  }
0x231: {  	v3 =	vld [tilespmem:s6+$0x1C700];
	_ =	sdelay $0x2  }
0x232: {  	v4 =	vmul.f32 v1, v1  }
0x233: {  	v1 =	vadd.f32 v2, v1  }
0x234: {  	v2 =	vadd.f32 v3, v4  }
0x235: {  	[tilespmem:s6+$0x1A700] =	vst v1  }
0x236: {  	[tilespmem:s6+$0x1C700] =	vst v2  }
0x237: {  	v0 =	vld.idx.msk [tilespmem:v0+s1+$0x0], $0xffff  }
0x238: {  	v1 =	vld [tilespmem:s5+$0x1A700]  }
0x239: {  	v2 =	vld [tilespmem:s5+$0x1C700];
	_ =	sdelay $0x2  }
0x23a: {  	v3 =	vmul.f32 v0, v0  }
0x23b: {  	v0 =	vadd.f32 v1, v0  }
0x23c: {  	v1 =	vadd.f32 v2, v3  }
0x23d: {  	[tilespmem:s5+$0x1A700] =	vst v0  }
0x23e: {  	s7 =	rddreg [dreg:$0x13];
	s6 =	simm.s32 $0x0;
	[tilespmem:s5+$0x1C700] =	vst v1  }
0x23f: {  	[tilespmem:s6], [sflag:$0x1] =	stream.strided.gather [hbm4b:s7+s30], $0x18700, s31, s30, $0x38;
	[tilespmem:$0x1E700] =	vst v63  }
0x240: {  	_ = 	snop  }
0x241: {  	[tilespmem:s26], [sflag:$0x2] =	stream.strided.gather [hbm4b:s17+s30], $0x2000, s31, s30, $0x38;
	[tilespmem:$0x1E700] =	vst v63  }
0x242: {  	_ =	swait.ge [sflag:s0], $0x2000  }
0x243: {  	[sflag:s0] =	ssyncset.done $0x0  }
0x244: {  	[sflag:s0] =	ssyncadd.s32 $0xFFFFE000  }
0x245: {  	_ =	swait.ge [sflag:s2], $0x18700  }
0x246: {  	[sflag:s2] =	ssyncset.done $0x0  }
0x247: {  	s6 =	simm.s32 $0x0;
	[sflag:s2] =	ssyncadd.s32 $0xFFFE7900  }
0x248: {  	v0 =	vld [tilespmem:s6+$0x18700];
	_ =	sdelay $0x6  }
0x249: {  	v2 =	vld [tilespmem:s6+$0x1A700]  }
0x24a: {  	s5 =	simm.s32 $0x10;
	v1 =	vld.idx.msk [tilespmem:v0+s1+$0x0], $0xffff  }
0x24b: {  	s7 =	simm.s32 $0x80;
	v0 =	vld [tilespmem:s5+$0x18700]  }
.LBB2_32:
0x24c: {  	p0 =	sne.s32 s7, $0x7FC0;
	v3 =	vld [tilespmem:s6+$0x1C700];
	_ =	sdelay $0x2  }
0x24d: {  	v2 =	vadd.f32 v2, v1;
	v1 =	vmul.f32 v1, v1;
	_ =	sdelay $0x1  }
0x24e: {  	[tilespmem:s6+$0x1A700] =	vst v2;
	v1 =	vadd.f32 v3, v1  }
.Ltmp15:
0x24f: {  	(pc) =	sbr.rel @p0 .LBB2_32-.Ltmp15, $4  }
0x250: {  	[tilespmem:s6+$0x1C700] =	vst v1;
	s6 =	smov.u32 s5  }
0x251: {  	v1 =	vld.idx.msk [tilespmem:v0+s1+$0x0], $0xffff  }
0x252: {  	s5 =	sshra.s32 s7, $0x2;
	v2 =	vld [tilespmem:s6+$0x1A700]  }
0x253: {  	s7 =	sadd.s32 $0x40, s7;
	v0 =	vld [tilespmem:s5+$0x18700]  }
0x254: {  	v3 =	vld [tilespmem:s6+$0x1C700];
	_ =	sdelay $0x2  }
0x255: {  	v4 =	vmul.f32 v1, v1  }
0x256: {  	v1 =	vadd.f32 v2, v1  }
0x257: {  	v2 =	vadd.f32 v3, v4  }
0x258: {  	[tilespmem:s6+$0x1A700] =	vst v1  }
0x259: {  	[tilespmem:s6+$0x1C700] =	vst v2  }
0x25a: {  	v0 =	vld.idx.msk [tilespmem:v0+s1+$0x0], $0xffff  }
0x25b: {  	v1 =	vld [tilespmem:s5+$0x1A700]  }
0x25c: {  	v2 =	vld [tilespmem:s5+$0x1C700];
	_ =	sdelay $0x2  }
0x25d: {  	v3 =	vmul.f32 v0, v0  }
0x25e: {  	v0 =	vadd.f32 v1, v0  }
0x25f: {  	v1 =	vadd.f32 v2, v3  }
0x260: {  	[tilespmem:s5+$0x1A700] =	vst v0  }
0x261: {  	s7 =	rddreg [dreg:$0x14];
	s6 =	simm.s32 $0x0;
	[tilespmem:s5+$0x1C700] =	vst v1  }
0x262: {  	[tilespmem:s6], [sflag:$0x1] =	stream.strided.gather [hbm4b:s7+s30], $0x18700, s31, s30, $0x38;
	[tilespmem:$0x1E700] =	vst v63  }
0x263: {  	_ = 	snop  }
0x264: {  	[tilespmem:s26], [sflag:$0x2] =	stream.strided.gather [hbm4b:s18+s30], $0x2000, s31, s30, $0x38;
	[tilespmem:$0x1E700] =	vst v63  }
0x265: {  	_ =	swait.ge [sflag:s0], $0x2000  }
0x266: {  	[sflag:s0] =	ssyncset.done $0x0  }
0x267: {  	[sflag:s0] =	ssyncadd.s32 $0xFFFFE000  }
0x268: {  	_ =	swait.ge [sflag:s2], $0x18700  }
0x269: {  	[sflag:s2] =	ssyncset.done $0x0  }
0x26a: {  	s6 =	simm.s32 $0x0;
	[sflag:s2] =	ssyncadd.s32 $0xFFFE7900  }
0x26b: {  	v0 =	vld [tilespmem:s6+$0x18700];
	_ =	sdelay $0x6  }
0x26c: {  	v2 =	vld [tilespmem:s6+$0x1A700]  }
0x26d: {  	s5 =	simm.s32 $0x10;
	v1 =	vld.idx.msk [tilespmem:v0+s1+$0x0], $0xffff  }
0x26e: {  	s7 =	simm.s32 $0x80;
	v0 =	vld [tilespmem:s5+$0x18700]  }
.LBB2_34:
0x26f: {  	p0 =	sne.s32 s7, $0x7FC0;
	v3 =	vld [tilespmem:s6+$0x1C700];
	_ =	sdelay $0x2  }
0x270: {  	v2 =	vadd.f32 v2, v1;
	v1 =	vmul.f32 v1, v1;
	_ =	sdelay $0x1  }
0x271: {  	[tilespmem:s6+$0x1A700] =	vst v2;
	v1 =	vadd.f32 v3, v1  }
.Ltmp16:
0x272: {  	(pc) =	sbr.rel @p0 .LBB2_34-.Ltmp16, $4  }
0x273: {  	[tilespmem:s6+$0x1C700] =	vst v1;
	s6 =	smov.u32 s5  }
0x274: {  	v1 =	vld.idx.msk [tilespmem:v0+s1+$0x0], $0xffff  }
0x275: {  	s5 =	sshra.s32 s7, $0x2;
	v2 =	vld [tilespmem:s6+$0x1A700]  }
0x276: {  	s7 =	sadd.s32 $0x40, s7;
	v0 =	vld [tilespmem:s5+$0x18700]  }
0x277: {  	v3 =	vld [tilespmem:s6+$0x1C700];
	_ =	sdelay $0x2  }
0x278: {  	v4 =	vmul.f32 v1, v1  }
0x279: {  	v1 =	vadd.f32 v2, v1  }
0x27a: {  	v2 =	vadd.f32 v3, v4  }
0x27b: {  	[tilespmem:s6+$0x1A700] =	vst v1  }
0x27c: {  	[tilespmem:s6+$0x1C700] =	vst v2  }
0x27d: {  	v0 =	vld.idx.msk [tilespmem:v0+s1+$0x0], $0xffff  }
0x27e: {  	v1 =	vld [tilespmem:s5+$0x1A700]  }
0x27f: {  	v2 =	vld [tilespmem:s5+$0x1C700];
	_ =	sdelay $0x2  }
0x280: {  	v3 =	vmul.f32 v0, v0  }
0x281: {  	v0 =	vadd.f32 v1, v0  }
0x282: {  	v1 =	vadd.f32 v2, v3  }
0x283: {  	[tilespmem:s5+$0x1A700] =	vst v0  }
0x284: {  	s7 =	rddreg [dreg:$0x15];
	s6 =	simm.s32 $0x0;
	[tilespmem:s5+$0x1C700] =	vst v1  }
0x285: {  	[tilespmem:s6], [sflag:$0x1] =	stream.strided.gather [hbm4b:s7+s30], $0x18700, s31, s30, $0x38;
	[tilespmem:$0x1E700] =	vst v63  }
0x286: {  	_ = 	snop  }
0x287: {  	[tilespmem:s26], [sflag:$0x2] =	stream.strided.gather [hbm4b:s19+s30], $0x2000, s31, s30, $0x38;
	[tilespmem:$0x1E700] =	vst v63  }
0x288: {  	_ =	swait.ge [sflag:s0], $0x2000  }
0x289: {  	[sflag:s0] =	ssyncset.done $0x0  }
0x28a: {  	[sflag:s0] =	ssyncadd.s32 $0xFFFFE000  }
0x28b: {  	_ =	swait.ge [sflag:s2], $0x18700  }
0x28c: {  	[sflag:s2] =	ssyncset.done $0x0  }
0x28d: {  	s6 =	simm.s32 $0x0;
	[sflag:s2] =	ssyncadd.s32 $0xFFFE7900  }
0x28e: {  	v0 =	vld [tilespmem:s6+$0x18700];
	_ =	sdelay $0x6  }
0x28f: {  	v2 =	vld [tilespmem:s6+$0x1A700]  }
0x290: {  	s5 =	simm.s32 $0x10;
	v1 =	vld.idx.msk [tilespmem:v0+s1+$0x0], $0xffff  }
0x291: {  	s7 =	simm.s32 $0x80;
	v0 =	vld [tilespmem:s5+$0x18700]  }
.LBB2_36:
0x292: {  	p0 =	sne.s32 s7, $0x7FC0;
	v3 =	vld [tilespmem:s6+$0x1C700];
	_ =	sdelay $0x2  }
0x293: {  	v2 =	vadd.f32 v2, v1;
	v1 =	vmul.f32 v1, v1;
	_ =	sdelay $0x1  }
0x294: {  	[tilespmem:s6+$0x1A700] =	vst v2;
	v1 =	vadd.f32 v3, v1  }
.Ltmp17:
0x295: {  	(pc) =	sbr.rel @p0 .LBB2_36-.Ltmp17, $4  }
0x296: {  	[tilespmem:s6+$0x1C700] =	vst v1;
	s6 =	smov.u32 s5  }
0x297: {  	v1 =	vld.idx.msk [tilespmem:v0+s1+$0x0], $0xffff  }
0x298: {  	s5 =	sshra.s32 s7, $0x2;
	v2 =	vld [tilespmem:s6+$0x1A700]  }
0x299: {  	s7 =	sadd.s32 $0x40, s7;
	v0 =	vld [tilespmem:s5+$0x18700]  }
0x29a: {  	v3 =	vld [tilespmem:s6+$0x1C700];
	_ =	sdelay $0x2  }
0x29b: {  	v4 =	vmul.f32 v1, v1  }
0x29c: {  	v1 =	vadd.f32 v2, v1  }
0x29d: {  	v2 =	vadd.f32 v3, v4  }
0x29e: {  	[tilespmem:s6+$0x1A700] =	vst v1  }
0x29f: {  	[tilespmem:s6+$0x1C700] =	vst v2  }
0x2a0: {  	v0 =	vld.idx.msk [tilespmem:v0+s1+$0x0], $0xffff  }
0x2a1: {  	v1 =	vld [tilespmem:s5+$0x1A700]  }
0x2a2: {  	v2 =	vld [tilespmem:s5+$0x1C700];
	_ =	sdelay $0x2  }
0x2a3: {  	v3 =	vmul.f32 v0, v0  }
0x2a4: {  	v0 =	vadd.f32 v1, v0  }
0x2a5: {  	v1 =	vadd.f32 v2, v3  }
0x2a6: {  	[tilespmem:s5+$0x1A700] =	vst v0  }
0x2a7: {  	s7 =	rddreg [dreg:$0x16];
	s6 =	simm.s32 $0x0;
	[tilespmem:s5+$0x1C700] =	vst v1  }
0x2a8: {  	[tilespmem:s6], [sflag:$0x1] =	stream.strided.gather [hbm4b:s7+s30], $0x18700, s31, s30, $0x38;
	[tilespmem:$0x1E700] =	vst v63  }
0x2a9: {  	_ = 	snop  }
0x2aa: {  	[tilespmem:s26], [sflag:$0x2] =	stream.strided.gather [hbm4b:s20+s30], $0x2000, s31, s30, $0x38;
	[tilespmem:$0x1E700] =	vst v63  }
0x2ab: {  	_ =	swait.ge [sflag:s0], $0x2000  }
0x2ac: {  	[sflag:s0] =	ssyncset.done $0x0  }
0x2ad: {  	[sflag:s0] =	ssyncadd.s32 $0xFFFFE000  }
0x2ae: {  	_ =	swait.ge [sflag:s2], $0x18700  }
0x2af: {  	[sflag:s2] =	ssyncset.done $0x0  }
0x2b0: {  	s6 =	simm.s32 $0x0;
	[sflag:s2] =	ssyncadd.s32 $0xFFFE7900  }
0x2b1: {  	v0 =	vld [tilespmem:s6+$0x18700];
	_ =	sdelay $0x6  }
0x2b2: {  	v2 =	vld [tilespmem:s6+$0x1A700]  }
0x2b3: {  	s5 =	simm.s32 $0x10;
	v1 =	vld.idx.msk [tilespmem:v0+s1+$0x0], $0xffff  }
0x2b4: {  	s7 =	simm.s32 $0x80;
	v0 =	vld [tilespmem:s5+$0x18700]  }
.LBB2_38:
0x2b5: {  	p0 =	sne.s32 s7, $0x7FC0;
	v3 =	vld [tilespmem:s6+$0x1C700];
	_ =	sdelay $0x2  }
0x2b6: {  	v2 =	vadd.f32 v2, v1;
	v1 =	vmul.f32 v1, v1;
	_ =	sdelay $0x1  }
0x2b7: {  	[tilespmem:s6+$0x1A700] =	vst v2;
	v1 =	vadd.f32 v3, v1  }
.Ltmp18:
0x2b8: {  	(pc) =	sbr.rel @p0 .LBB2_38-.Ltmp18, $4  }
0x2b9: {  	[tilespmem:s6+$0x1C700] =	vst v1;
	s6 =	smov.u32 s5  }
0x2ba: {  	v1 =	vld.idx.msk [tilespmem:v0+s1+$0x0], $0xffff  }
0x2bb: {  	s5 =	sshra.s32 s7, $0x2;
	v2 =	vld [tilespmem:s6+$0x1A700]  }
0x2bc: {  	s7 =	sadd.s32 $0x40, s7;
	v0 =	vld [tilespmem:s5+$0x18700]  }
0x2bd: {  	v3 =	vld [tilespmem:s6+$0x1C700];
	_ =	sdelay $0x2  }
0x2be: {  	v4 =	vmul.f32 v1, v1  }
0x2bf: {  	v1 =	vadd.f32 v2, v1  }
0x2c0: {  	v2 =	vadd.f32 v3, v4  }
0x2c1: {  	[tilespmem:s6+$0x1A700] =	vst v1  }
0x2c2: {  	[tilespmem:s6+$0x1C700] =	vst v2  }
0x2c3: {  	v0 =	vld.idx.msk [tilespmem:v0+s1+$0x0], $0xffff  }
0x2c4: {  	v1 =	vld [tilespmem:s5+$0x1A700]  }
0x2c5: {  	v2 =	vld [tilespmem:s5+$0x1C700];
	_ =	sdelay $0x2  }
0x2c6: {  	v3 =	vmul.f32 v0, v0  }
0x2c7: {  	v0 =	vadd.f32 v1, v0  }
0x2c8: {  	v1 =	vadd.f32 v2, v3  }
0x2c9: {  	[tilespmem:s5+$0x1A700] =	vst v0  }
0x2ca: {  	s7 =	rddreg [dreg:$0x17];
	s6 =	simm.s32 $0x0;
	[tilespmem:s5+$0x1C700] =	vst v1  }
0x2cb: {  	[tilespmem:s6], [sflag:$0x1] =	stream.strided.gather [hbm4b:s7+s30], $0x18700, s31, s30, $0x38;
	[tilespmem:$0x1E700] =	vst v63  }
0x2cc: {  	_ = 	snop  }
0x2cd: {  	[tilespmem:s26], [sflag:$0x2] =	stream.strided.gather [hbm4b:s21+s30], $0x2000, s31, s30, $0x38;
	[tilespmem:$0x1E700] =	vst v63  }
0x2ce: {  	_ =	swait.ge [sflag:s0], $0x2000  }
0x2cf: {  	[sflag:s0] =	ssyncset.done $0x0  }
0x2d0: {  	[sflag:s0] =	ssyncadd.s32 $0xFFFFE000  }
0x2d1: {  	_ =	swait.ge [sflag:s2], $0x18700  }
0x2d2: {  	[sflag:s2] =	ssyncset.done $0x0  }
0x2d3: {  	s6 =	simm.s32 $0x0;
	[sflag:s2] =	ssyncadd.s32 $0xFFFE7900  }
0x2d4: {  	v0 =	vld [tilespmem:s6+$0x18700];
	_ =	sdelay $0x6  }
0x2d5: {  	v2 =	vld [tilespmem:s6+$0x1A700]  }
0x2d6: {  	s5 =	simm.s32 $0x10;
	v1 =	vld.idx.msk [tilespmem:v0+s1+$0x0], $0xffff  }
0x2d7: {  	s7 =	simm.s32 $0x80;
	v0 =	vld [tilespmem:s5+$0x18700]  }
.LBB2_40:
0x2d8: {  	p0 =	sne.s32 s7, $0x7FC0;
	v3 =	vld [tilespmem:s6+$0x1C700];
	_ =	sdelay $0x2  }
0x2d9: {  	v2 =	vadd.f32 v2, v1;
	v1 =	vmul.f32 v1, v1;
	_ =	sdelay $0x1  }
0x2da: {  	[tilespmem:s6+$0x1A700] =	vst v2;
	v1 =	vadd.f32 v3, v1  }
.Ltmp19:
0x2db: {  	(pc) =	sbr.rel @p0 .LBB2_40-.Ltmp19, $4  }
0x2dc: {  	[tilespmem:s6+$0x1C700] =	vst v1;
	s6 =	smov.u32 s5  }
0x2dd: {  	v1 =	vld.idx.msk [tilespmem:v0+s1+$0x0], $0xffff  }
0x2de: {  	s5 =	sshra.s32 s7, $0x2;
	v2 =	vld [tilespmem:s6+$0x1A700]  }
0x2df: {  	s7 =	sadd.s32 $0x40, s7;
	v0 =	vld [tilespmem:s5+$0x18700]  }
0x2e0: {  	v3 =	vld [tilespmem:s6+$0x1C700];
	_ =	sdelay $0x2  }
0x2e1: {  	v4 =	vmul.f32 v1, v1  }
0x2e2: {  	v1 =	vadd.f32 v2, v1  }
0x2e3: {  	v2 =	vadd.f32 v3, v4  }
0x2e4: {  	[tilespmem:s6+$0x1A700] =	vst v1  }
0x2e5: {  	[tilespmem:s6+$0x1C700] =	vst v2  }
0x2e6: {  	v0 =	vld.idx.msk [tilespmem:v0+s1+$0x0], $0xffff  }
0x2e7: {  	v1 =	vld [tilespmem:s5+$0x1A700]  }
0x2e8: {  	v2 =	vld [tilespmem:s5+$0x1C700];
	_ =	sdelay $0x2  }
0x2e9: {  	v3 =	vmul.f32 v0, v0  }
0x2ea: {  	v0 =	vadd.f32 v1, v0  }
0x2eb: {  	v1 =	vadd.f32 v2, v3  }
0x2ec: {  	[tilespmem:s5+$0x1A700] =	vst v0  }
0x2ed: {  	s7 =	rddreg [dreg:$0x18];
	s6 =	simm.s32 $0x0;
	[tilespmem:s5+$0x1C700] =	vst v1  }
0x2ee: {  	[tilespmem:s6], [sflag:$0x1] =	stream.strided.gather [hbm4b:s7+s30], $0x18700, s31, s30, $0x38;
	[tilespmem:$0x1E700] =	vst v63  }
0x2ef: {  	_ = 	snop  }
0x2f0: {  	[tilespmem:s26], [sflag:$0x2] =	stream.strided.gather [hbm4b:s22+s30], $0x2000, s31, s30, $0x38;
	[tilespmem:$0x1E700] =	vst v63  }
0x2f1: {  	_ =	swait.ge [sflag:s0], $0x2000  }
0x2f2: {  	[sflag:s0] =	ssyncset.done $0x0  }
0x2f3: {  	[sflag:s0] =	ssyncadd.s32 $0xFFFFE000  }
0x2f4: {  	_ =	swait.ge [sflag:s2], $0x18700  }
0x2f5: {  	[sflag:s2] =	ssyncset.done $0x0  }
0x2f6: {  	s6 =	simm.s32 $0x0;
	[sflag:s2] =	ssyncadd.s32 $0xFFFE7900  }
0x2f7: {  	v0 =	vld [tilespmem:s6+$0x18700];
	_ =	sdelay $0x6  }
0x2f8: {  	v2 =	vld [tilespmem:s6+$0x1A700]  }
0x2f9: {  	s5 =	simm.s32 $0x10;
	v1 =	vld.idx.msk [tilespmem:v0+s1+$0x0], $0xffff  }
0x2fa: {  	s7 =	simm.s32 $0x80;
	v0 =	vld [tilespmem:s5+$0x18700]  }
.LBB2_42:
0x2fb: {  	p0 =	sne.s32 s7, $0x7FC0;
	v3 =	vld [tilespmem:s6+$0x1C700];
	_ =	sdelay $0x2  }
0x2fc: {  	v2 =	vadd.f32 v2, v1;
	v1 =	vmul.f32 v1, v1;
	_ =	sdelay $0x1  }
0x2fd: {  	[tilespmem:s6+$0x1A700] =	vst v2;
	v1 =	vadd.f32 v3, v1  }
.Ltmp20:
0x2fe: {  	(pc) =	sbr.rel @p0 .LBB2_42-.Ltmp20, $4  }
0x2ff: {  	[tilespmem:s6+$0x1C700] =	vst v1;
	s6 =	smov.u32 s5  }
0x300: {  	v1 =	vld.idx.msk [tilespmem:v0+s1+$0x0], $0xffff  }
0x301: {  	s5 =	sshra.s32 s7, $0x2;
	v2 =	vld [tilespmem:s6+$0x1A700]  }
0x302: {  	s7 =	sadd.s32 $0x40, s7;
	v0 =	vld [tilespmem:s5+$0x18700]  }
0x303: {  	v3 =	vld [tilespmem:s6+$0x1C700];
	_ =	sdelay $0x2  }
0x304: {  	v4 =	vmul.f32 v1, v1  }
0x305: {  	v1 =	vadd.f32 v2, v1  }
0x306: {  	v2 =	vadd.f32 v3, v4  }
0x307: {  	[tilespmem:s6+$0x1A700] =	vst v1  }
0x308: {  	[tilespmem:s6+$0x1C700] =	vst v2  }
0x309: {  	v0 =	vld.idx.msk [tilespmem:v0+s1+$0x0], $0xffff  }
0x30a: {  	v1 =	vld [tilespmem:s5+$0x1A700]  }
0x30b: {  	v2 =	vld [tilespmem:s5+$0x1C700];
	_ =	sdelay $0x2  }
0x30c: {  	v3 =	vmul.f32 v0, v0  }
0x30d: {  	v0 =	vadd.f32 v1, v0  }
0x30e: {  	v1 =	vadd.f32 v2, v3  }
0x30f: {  	[tilespmem:s5+$0x1A700] =	vst v0  }
0x310: {  	s7 =	rddreg [dreg:$0x19];
	s6 =	simm.s32 $0x0;
	[tilespmem:s5+$0x1C700] =	vst v1  }
0x311: {  	[tilespmem:s6], [sflag:$0x1] =	stream.strided.gather [hbm4b:s7+s30], $0x18700, s31, s30, $0x38;
	[tilespmem:$0x1E700] =	vst v63  }
0x312: {  	_ = 	snop  }
0x313: {  	[tilespmem:s26], [sflag:$0x2] =	stream.strided.gather [hbm4b:s23+s30], $0x2000, s31, s30, $0x38;
	[tilespmem:$0x1E700] =	vst v63  }
0x314: {  	_ =	swait.ge [sflag:s0], $0x2000  }
0x315: {  	[sflag:s0] =	ssyncset.done $0x0  }
0x316: {  	[sflag:s0] =	ssyncadd.s32 $0xFFFFE000  }
0x317: {  	_ =	swait.ge [sflag:s2], $0x18700  }
0x318: {  	[sflag:s2] =	ssyncset.done $0x0  }
0x319: {  	s6 =	simm.s32 $0x0;
	[sflag:s2] =	ssyncadd.s32 $0xFFFE7900  }
0x31a: {  	v0 =	vld [tilespmem:s6+$0x18700];
	_ =	sdelay $0x6  }
0x31b: {  	v2 =	vld [tilespmem:s6+$0x1A700]  }
0x31c: {  	s5 =	simm.s32 $0x10;
	v1 =	vld.idx.msk [tilespmem:v0+s1+$0x0], $0xffff  }
0x31d: {  	s7 =	simm.s32 $0x80;
	v0 =	vld [tilespmem:s5+$0x18700]  }
.LBB2_44:
0x31e: {  	p0 =	sne.s32 s7, $0x7FC0;
	v3 =	vld [tilespmem:s6+$0x1C700];
	_ =	sdelay $0x2  }
0x31f: {  	v2 =	vadd.f32 v2, v1;
	v1 =	vmul.f32 v1, v1;
	_ =	sdelay $0x1  }
0x320: {  	[tilespmem:s6+$0x1A700] =	vst v2;
	v1 =	vadd.f32 v3, v1  }
.Ltmp21:
0x321: {  	(pc) =	sbr.rel @p0 .LBB2_44-.Ltmp21, $4  }
0x322: {  	[tilespmem:s6+$0x1C700] =	vst v1;
	s6 =	smov.u32 s5  }
0x323: {  	v1 =	vld.idx.msk [tilespmem:v0+s1+$0x0], $0xffff  }
0x324: {  	s5 =	sshra.s32 s7, $0x2;
	v2 =	vld [tilespmem:s6+$0x1A700]  }
0x325: {  	s7 =	sadd.s32 $0x40, s7;
	v0 =	vld [tilespmem:s5+$0x18700]  }
0x326: {  	v3 =	vld [tilespmem:s6+$0x1C700];
	_ =	sdelay $0x2  }
0x327: {  	v4 =	vmul.f32 v1, v1  }
0x328: {  	v1 =	vadd.f32 v2, v1  }
0x329: {  	v2 =	vadd.f32 v3, v4  }
0x32a: {  	[tilespmem:s6+$0x1A700] =	vst v1  }
0x32b: {  	[tilespmem:s6+$0x1C700] =	vst v2  }
0x32c: {  	v0 =	vld.idx.msk [tilespmem:v0+s1+$0x0], $0xffff  }
0x32d: {  	v1 =	vld [tilespmem:s5+$0x1A700]  }
0x32e: {  	v2 =	vld [tilespmem:s5+$0x1C700];
	_ =	sdelay $0x2  }
0x32f: {  	v3 =	vmul.f32 v0, v0  }
0x330: {  	v0 =	vadd.f32 v1, v0  }
0x331: {  	v1 =	vadd.f32 v2, v3  }
0x332: {  	[tilespmem:s5+$0x1A700] =	vst v0  }
0x333: {  	s7 =	rddreg [dreg:$0x1a];
	s6 =	simm.s32 $0x0;
	[tilespmem:s5+$0x1C700] =	vst v1  }
0x334: {  	[tilespmem:s6], [sflag:$0x1] =	stream.strided.gather [hbm4b:s7+s30], $0x18700, s31, s30, $0x38;
	[tilespmem:$0x1E700] =	vst v63  }
0x335: {  	_ = 	snop  }
0x336: {  	[tilespmem:s26], [sflag:$0x2] =	stream.strided.gather [hbm4b:s24+s30], $0x2000, s31, s30, $0x38;
	[tilespmem:$0x1E700] =	vst v63  }
0x337: {  	_ =	swait.ge [sflag:s0], $0x2000  }
0x338: {  	[sflag:s0] =	ssyncset.done $0x0  }
0x339: {  	[sflag:s0] =	ssyncadd.s32 $0xFFFFE000  }
0x33a: {  	_ =	swait.ge [sflag:s2], $0x18700  }
0x33b: {  	[sflag:s2] =	ssyncset.done $0x0  }
0x33c: {  	s6 =	simm.s32 $0x0;
	[sflag:s2] =	ssyncadd.s32 $0xFFFE7900  }
0x33d: {  	v0 =	vld [tilespmem:s6+$0x18700];
	_ =	sdelay $0x6  }
0x33e: {  	v2 =	vld [tilespmem:s6+$0x1A700]  }
0x33f: {  	s5 =	simm.s32 $0x10;
	v1 =	vld.idx.msk [tilespmem:v0+s1+$0x0], $0xffff  }
0x340: {  	s7 =	simm.s32 $0x80;
	v0 =	vld [tilespmem:s5+$0x18700]  }
.LBB2_46:
0x341: {  	p0 =	sne.s32 s7, $0x7FC0;
	v3 =	vld [tilespmem:s6+$0x1C700];
	_ =	sdelay $0x2  }
0x342: {  	v2 =	vadd.f32 v2, v1;
	v1 =	vmul.f32 v1, v1;
	_ =	sdelay $0x1  }
0x343: {  	[tilespmem:s6+$0x1A700] =	vst v2;
	v1 =	vadd.f32 v3, v1  }
.Ltmp22:
0x344: {  	(pc) =	sbr.rel @p0 .LBB2_46-.Ltmp22, $4  }
0x345: {  	[tilespmem:s6+$0x1C700] =	vst v1;
	s6 =	smov.u32 s5  }
0x346: {  	v1 =	vld.idx.msk [tilespmem:v0+s1+$0x0], $0xffff  }
0x347: {  	s5 =	sshra.s32 s7, $0x2;
	v2 =	vld [tilespmem:s6+$0x1A700]  }
0x348: {  	s7 =	sadd.s32 $0x40, s7;
	v0 =	vld [tilespmem:s5+$0x18700]  }
0x349: {  	v3 =	vld [tilespmem:s6+$0x1C700];
	_ =	sdelay $0x2  }
0x34a: {  	v4 =	vmul.f32 v1, v1  }
0x34b: {  	v1 =	vadd.f32 v2, v1  }
0x34c: {  	v2 =	vadd.f32 v3, v4  }
0x34d: {  	[tilespmem:s6+$0x1A700] =	vst v1  }
0x34e: {  	[tilespmem:s6+$0x1C700] =	vst v2  }
0x34f: {  	v0 =	vld.idx.msk [tilespmem:v0+s1+$0x0], $0xffff  }
0x350: {  	v1 =	vld [tilespmem:s5+$0x1A700]  }
0x351: {  	v2 =	vld [tilespmem:s5+$0x1C700];
	_ =	sdelay $0x2  }
0x352: {  	v3 =	vmul.f32 v0, v0  }
0x353: {  	v0 =	vadd.f32 v1, v0  }
0x354: {  	v1 =	vadd.f32 v2, v3  }
0x355: {  	[tilespmem:s5+$0x1A700] =	vst v0  }
0x356: {  	s7 =	rddreg [dreg:$0x1b];
	s6 =	simm.s32 $0x0;
	[tilespmem:s5+$0x1C700] =	vst v1  }
0x357: {  	[tilespmem:s6], [sflag:$0x1] =	stream.strided.gather [hbm4b:s7+s30], $0x18700, s31, s30, $0x38;
	[tilespmem:$0x1E700] =	vst v63  }
0x358: {  	_ = 	snop  }
0x359: {  	[tilespmem:s26], [sflag:$0x2] =	stream.strided.gather [hbm4b:s25+s30], $0x2000, s31, s30, $0x38;
	[tilespmem:$0x1E700] =	vst v63  }
0x35a: {  	_ =	swait.ge [sflag:s0], $0x2000  }
0x35b: {  	[sflag:s0] =	ssyncset.done $0x0  }
0x35c: {  	[sflag:s0] =	ssyncadd.s32 $0xFFFFE000  }
0x35d: {  	_ =	swait.ge [sflag:s2], $0x18700  }
0x35e: {  	[sflag:s2] =	ssyncset.done $0x0  }
0x35f: {  	s6 =	simm.s32 $0x0;
	[sflag:s2] =	ssyncadd.s32 $0xFFFE7900  }
0x360: {  	v0 =	vld [tilespmem:s6+$0x18700];
	_ =	sdelay $0x6  }
0x361: {  	v2 =	vld [tilespmem:s6+$0x1A700]  }
0x362: {  	s5 =	simm.s32 $0x10;
	v1 =	vld.idx.msk [tilespmem:v0+s1+$0x0], $0xffff  }
0x363: {  	s7 =	simm.s32 $0x80;
	v0 =	vld [tilespmem:s5+$0x18700]  }
.LBB2_48:
0x364: {  	p0 =	sne.s32 s7, $0x7FC0;
	v3 =	vld [tilespmem:s6+$0x1C700];
	_ =	sdelay $0x2  }
0x365: {  	v2 =	vadd.f32 v2, v1;
	v1 =	vmul.f32 v1, v1;
	_ =	sdelay $0x1  }
0x366: {  	[tilespmem:s6+$0x1A700] =	vst v2;
	v1 =	vadd.f32 v3, v1  }
.Ltmp23:
0x367: {  	(pc) =	sbr.rel @p0 .LBB2_48-.Ltmp23, $4  }
0x368: {  	[tilespmem:s6+$0x1C700] =	vst v1;
	s6 =	smov.u32 s5  }
0x369: {  	v1 =	vld.idx.msk [tilespmem:v0+s1+$0x0], $0xffff  }
0x36a: {  	s5 =	sshra.s32 s7, $0x2;
	v2 =	vld [tilespmem:s6+$0x1A700]  }
0x36b: {  	s7 =	sadd.s32 $0x40, s7;
	v0 =	vld [tilespmem:s5+$0x18700]  }
0x36c: {  	v3 =	vld [tilespmem:s6+$0x1C700];
	_ =	sdelay $0x2  }
0x36d: {  	v4 =	vmul.f32 v1, v1  }
0x36e: {  	v1 =	vadd.f32 v2, v1  }
0x36f: {  	v2 =	vadd.f32 v3, v4  }
0x370: {  	[tilespmem:s6+$0x1A700] =	vst v1  }
0x371: {  	[tilespmem:s6+$0x1C700] =	vst v2  }
0x372: {  	v0 =	vld.idx.msk [tilespmem:v0+s1+$0x0], $0xffff  }
0x373: {  	v1 =	vld [tilespmem:s5+$0x1A700]  }
0x374: {  	v2 =	vld [tilespmem:s5+$0x1C700];
	_ =	sdelay $0x2  }
0x375: {  	v3 =	vmul.f32 v0, v0  }
0x376: {  	v0 =	vadd.f32 v1, v0  }
0x377: {  	v1 =	vadd.f32 v2, v3  }
0x378: {  	[tilespmem:s5+$0x1A700] =	vst v0  }
0x379: {  	s7 =	rddreg [dreg:$0x1c];
	s6 =	simm.s32 $0x0;
	[tilespmem:s5+$0x1C700] =	vst v1  }
0x37a: {  	[tilespmem:s6], [sflag:$0x1] =	stream.strided.gather [hbm4b:s7+s30], $0x18700, s31, s30, $0x38;
	[tilespmem:$0x1E700] =	vst v63  }
0x37b: {  	_ = 	snop  }
0x37c: {  	[tilespmem:s26], [sflag:$0x2] =	stream.strided.gather [hbm4b:s28+s30], $0x2000, s31, s30, $0x38;
	[tilespmem:$0x1E700] =	vst v63  }
0x37d: {  	_ =	swait.ge [sflag:s0], $0x2000  }
0x37e: {  	[sflag:s0] =	ssyncset.done $0x0  }
0x37f: {  	[sflag:s0] =	ssyncadd.s32 $0xFFFFE000  }
0x380: {  	_ =	swait.ge [sflag:s2], $0x18700  }
0x381: {  	[sflag:s2] =	ssyncset.done $0x0  }
0x382: {  	s6 =	simm.s32 $0x0;
	[sflag:s2] =	ssyncadd.s32 $0xFFFE7900  }
0x383: {  	v0 =	vld [tilespmem:s6+$0x18700];
	_ =	sdelay $0x6  }
0x384: {  	v2 =	vld [tilespmem:s6+$0x1A700]  }
0x385: {  	s5 =	simm.s32 $0x10;
	v1 =	vld.idx.msk [tilespmem:v0+s1+$0x0], $0xffff  }
0x386: {  	s7 =	simm.s32 $0x80;
	v0 =	vld [tilespmem:s5+$0x18700]  }
.LBB2_50:
0x387: {  	p0 =	sne.s32 s7, $0x7FC0;
	v3 =	vld [tilespmem:s6+$0x1C700];
	_ =	sdelay $0x2  }
0x388: {  	v2 =	vadd.f32 v2, v1;
	v1 =	vmul.f32 v1, v1;
	_ =	sdelay $0x1  }
0x389: {  	[tilespmem:s6+$0x1A700] =	vst v2;
	v1 =	vadd.f32 v3, v1  }
.Ltmp24:
0x38a: {  	(pc) =	sbr.rel @p0 .LBB2_50-.Ltmp24, $4  }
0x38b: {  	[tilespmem:s6+$0x1C700] =	vst v1;
	s6 =	smov.u32 s5  }
0x38c: {  	v1 =	vld.idx.msk [tilespmem:v0+s1+$0x0], $0xffff  }
0x38d: {  	s5 =	sshra.s32 s7, $0x2;
	v2 =	vld [tilespmem:s6+$0x1A700]  }
0x38e: {  	s7 =	sadd.s32 $0x40, s7;
	v0 =	vld [tilespmem:s5+$0x18700]  }
0x38f: {  	v3 =	vld [tilespmem:s6+$0x1C700];
	_ =	sdelay $0x2  }
0x390: {  	v4 =	vmul.f32 v1, v1  }
0x391: {  	v1 =	vadd.f32 v2, v1  }
0x392: {  	v2 =	vadd.f32 v3, v4  }
0x393: {  	[tilespmem:s6+$0x1A700] =	vst v1  }
0x394: {  	[tilespmem:s6+$0x1C700] =	vst v2  }
0x395: {  	v0 =	vld.idx.msk [tilespmem:v0+s1+$0x0], $0xffff  }
0x396: {  	v1 =	vld [tilespmem:s5+$0x1A700]  }
0x397: {  	v2 =	vld [tilespmem:s5+$0x1C700];
	_ =	sdelay $0x2  }
0x398: {  	v3 =	vmul.f32 v0, v0  }
0x399: {  	v0 =	vadd.f32 v1, v0  }
0x39a: {  	v1 =	vadd.f32 v2, v3  }
0x39b: {  	[tilespmem:s5+$0x1A700] =	vst v0  }
0x39c: {  	s7 =	rddreg [dreg:$0x1d];
	s6 =	simm.s32 $0x0;
	[tilespmem:s5+$0x1C700] =	vst v1  }
0x39d: {  	[tilespmem:s6], [sflag:$0x1] =	stream.strided.gather [hbm4b:s7+s30], $0x18700, s31, s30, $0x38;
	[tilespmem:$0x1E700] =	vst v63  }
0x39e: {  	_ = 	snop  }
0x39f: {  	[tilespmem:s26], [sflag:$0x2] =	stream.strided.gather [hbm4b:s29+s30], $0x2000, s31, s30, $0x38;
	[tilespmem:$0x1E700] =	vst v63  }
0x3a0: {  	_ =	swait.ge [sflag:s0], $0x2000  }
0x3a1: {  	[sflag:s0] =	ssyncset.done $0x0  }
0x3a2: {  	[sflag:s0] =	ssyncadd.s32 $0xFFFFE000  }
0x3a3: {  	_ =	swait.ge [sflag:s2], $0x18700  }
0x3a4: {  	[sflag:s2] =	ssyncset.done $0x0  }
0x3a5: {  	s6 =	simm.s32 $0x0;
	[sflag:s2] =	ssyncadd.s32 $0xFFFE7900  }
0x3a6: {  	v0 =	vld [tilespmem:s6+$0x18700];
	_ =	sdelay $0x6  }
0x3a7: {  	v2 =	vld [tilespmem:s6+$0x1A700]  }
0x3a8: {  	s5 =	simm.s32 $0x10;
	v1 =	vld.idx.msk [tilespmem:v0+s1+$0x0], $0xffff  }
0x3a9: {  	s7 =	simm.s32 $0x80;
	v0 =	vld [tilespmem:s5+$0x18700]  }
.LBB2_52:
0x3aa: {  	p0 =	sne.s32 s7, $0x7FC0;
	v3 =	vld [tilespmem:s6+$0x1C700];
	_ =	sdelay $0x2  }
0x3ab: {  	v2 =	vadd.f32 v2, v1;
	v1 =	vmul.f32 v1, v1;
	_ =	sdelay $0x1  }
0x3ac: {  	[tilespmem:s6+$0x1A700] =	vst v2;
	v1 =	vadd.f32 v3, v1  }
.Ltmp25:
0x3ad: {  	(pc) =	sbr.rel @p0 .LBB2_52-.Ltmp25, $4  }
0x3ae: {  	[tilespmem:s6+$0x1C700] =	vst v1;
	s6 =	smov.u32 s5  }
0x3af: {  	v1 =	vld.idx.msk [tilespmem:v0+s1+$0x0], $0xffff  }
0x3b0: {  	s5 =	sshra.s32 s7, $0x2;
	v2 =	vld [tilespmem:s6+$0x1A700]  }
0x3b1: {  	s7 =	sadd.s32 $0x40, s7;
	v0 =	vld [tilespmem:s5+$0x18700]  }
0x3b2: {  	v3 =	vld [tilespmem:s6+$0x1C700];
	_ =	sdelay $0x2  }
0x3b3: {  	v4 =	vmul.f32 v1, v1  }
0x3b4: {  	v60 =	vadd.f32 v2, v1  }
0x3b5: {  	v61 =	vadd.f32 v3, v4  }
0x3b6: {  	[tilespmem:s6+$0x1A700] =	vst v60  }
0x3b7: {  	[tilespmem:s6+$0x1C700] =	vst v61  }
0x3b8: {  	v0 =	vld.idx.msk [tilespmem:v0+s1+$0x0], $0xffff  }
0x3b9: {  	v1 =	vld [tilespmem:s5+$0x1A700]  }
0x3ba: {  	v2 =	vld [tilespmem:s5+$0x1C700];
	_ =	sdelay $0x2  }
0x3bb: {  	v62 =	vmul.f32 v0, v0  }
0x3bc: {  	v0 =	vadd.f32 v1, v0  }
0x3bd: {  	v63 =	vadd.f32 v2, v62  }
0x3be: {  	[tilespmem:s5+$0x1A700] =	vst v0  }
0x3bf: {  	s7 =	simm.s32 $0x1A700;
	s6 =	rddreg [dreg:$0x1e];
	[tilespmem:s5+$0x1C700] =	vst v63  }
0x3c0: {  	[hbm4b:s6+s30] =	stream.strided.scatter [tilespmem:s7], [sflag:$0x2], $0x2000, s31, s30, $0x38;
	[tilespmem:$0x1E700] =	vst v63  }
0x3c1: {  	_ =	swait.ge [sflag:s0], $0x2000  }
0x3c2: {  	[sflag:s0] =	ssyncset.done $0x0  }
0x3c3: {  	s7 =	simm.s32 $0x1C700;
	s6 =	rddreg [dreg:$0x1f];
	[sflag:s0] =	ssyncadd.s32 $0xFFFFE000  }
0x3c4: {  	[hbm4b:s6+s30] =	stream.strided.scatter [tilespmem:s7], [sflag:$0x2], $0x2000, s31, s30, $0x38;
	[tilespmem:$0x1E700] =	vst v63  }
0x3c5: {  	_ =	swait.ge [sflag:s0], $0x2000  }
0x3c6: {  	s7 =	sld [smem:$0x7F8];
	_ =	sdelay $0x1  }
0x3c7: {  	s4 =	sadd.s32 $0x1, s4  }
0x3c8: {  	p0 =	sne.s32 s4, s7  }
.Ltmp26:
0x3c9: {  	_ = 	snop;
	(pc) =	sbr.rel @p0 .LBB2_1-.Ltmp26, $3  }
0x3ca: {  	_ =	sdelay $0x1  }
0x3cb: {  	[sflag:s0] =	ssyncset.done $0x0  }
0x3cc: {  	[sflag:s0] =	ssyncadd.s32 $0xFFFFE000  }
0x3cd: {  	_ =	sfence.sel $0x180000  }
0x3ce: {  	[bflag:$0x0] =	sbarrier.arrive $0xFFFF  }
0x3cf: {  	_ =	strace $0x90000047  }
0x3d0: {  	s0 =	stileid.u32;
	[bflag:$0x2] =	sbarrier.arrive $0xFFFF  }
0x3d1: {  	p0 =	sne.s32 s0, $0x0;
	s0 =	rddreg [dreg:$0x3]  }
0x3d2: {  	s0 =	sadd.s32 @!p0 $0x100000, s0  }
0x3d3: {  	[sflag:s0] =	ssyncadd.tile.s32 @!p0 $0x1;
	_ =	shalt  }
.Lfunc_end2:
_tile_overlayer_lowered:
.L_overlay_start_2:
0x3d4: {  	(tag) =	ssettag $0x2  }
0x3d5: {  	s0 =	rddreg [dreg:$0x0];
	s2 =	stileid.u32  }
0x3d6: {  	s1 =	rddreg [dreg:$0x1];
	p0 =	sne.s32 s2, $0x0  }
0x3d7: {  	s3 =	rddreg [dreg:$0x2];
	[bflag:$0x3] =	sbarrier.arrive $0xFFFF;
	s2 =	simm.s32 @!p0 $0x1C02  }
0x3d8: {  	[timem:s3], [sflag:s2] =	dma.local @!p0 [hbm:s0], s1  }
0x3d9: {  	s0 =	simm.s32 @!p0 $0x2  }
0x3da: {  	_ =	swait.ge @!p0 [sflag:s0], s1  }
0x3db: {  	s1 =	ssub.s32 @!p0 $0x0, s1;
	[sflag:s0] =	ssyncset.done @!p0 $0x0  }
0x3dc: {  	[sflag:s0] =	ssyncadd.s32 @!p0 s1  }
0x3dd: {  	[bflag:$0x3] =	sbarrier.arrive $0xFFFF  }
0x3de: {  	_ =	shalt  }

</sc_bundles>
